<compile_context>
chip_gen: v7x
topology: tpu7x:2x2x1
jax: 0.10.2.dev20260603
libtpu: 0.0.44.dev20260713+nightly
codegen_flags: <defaults>
</compile_context>

<pallas_src>
import functools
import jax
import jax.numpy as jnp
from jax import lax
from jax.experimental import pallas as pl
from jax.experimental.pallas import tpu as pltpu
from jax.experimental.pallas import tpu_sc as plsc

_H = 32
_NVALS = 12
_N = 256
_R = 8
_NSTRIP = _N // _R
_CHUNK = _R * _N
_HG = 16
_NG = _H // _HG


def _sc_body(dist_hbm, table_hbm, out_hbm, table_v, idx0_v, idx1_v,
             out_v, sem_in0, sem_in1, sem_out):
    nc = 2
    wid = lax.axis_index("s") * nc + lax.axis_index("c")
    pltpu.sync_copy(table_hbm, table_v)

    idx_bufs = (idx0_v, idx1_v)
    sem_ins = (sem_in0, sem_in1)

    pltpu.async_copy(dist_hbm.at[wid, pl.ds(0, _R), :], idx0_v, sem_in0)
    pltpu.async_copy(dist_hbm.at[wid, pl.ds(_R, _R), :], idx1_v, sem_in1)

    def pair_body(cc, _):
        for p in range(2):
            c = 2 * cc + p
            idx_v = idx_bufs[p]
            sem_in = sem_ins[p]

            pltpu.make_async_copy(
                dist_hbm.at[0, pl.ds(0, _R), :], idx_v, sem_in).wait()

            for g in range(_NG):
                @pl.when(c >= 1)
                def _drain():
                    pltpu.make_async_copy(
                        out_v.at[pl.ds(g * _HG, _HG)],
                        out_hbm.at[pl.ds(0, _HG), pl.ds(0, _R), :],
                        sem_out.at[g]).wait()

                ths = [table_v[pl.ds((g * _HG + hh) * 16, 16)]
                       for hh in range(_HG)]

                def gather_body(i, _):
                    r = i >> 4
                    cl = (i & 15) * 16
                    d = idx_v[r, pl.ds(cl, 16)]
                    k = jnp.minimum(jnp.maximum(d + 1, 0), _NVALS - 1)
                    for hh in range(_HG):
                        out_v[g * _HG + hh, r, pl.ds(cl, 16)] = (
                            ths[hh].at[k].get(mode="promise_in_bounds"))
                    return 0

                lax.fori_loop(0, _CHUNK // 16, gather_body, 0, unroll=2)

                pltpu.async_copy(
                    out_v.at[pl.ds(g * _HG, _HG)],
                    out_hbm.at[pl.ds(wid * _H + g * _HG, _HG),
                               pl.ds(c * _R, _R), :],
                    sem_out.at[g])

            nxt = jnp.minimum(c + 2, _NSTRIP - 1)
            pltpu.async_copy(
                dist_hbm.at[wid, pl.ds(nxt * _R, _R), :], idx_v, sem_in)
        return 0

    lax.fori_loop(0, _NSTRIP // 2, pair_body, 0)

    for g in range(_NG):
        pltpu.make_async_copy(
            out_v.at[pl.ds(g * _HG, _HG)],
            out_hbm.at[pl.ds(0, _HG), pl.ds(0, _R), :],
            sem_out.at[g]).wait()
    for p in range(2):
        pltpu.make_async_copy(
            dist_hbm.at[0, pl.ds(0, _R), :], idx_bufs[p], sem_ins[p]).wait()


def kernel(dist_matrix, bias_embedding):
    B, N, _ = dist_matrix.shape
    table_flat = jnp.pad(bias_embedding.T, ((0, 0), (0, 4))).reshape(_H * 16)

    mesh = plsc.VectorSubcoreMesh(core_axis_name="c", subcore_axis_name="s")
    k = functools.partial(
        pl.kernel,
        mesh=mesh,
        out_type=jax.ShapeDtypeStruct((B * _H, N, N), jnp.float32),
        scratch_types=[
            pltpu.VMEM((_H * 16,), jnp.float32),
            pltpu.VMEM((_R, _N), jnp.int32),
            pltpu.VMEM((_R, _N), jnp.int32),
            pltpu.VMEM((_H, _R, _N), jnp.float32),
            pltpu.SemaphoreType.DMA,
            pltpu.SemaphoreType.DMA,
            pltpu.SemaphoreType.DMA((_NG,)),
        ],
        compiler_params=pltpu.CompilerParams(
            needs_layout_passes=False, use_tc_tiling_on_sc=True),
    )(_sc_body)
    return k(dist_matrix, table_flat)

# --- scband reference (transcript-rebuilt; emitter-appended) ---
"""Pipeline reference for scband-graphormer-spatial-encoder-8435315769788 (READ-ONLY COPY).

The authoritative reference and input builder live on the scoring server;
editing this copy changes nothing except your own understanding.
"""

import jax, jax.numpy as jnp
import numpy as np

NUM_HEADS = 32
MAX_DIST = 10
B, N = 32, 256

def setup_inputs(seed: int = 0) -> dict:
    key = jax.random.key(seed)
    k1, k2 = jax.random.split(key)
    dist_matrix = jax.random.randint(k1, (B, N, N), 0, 12, dtype=jnp.int64 if jax.config.read('jax_enable_x64') else jnp.int32).astype(jnp.int32)
    bias_embedding = jax.random.normal(k2, (MAX_DIST + 2, NUM_HEADS), dtype=jnp.float32)
    return {"dist_matrix": dist_matrix, "bias_embedding": bias_embedding}

def reference(dist_matrix, bias_embedding):
    Bn, Nn, _ = dist_matrix.shape
    indices = dist_matrix + 1
    indices = jnp.clip(indices, 0, MAX_DIST + 1)
    bias = jnp.take(bias_embedding, indices, axis=0)  # [B, N, N, H]
    bias = jnp.transpose(bias, (0, 3, 1, 2))          # [B, H, N, N]
    bias = bias.reshape(Bn * NUM_HEADS, Nn, Nn)
    return bias

if __name__ == "__main__":
    import jax
    _d = setup_inputs()
    print(jax.jit(kernel)(*tuple(_d.values())))

</pallas_src>

<mosaic_0001>
#map = affine_map<(d0, d1) -> (0, 0, 0)>
#map1 = affine_map<(d0, d1) -> (0)>
module attributes {stable_mosaic.version = 14 : i64} {
  func.func @_sc_body(%arg0: i32, %arg1: i32, %arg2: memref<32x256x256xi32, #tpu.memory_space<hbm>>, %arg3: memref<512xf32, #tpu.memory_space<hbm>>, %arg4: memref<1024x256x256xf32, #tpu.memory_space<hbm>>, %arg5: memref<512xf32, #tpu.memory_space<vmem>>, %arg6: memref<8x256xi32, #tpu.memory_space<vmem>>, %arg7: memref<8x256xi32, #tpu.memory_space<vmem>>, %arg8: memref<32x8x256xf32, #tpu.memory_space<vmem>>, %arg9: memref<!tpu.dma_semaphore, #tpu.memory_space<semaphore_mem>>, %arg10: memref<!tpu.dma_semaphore, #tpu.memory_space<semaphore_mem>>, %arg11: memref<2x!tpu.dma_semaphore, #tpu.memory_space<semaphore_mem>>) attributes {dimension_semantics = [#tpu.dimension_semantics<core_parallel>, #tpu.dimension_semantics<subcore_parallel>], iteration_bounds = array<i64: 2, 16>, scalar_prefetch = 0 : i64, scratch_operands = 7 : i64, tpu.core_type = #tpu.core_type<sc_vector_subcore>, window_params = [{transform_indices = #map}, {transform_indices = #map1}, {transform_indices = #map}]} {
    %mul3A = arith.constant 2 : i32
    %mul3A_0 = arith.muli %arg1, %mul3A : i32
    %add3A = arith.addi %mul3A_0, %arg0 : i32
    "tpu.region"() ({
      %run_scoped3A = tpu.sem_alloc : memref<!tpu.dma_semaphore, #tpu.memory_space<semaphore_mem>>
      tpu.enqueue_dma source(%arg3 : memref<512xf32, #tpu.memory_space<hbm>>) target(%arg5 : memref<512xf32, #tpu.memory_space<vmem>>) target_semaphore(%run_scoped3A : memref<!tpu.dma_semaphore, #tpu.memory_space<semaphore_mem>>)
      tpu.wait_dma2 semaphore(%run_scoped3A : memref<!tpu.dma_semaphore, #tpu.memory_space<semaphore_mem>>) src(%arg3 : memref<512xf32, #tpu.memory_space<hbm>>) dst(%arg5 : memref<512xf32, #tpu.memory_space<vmem>>)
      tpu.yield
    }) : () -> ()
    %dma_start3A = arith.constant 0 : i32
    %dma_start3A_1 = arith.constant 0 : i32
    %dma_start3A_2 = tpu.memref_slice %arg2[%add3A, %dma_start3A, %dma_start3A_1] : memref<32x256x256xi32, #tpu.memory_space<hbm>> -> memref<1x8x256xi32, #tpu.memory_space<hbm>>
    %dma_start3A_3 = tpu.memref_squeeze %dma_start3A_2 : memref<1x8x256xi32, #tpu.memory_space<hbm>> -> memref<8x256xi32, #tpu.memory_space<hbm>>
    %dma_start3A_4 = arith.constant 0 : i32
    %dma_start3A_5 = arith.constant 0 : i32
    %dma_start3A_6 = tpu.memref_slice %arg2[%add3A, %dma_start3A_4, %dma_start3A_5] : memref<32x256x256xi32, #tpu.memory_space<hbm>> -> memref<1x8x256xi32, #tpu.memory_space<hbm>>
    %dma_start3A_7 = tpu.memref_squeeze %dma_start3A_6 : memref<1x8x256xi32, #tpu.memory_space<hbm>> -> memref<8x256xi32, #tpu.memory_space<hbm>>
    tpu.enqueue_dma source(%dma_start3A_7 : memref<8x256xi32, #tpu.memory_space<hbm>>) target(%arg6 : memref<8x256xi32, #tpu.memory_space<vmem>>) target_semaphore(%arg9 : memref<!tpu.dma_semaphore, #tpu.memory_space<semaphore_mem>>)
    %dma_start3A_8 = arith.constant 8 : i32
    %dma_start3A_9 = arith.constant 0 : i32
    %dma_start3A_10 = tpu.memref_slice %arg2[%add3A, %dma_start3A_8, %dma_start3A_9] : memref<32x256x256xi32, #tpu.memory_space<hbm>> -> memref<1x8x256xi32, #tpu.memory_space<hbm>>
    %dma_start3A_11 = tpu.memref_squeeze %dma_start3A_10 : memref<1x8x256xi32, #tpu.memory_space<hbm>> -> memref<8x256xi32, #tpu.memory_space<hbm>>
    %dma_start3A_12 = arith.constant 8 : i32
    %dma_start3A_13 = arith.constant 0 : i32
    %dma_start3A_14 = tpu.memref_slice %arg2[%add3A, %dma_start3A_12, %dma_start3A_13] : memref<32x256x256xi32, #tpu.memory_space<hbm>> -> memref<1x8x256xi32, #tpu.memory_space<hbm>>
    %dma_start3A_15 = tpu.memref_squeeze %dma_start3A_14 : memref<1x8x256xi32, #tpu.memory_space<hbm>> -> memref<8x256xi32, #tpu.memory_space<hbm>>
    tpu.enqueue_dma source(%dma_start3A_15 : memref<8x256xi32, #tpu.memory_space<hbm>>) target(%arg7 : memref<8x256xi32, #tpu.memory_space<vmem>>) target_semaphore(%arg10 : memref<!tpu.dma_semaphore, #tpu.memory_space<semaphore_mem>>)
    %scan3A = arith.constant 0 : i32
    %scan3A_16 = arith.constant 0 : i32
    %scan3A_17 = arith.constant 16 : i32
    %scan3A_18 = arith.addi %scan3A_16, %scan3A_17 : i32
    %scan3A_19 = arith.constant 1 : i32
    %scan3A_20 = scf.for %scan3A_77 = %scan3A_16 to %scan3A_18 step %scan3A_19 iter_args(%scan3A_78 = %scan3A) -> (i32)  : i32 {
      %mul3A_79 = arith.constant 2 : i32
      %mul3A_80 = arith.muli %mul3A_79, %scan3A_77 : i32
      %add3A_81 = arith.constant 0 : i32
      %add3A_82 = arith.addi %mul3A_80, %add3A_81 : i32
      %dma_wait3A_83 = arith.constant 0 : i32
      %dma_wait3A_84 = arith.constant 0 : i32
      %dma_wait3A_85 = arith.constant 0 : i32
      %dma_wait3A_86 = tpu.memref_slice %arg2[%dma_wait3A_83, %dma_wait3A_84, %dma_wait3A_85] : memref<32x256x256xi32, #tpu.memory_space<hbm>> -> memref<1x8x256xi32, #tpu.memory_space<hbm>>
      %dma_wait3A_87 = tpu.memref_squeeze %dma_wait3A_86 : memref<1x8x256xi32, #tpu.memory_space<hbm>> -> memref<8x256xi32, #tpu.memory_space<hbm>>
      %dma_wait3A_88 = arith.constant 0 : i32
      %dma_wait3A_89 = arith.constant 0 : i32
      %dma_wait3A_90 = tpu.memref_slice %arg2[%dma_wait3A_83, %dma_wait3A_88, %dma_wait3A_89] : memref<32x256x256xi32, #tpu.memory_space<hbm>> -> memref<1x8x256xi32, #tpu.memory_space<hbm>>
      %dma_wait3A_91 = tpu.memref_squeeze %dma_wait3A_90 : memref<1x8x256xi32, #tpu.memory_space<hbm>> -> memref<8x256xi32, #tpu.memory_space<hbm>>
      tpu.wait_dma2 semaphore(%arg9 : memref<!tpu.dma_semaphore, #tpu.memory_space<semaphore_mem>>) src(%dma_wait3A_91 : memref<8x256xi32, #tpu.memory_space<hbm>>) dst(%arg6 : memref<8x256xi32, #tpu.memory_space<vmem>>)
      %ge3A = arith.constant 1 : i32
      %ge3A_92 = arith.cmpi sge, %add3A_82, %ge3A : i32
      %convert_element_type3A = arith.extui %ge3A_92 : i1 to i32
      %cond3A = arith.constant 0 : i32
      %cond3A_93 = arith.cmpi ne, %convert_element_type3A, %cond3A : i32
      scf.if %cond3A_93 {
        %dma_wait3A_385 = arith.constant 0 : i32
        %dma_wait3A_386 = arith.constant 0 : i32
        %dma_wait3A_387 = arith.constant 0 : i32
        %dma_wait3A_388 = arith.constant 0 : i32
        %dma_wait3A_389 = tpu.memref_slice %arg8[%dma_wait3A_386, %dma_wait3A_387, %dma_wait3A_388] : memref<32x8x256xf32, #tpu.memory_space<vmem>> -> memref<16x8x256xf32, #tpu.memory_space<vmem>>
        %dma_wait3A_390 = arith.constant 0 : i32
        %dma_wait3A_391 = arith.constant 0 : i32
        %dma_wait3A_392 = arith.constant 0 : i32
        %dma_wait3A_393 = tpu.memref_slice %arg4[%dma_wait3A_390, %dma_wait3A_391, %dma_wait3A_392] : memref<1024x256x256xf32, #tpu.memory_space<hbm>> -> memref<16x8x256xf32, #tpu.memory_space<hbm>>
        %dma_wait3A_394 = tpu.memref_slice %arg11[%dma_wait3A_385] : memref<2x!tpu.dma_semaphore, #tpu.memory_space<semaphore_mem>> -> memref<1x!tpu.dma_semaphore, #tpu.memory_space<semaphore_mem>>
        %dma_wait3A_395 = tpu.memref_squeeze %dma_wait3A_394 : memref<1x!tpu.dma_semaphore, #tpu.memory_space<semaphore_mem>> -> memref<!tpu.dma_semaphore, #tpu.memory_space<semaphore_mem>>
        %dma_wait3A_396 = arith.constant 0 : i32
        %dma_wait3A_397 = arith.constant 0 : i32
        %dma_wait3A_398 = arith.constant 0 : i32
        %dma_wait3A_399 = tpu.memref_slice %arg4[%dma_wait3A_396, %dma_wait3A_397, %dma_wait3A_398] : memref<1024x256x256xf32, #tpu.memory_space<hbm>> -> memref<16x8x256xf32, #tpu.memory_space<hbm>>
        %dma_wait3A_400 = arith.constant 0 : i32
        %dma_wait3A_401 = arith.constant 0 : i32
        %dma_wait3A_402 = arith.constant 0 : i32
        %dma_wait3A_403 = tpu.memref_slice %arg8[%dma_wait3A_400, %dma_wait3A_401, %dma_wait3A_402] : memref<32x8x256xf32, #tpu.memory_space<vmem>> -> memref<16x8x256xf32, #tpu.memory_space<vmem>>
        tpu.wait_dma2 semaphore(%dma_wait3A_395 : memref<!tpu.dma_semaphore, #tpu.memory_space<semaphore_mem>>) src(%dma_wait3A_403 : memref<16x8x256xf32, #tpu.memory_space<vmem>>) dst(%dma_wait3A_399 : memref<16x8x256xf32, #tpu.memory_space<hbm>>)
      } else {
      }
      %get3A = arith.constant 0 : index
      %get3A_94 = tpu.vector_load %arg5[%get3A] {strides = array<i32>} : memref<512xf32, #tpu.memory_space<vmem>>, vector<16xf32>,
      %get3A_95 = arith.constant 16 : index
      %get3A_96 = tpu.vector_load %arg5[%get3A_95] {strides = array<i32>} : memref<512xf32, #tpu.memory_space<vmem>>, vector<16xf32>,
      %get3A_97 = arith.constant 32 : index
      %get3A_98 = tpu.vector_load %arg5[%get3A_97] {strides = array<i32>} : memref<512xf32, #tpu.memory_space<vmem>>, vector<16xf32>,
      %get3A_99 = arith.constant 48 : index
      %get3A_100 = tpu.vector_load %arg5[%get3A_99] {strides = array<i32>} : memref<512xf32, #tpu.memory_space<vmem>>, vector<16xf32>,
      %get3A_101 = arith.constant 64 : index
      %get3A_102 = tpu.vector_load %arg5[%get3A_101] {strides = array<i32>} : memref<512xf32, #tpu.memory_space<vmem>>, vector<16xf32>,
      %get3A_103 = arith.constant 80 : index
      %get3A_104 = tpu.vector_load %arg5[%get3A_103] {strides = array<i32>} : memref<512xf32, #tpu.memory_space<vmem>>, vector<16xf32>,
      %get3A_105 = arith.constant 96 : index
      %get3A_106 = tpu.vector_load %arg5[%get3A_105] {strides = array<i32>} : memref<512xf32, #tpu.memory_space<vmem>>, vector<16xf32>,
      %get3A_107 = arith.constant 112 : index
      %get3A_108 = tpu.vector_load %arg5[%get3A_107] {strides = array<i32>} : memref<512xf32, #tpu.memory_space<vmem>>, vector<16xf32>,
      %get3A_109 = arith.constant 128 : index
      %get3A_110 = tpu.vector_load %arg5[%get3A_109] {strides = array<i32>} : memref<512xf32, #tpu.memory_space<vmem>>, vector<16xf32>,
      %get3A_111 = arith.constant 144 : index
      %get3A_112 = tpu.vector_load %arg5[%get3A_111] {strides = array<i32>} : memref<512xf32, #tpu.memory_space<vmem>>, vector<16xf32>,
      %get3A_113 = arith.constant 160 : index
      %get3A_114 = tpu.vector_load %arg5[%get3A_113] {strides = array<i32>} : memref<512xf32, #tpu.memory_space<vmem>>, vector<16xf32>,
      %get3A_115 = arith.constant 176 : index
      %get3A_116 = tpu.vector_load %arg5[%get3A_115] {strides = array<i32>} : memref<512xf32, #tpu.memory_space<vmem>>, vector<16xf32>,
      %get3A_117 = arith.constant 192 : index
      %get3A_118 = tpu.vector_load %arg5[%get3A_117] {strides = array<i32>} : memref<512xf32, #tpu.memory_space<vmem>>, vector<16xf32>,
      %get3A_119 = arith.constant 208 : index
      %get3A_120 = tpu.vector_load %arg5[%get3A_119] {strides = array<i32>} : memref<512xf32, #tpu.memory_space<vmem>>, vector<16xf32>,
      %get3A_121 = arith.constant 224 : index
      %get3A_122 = tpu.vector_load %arg5[%get3A_121] {strides = array<i32>} : memref<512xf32, #tpu.memory_space<vmem>>, vector<16xf32>,
      %get3A_123 = arith.constant 240 : index
      %get3A_124 = tpu.vector_load %arg5[%get3A_123] {strides = array<i32>} : memref<512xf32, #tpu.memory_space<vmem>>, vector<16xf32>,
      %scan3A_125 = arith.constant 0 : i32
      %scan3A_126 = arith.constant 0 : i32
      %scan3A_127 = arith.constant 128 : i32
      %scan3A_128 = arith.addi %scan3A_126, %scan3A_127 : i32
      %scan3A_129 = arith.constant 2 : i32
      %scan3A_130 = scf.for %scan3A_385 = %scan3A_126 to %scan3A_128 step %scan3A_129 iter_args(%scan3A_386 = %scan3A_125) -> (i32)  : i32 {
        %shift_right_arithmetic3A = arith.constant 4 : i32
        %shift_right_arithmetic3A_387 = arith.shrsi %scan3A_385, %shift_right_arithmetic3A : i32
        %and3A = arith.constant 15 : i32
        %and3A_388 = arith.andi %scan3A_385, %and3A : i32
        %mul3A_389 = arith.constant 16 : i32
        %mul3A_390 = arith.muli %and3A_388, %mul3A_389 : i32
        %get3A_391 = arith.index_cast %shift_right_arithmetic3A_387 : i32 to index
        %get3A_392 = arith.index_cast %mul3A_390 : i32 to index
        %get3A_393 = tpu.vector_load %arg6[%get3A_391, %get3A_392] {strides = array<i32>} : memref<8x256xi32, #tpu.memory_space<vmem>>, vector<16xi32>,
        %add3A_394 = arith.constant 1 : i32
        %add3A_395 = vector.broadcast %add3A_394 : i32 to vector<16xi32>
        %add3A_396 = arith.addi %get3A_393, %add3A_395 : vector<16xi32>
        %max3A = arith.constant 0 : i32
        %max3A_397 = vector.broadcast %max3A : i32 to vector<16xi32>
        %max3A_398 = arith.maxsi %add3A_396, %max3A_397 : vector<16xi32>
        %min3A_399 = arith.constant 11 : i32
        %min3A_400 = vector.broadcast %min3A_399 : i32 to vector<16xi32>
        %min3A_401 = arith.minsi %max3A_398, %min3A_400 : vector<16xi32>
        %lt3A = arith.constant 0 : i32
        %lt3A_402 = vector.broadcast %lt3A : i32 to vector<16xi32>
        %lt3A_403 = arith.cmpi slt, %min3A_401, %lt3A_402 : vector<16xi32>
        %add3A_404 = arith.constant 16 : i32
        %add3A_405 = vector.broadcast %add3A_404 : i32 to vector<16xi32>
        %add3A_406 = arith.addi %min3A_401, %add3A_405 : vector<16xi32>
        %select_n3A = arith.select %lt3A_403, %add3A_406, %min3A_401 : vector<16xi1>, vector<16xi32>
        %broadcast_in_dim3A = vector.shape_cast %select_n3A : vector<16xi32> to vector<16x1xi32>
        %gather3A = vector.shape_cast %broadcast_in_dim3A : vector<16x1xi32> to vector<16xi32>
        %gather3A_407 = tpu.dynamic_gather %get3A_94[%gather3A] in [0] : vector<16xf32>, vector<16xi32> -> vector<16xf32>
        %swap3A = arith.constant 0 : i32
        %swap3A_408 = arith.index_cast %swap3A : i32 to index
        %swap3A_409 = arith.index_cast %shift_right_arithmetic3A_387 : i32 to index
        %swap3A_410 = arith.index_cast %mul3A_390 : i32 to index
        %swap3A_411 = tpu.vector_load %arg8[%swap3A_408, %swap3A_409, %swap3A_410] {strides = array<i32>} : memref<32x8x256xf32, #tpu.memory_space<vmem>>, vector<16xf32>,
        tpu.vector_store %arg8[%swap3A_408, %swap3A_409, %swap3A_410], %gather3A_407 {strides = array<i32>} : memref<32x8x256xf32, #tpu.memory_space<vmem>>, vector<16xf32>,
        %lt3A_412 = arith.constant 0 : i32
        %lt3A_413 = vector.broadcast %lt3A_412 : i32 to vector<16xi32>
        %lt3A_414 = arith.cmpi slt, %min3A_401, %lt3A_413 : vector<16xi32>
        %add3A_415 = arith.constant 16 : i32
        %add3A_416 = vector.broadcast %add3A_415 : i32 to vector<16xi32>
        %add3A_417 = arith.addi %min3A_401, %add3A_416 : vector<16xi32>
        %select_n3A_418 = arith.select %lt3A_414, %add3A_417, %min3A_401 : vector<16xi1>, vector<16xi32>
        %broadcast_in_dim3A_419 = vector.shape_cast %select_n3A_418 : vector<16xi32> to vector<16x1xi32>
        %gather3A_420 = vector.shape_cast %broadcast_in_dim3A_419 : vector<16x1xi32> to vector<16xi32>
        %gather3A_421 = tpu.dynamic_gather %get3A_96[%gather3A_420] in [0] : vector<16xf32>, vector<16xi32> -> vector<16xf32>
        %swap3A_422 = arith.constant 1 : i32
        %swap3A_423 = arith.index_cast %swap3A_422 : i32 to index
        %swap3A_424 = arith.index_cast %shift_right_arithmetic3A_387 : i32 to index
        %swap3A_425 = arith.index_cast %mul3A_390 : i32 to index
        %swap3A_426 = tpu.vector_load %arg8[%swap3A_423, %swap3A_424, %swap3A_425] {strides = array<i32>} : memref<32x8x256xf32, #tpu.memory_space<vmem>>, vector<16xf32>,
        tpu.vector_store %arg8[%swap3A_423, %swap3A_424, %swap3A_425], %gather3A_421 {strides = array<i32>} : memref<32x8x256xf32, #tpu.memory_space<vmem>>, vector<16xf32>,
        %lt3A_427 = arith.constant 0 : i32
        %lt3A_428 = vector.broadcast %lt3A_427 : i32 to vector<16xi32>
        %lt3A_429 = arith.cmpi slt, %min3A_401, %lt3A_428 : vector<16xi32>
        %add3A_430 = arith.constant 16 : i32
        %add3A_431 = vector.broadcast %add3A_430 : i32 to vector<16xi32>
        %add3A_432 = arith.addi %min3A_401, %add3A_431 : vector<16xi32>
        %select_n3A_433 = arith.select %lt3A_429, %add3A_432, %min3A_401 : vector<16xi1>, vector<16xi32>
        %broadcast_in_dim3A_434 = vector.shape_cast %select_n3A_433 : vector<16xi32> to vector<16x1xi32>
        %gather3A_435 = vector.shape_cast %broadcast_in_dim3A_434 : vector<16x1xi32> to vector<16xi32>
        %gather3A_436 = tpu.dynamic_gather %get3A_98[%gather3A_435] in [0] : vector<16xf32>, vector<16xi32> -> vector<16xf32>
        %swap3A_437 = arith.constant 2 : i32
        %swap3A_438 = arith.index_cast %swap3A_437 : i32 to index
        %swap3A_439 = arith.index_cast %shift_right_arithmetic3A_387 : i32 to index
        %swap3A_440 = arith.index_cast %mul3A_390 : i32 to index
        %swap3A_441 = tpu.vector_load %arg8[%swap3A_438, %swap3A_439, %swap3A_440] {strides = array<i32>} : memref<32x8x256xf32, #tpu.memory_space<vmem>>, vector<16xf32>,
        tpu.vector_store %arg8[%swap3A_438, %swap3A_439, %swap3A_440], %gather3A_436 {strides = array<i32>} : memref<32x8x256xf32, #tpu.memory_space<vmem>>, vector<16xf32>,
        %lt3A_442 = arith.constant 0 : i32
        %lt3A_443 = vector.broadcast %lt3A_442 : i32 to vector<16xi32>
        %lt3A_444 = arith.cmpi slt, %min3A_401, %lt3A_443 : vector<16xi32>
        %add3A_445 = arith.constant 16 : i32
        %add3A_446 = vector.broadcast %add3A_445 : i32 to vector<16xi32>
        %add3A_447 = arith.addi %min3A_401, %add3A_446 : vector<16xi32>
        %select_n3A_448 = arith.select %lt3A_444, %add3A_447, %min3A_401 : vector<16xi1>, vector<16xi32>
        %broadcast_in_dim3A_449 = vector.shape_cast %select_n3A_448 : vector<16xi32> to vector<16x1xi32>
        %gather3A_450 = vector.shape_cast %broadcast_in_dim3A_449 : vector<16x1xi32> to vector<16xi32>
        %gather3A_451 = tpu.dynamic_gather %get3A_100[%gather3A_450] in [0] : vector<16xf32>, vector<16xi32> -> vector<16xf32>
        %swap3A_452 = arith.constant 3 : i32
        %swap3A_453 = arith.index_cast %swap3A_452 : i32 to index
        %swap3A_454 = arith.index_cast %shift_right_arithmetic3A_387 : i32 to index
        %swap3A_455 = arith.index_cast %mul3A_390 : i32 to index
        %swap3A_456 = tpu.vector_load %arg8[%swap3A_453, %swap3A_454, %swap3A_455] {strides = array<i32>} : memref<32x8x256xf32, #tpu.memory_space<vmem>>, vector<16xf32>,
        tpu.vector_store %arg8[%swap3A_453, %swap3A_454, %swap3A_455], %gather3A_451 {strides = array<i32>} : memref<32x8x256xf32, #tpu.memory_space<vmem>>, vector<16xf32>,
        %lt3A_457 = arith.constant 0 : i32
        %lt3A_458 = vector.broadcast %lt3A_457 : i32 to vector<16xi32>
        %lt3A_459 = arith.cmpi slt, %min3A_401, %lt3A_458 : vector<16xi32>
        %add3A_460 = arith.constant 16 : i32
        %add3A_461 = vector.broadcast %add3A_460 : i32 to vector<16xi32>
        %add3A_462 = arith.addi %min3A_401, %add3A_461 : vector<16xi32>
        %select_n3A_463 = arith.select %lt3A_459, %add3A_462, %min3A_401 : vector<16xi1>, vector<16xi32>
        %broadcast_in_dim3A_464 = vector.shape_cast %select_n3A_463 : vector<16xi32> to vector<16x1xi32>
        %gather3A_465 = vector.shape_cast %broadcast_in_dim3A_464 : vector<16x1xi32> to vector<16xi32>
        %gather3A_466 = tpu.dynamic_gather %get3A_102[%gather3A_465] in [0] : vector<16xf32>, vector<16xi32> -> vector<16xf32>
        %swap3A_467 = arith.constant 4 : i32
        %swap3A_468 = arith.index_cast %swap3A_467 : i32 to index
        %swap3A_469 = arith.index_cast %shift_right_arithmetic3A_387 : i32 to index
        %swap3A_470 = arith.index_cast %mul3A_390 : i32 to index
        %swap3A_471 = tpu.vector_load %arg8[%swap3A_468, %swap3A_469, %swap3A_470] {strides = array<i32>} : memref<32x8x256xf32, #tpu.memory_space<vmem>>, vector<16xf32>,
        tpu.vector_store %arg8[%swap3A_468, %swap3A_469, %swap3A_470], %gather3A_466 {strides = array<i32>} : memref<32x8x256xf32, #tpu.memory_space<vmem>>, vector<16xf32>,
        %lt3A_472 = arith.constant 0 : i32
        %lt3A_473 = vector.broadcast %lt3A_472 : i32 to vector<16xi32>
        %lt3A_474 = arith.cmpi slt, %min3A_401, %lt3A_473 : vector<16xi32>
        %add3A_475 = arith.constant 16 : i32
        %add3A_476 = vector.broadcast %add3A_475 : i32 to vector<16xi32>
        %add3A_477 = arith.addi %min3A_401, %add3A_476 : vector<16xi32>
        %select_n3A_478 = arith.select %lt3A_474, %add3A_477, %min3A_401 : vector<16xi1>, vector<16xi32>
        %broadcast_in_dim3A_479 = vector.shape_cast %select_n3A_478 : vector<16xi32> to vector<16x1xi32>
        %gather3A_480 = vector.shape_cast %broadcast_in_dim3A_479 : vector<16x1xi32> to vector<16xi32>
        %gather3A_481 = tpu.dynamic_gather %get3A_104[%gather3A_480] in [0] : vector<16xf32>, vector<16xi32> -> vector<16xf32>
        %swap3A_482 = arith.constant 5 : i32
        %swap3A_483 = arith.index_cast %swap3A_482 : i32 to index
        %swap3A_484 = arith.index_cast %shift_right_arithmetic3A_387 : i32 to index
        %swap3A_485 = arith.index_cast %mul3A_390 : i32 to index
        %swap3A_486 = tpu.vector_load %arg8[%swap3A_483, %swap3A_484, %swap3A_485] {strides = array<i32>} : memref<32x8x256xf32, #tpu.memory_space<vmem>>, vector<16xf32>,
        tpu.vector_store %arg8[%swap3A_483, %swap3A_484, %swap3A_485], %gather3A_481 {strides = array<i32>} : memref<32x8x256xf32, #tpu.memory_space<vmem>>, vector<16xf32>,
        %lt3A_487 = arith.constant 0 : i32
        %lt3A_488 = vector.broadcast %lt3A_487 : i32 to vector<16xi32>
        %lt3A_489 = arith.cmpi slt, %min3A_401, %lt3A_488 : vector<16xi32>
        %add3A_490 = arith.constant 16 : i32
        %add3A_491 = vector.broadcast %add3A_490 : i32 to vector<16xi32>
        %add3A_492 = arith.addi %min3A_401, %add3A_491 : vector<16xi32>
        %select_n3A_493 = arith.select %lt3A_489, %add3A_492, %min3A_401 : vector<16xi1>, vector<16xi32>
        %broadcast_in_dim3A_494 = vector.shape_cast %select_n3A_493 : vector<16xi32> to vector<16x1xi32>
        %gather3A_495 = vector.shape_cast %broadcast_in_dim3A_494 : vector<16x1xi32> to vector<16xi32>
        %gather3A_496 = tpu.dynamic_gather %get3A_106[%gather3A_495] in [0] : vector<16xf32>, vector<16xi32> -> vector<16xf32>
        %swap3A_497 = arith.constant 6 : i32
        %swap3A_498 = arith.index_cast %swap3A_497 : i32 to index
        %swap3A_499 = arith.index_cast %shift_right_arithmetic3A_387 : i32 to index
        %swap3A_500 = arith.index_cast %mul3A_390 : i32 to index
        %swap3A_501 = tpu.vector_load %arg8[%swap3A_498, %swap3A_499, %swap3A_500] {strides = array<i32>} : memref<32x8x256xf32, #tpu.memory_space<vmem>>, vector<16xf32>,
        tpu.vector_store %arg8[%swap3A_498, %swap3A_499, %swap3A_500], %gather3A_496 {strides = array<i32>} : memref<32x8x256xf32, #tpu.memory_space<vmem>>, vector<16xf32>,
        %lt3A_502 = arith.constant 0 : i32
        %lt3A_503 = vector.broadcast %lt3A_502 : i32 to vector<16xi32>
        %lt3A_504 = arith.cmpi slt, %min3A_401, %lt3A_503 : vector<16xi32>
        %add3A_505 = arith.constant 16 : i32
        %add3A_506 = vector.broadcast %add3A_505 : i32 to vector<16xi32>
        %add3A_507 = arith.addi %min3A_401, %add3A_506 : vector<16xi32>
        %select_n3A_508 = arith.select %lt3A_504, %add3A_507, %min3A_401 : vector<16xi1>, vector<16xi32>
        %broadcast_in_dim3A_509 = vector.shape_cast %select_n3A_508 : vector<16xi32> to vector<16x1xi32>
        %gather3A_510 = vector.shape_cast %broadcast_in_dim3A_509 : vector<16x1xi32> to vector<16xi32>
        %gather3A_511 = tpu.dynamic_gather %get3A_108[%gather3A_510] in [0] : vector<16xf32>, vector<16xi32> -> vector<16xf32>
        %swap3A_512 = arith.constant 7 : i32
        %swap3A_513 = arith.index_cast %swap3A_512 : i32 to index
        %swap3A_514 = arith.index_cast %shift_right_arithmetic3A_387 : i32 to index
        %swap3A_515 = arith.index_cast %mul3A_390 : i32 to index
        %swap3A_516 = tpu.vector_load %arg8[%swap3A_513, %swap3A_514, %swap3A_515] {strides = array<i32>} : memref<32x8x256xf32, #tpu.memory_space<vmem>>, vector<16xf32>,
        tpu.vector_store %arg8[%swap3A_513, %swap3A_514, %swap3A_515], %gather3A_511 {strides = array<i32>} : memref<32x8x256xf32, #tpu.memory_space<vmem>>, vector<16xf32>,
        %lt3A_517 = arith.constant 0 : i32
        %lt3A_518 = vector.broadcast %lt3A_517 : i32 to vector<16xi32>
        %lt3A_519 = arith.cmpi slt, %min3A_401, %lt3A_518 : vector<16xi32>
        %add3A_520 = arith.constant 16 : i32
        %add3A_521 = vector.broadcast %add3A_520 : i32 to vector<16xi32>
        %add3A_522 = arith.addi %min3A_401, %add3A_521 : vector<16xi32>
        %select_n3A_523 = arith.select %lt3A_519, %add3A_522, %min3A_401 : vector<16xi1>, vector<16xi32>
        %broadcast_in_dim3A_524 = vector.shape_cast %select_n3A_523 : vector<16xi32> to vector<16x1xi32>
        %gather3A_525 = vector.shape_cast %broadcast_in_dim3A_524 : vector<16x1xi32> to vector<16xi32>
        %gather3A_526 = tpu.dynamic_gather %get3A_110[%gather3A_525] in [0] : vector<16xf32>, vector<16xi32> -> vector<16xf32>
        %swap3A_527 = arith.constant 8 : i32
        %swap3A_528 = arith.index_cast %swap3A_527 : i32 to index
        %swap3A_529 = arith.index_cast %shift_right_arithmetic3A_387 : i32 to index
        %swap3A_530 = arith.index_cast %mul3A_390 : i32 to index
        %swap3A_531 = tpu.vector_load %arg8[%swap3A_528, %swap3A_529, %swap3A_530] {strides = array<i32>} : memref<32x8x256xf32, #tpu.memory_space<vmem>>, vector<16xf32>,
        tpu.vector_store %arg8[%swap3A_528, %swap3A_529, %swap3A_530], %gather3A_526 {strides = array<i32>} : memref<32x8x256xf32, #tpu.memory_space<vmem>>, vector<16xf32>,
        %lt3A_532 = arith.constant 0 : i32
        %lt3A_533 = vector.broadcast %lt3A_532 : i32 to vector<16xi32>
        %lt3A_534 = arith.cmpi slt, %min3A_401, %lt3A_533 : vector<16xi32>
        %add3A_535 = arith.constant 16 : i32
        %add3A_536 = vector.broadcast %add3A_535 : i32 to vector<16xi32>
        %add3A_537 = arith.addi %min3A_401, %add3A_536 : vector<16xi32>
        %select_n3A_538 = arith.select %lt3A_534, %add3A_537, %min3A_401 : vector<16xi1>, vector<16xi32>
        %broadcast_in_dim3A_539 = vector.shape_cast %select_n3A_538 : vector<16xi32> to vector<16x1xi32>
        %gather3A_540 = vector.shape_cast %broadcast_in_dim3A_539 : vector<16x1xi32> to vector<16xi32>
        %gather3A_541 = tpu.dynamic_gather %get3A_112[%gather3A_540] in [0] : vector<16xf32>, vector<16xi32> -> vector<16xf32>
        %swap3A_542 = arith.constant 9 : i32
        %swap3A_543 = arith.index_cast %swap3A_542 : i32 to index
        %swap3A_544 = arith.index_cast %shift_right_arithmetic3A_387 : i32 to index
        %swap3A_545 = arith.index_cast %mul3A_390 : i32 to index
        %swap3A_546 = tpu.vector_load %arg8[%swap3A_543, %swap3A_544, %swap3A_545] {strides = array<i32>} : memref<32x8x256xf32, #tpu.memory_space<vmem>>, vector<16xf32>,
        tpu.vector_store %arg8[%swap3A_543, %swap3A_544, %swap3A_545], %gather3A_541 {strides = array<i32>} : memref<32x8x256xf32, #tpu.memory_space<vmem>>, vector<16xf32>,
        %lt3A_547 = arith.constant 0 : i32
        %lt3A_548 = vector.broadcast %lt3A_547 : i32 to vector<16xi32>
        %lt3A_549 = arith.cmpi slt, %min3A_401, %lt3A_548 : vector<16xi32>
        %add3A_550 = arith.constant 16 : i32
        %add3A_551 = vector.broadcast %add3A_550 : i32 to vector<16xi32>
        %add3A_552 = arith.addi %min3A_401, %add3A_551 : vector<16xi32>
        %select_n3A_553 = arith.select %lt3A_549, %add3A_552, %min3A_401 : vector<16xi1>, vector<16xi32>
        %broadcast_in_dim3A_554 = vector.shape_cast %select_n3A_553 : vector<16xi32> to vector<16x1xi32>
        %gather3A_555 = vector.shape_cast %broadcast_in_dim3A_554 : vector<16x1xi32> to vector<16xi32>
        %gather3A_556 = tpu.dynamic_gather %get3A_114[%gather3A_555] in [0] : vector<16xf32>, vector<16xi32> -> vector<16xf32>
        %swap3A_557 = arith.constant 10 : i32
        %swap3A_558 = arith.index_cast %swap3A_557 : i32 to index
        %swap3A_559 = arith.index_cast %shift_right_arithmetic3A_387 : i32 to index
        %swap3A_560 = arith.index_cast %mul3A_390 : i32 to index
        %swap3A_561 = tpu.vector_load %arg8[%swap3A_558, %swap3A_559, %swap3A_560] {strides = array<i32>} : memref<32x8x256xf32, #tpu.memory_space<vmem>>, vector<16xf32>,
        tpu.vector_store %arg8[%swap3A_558, %swap3A_559, %swap3A_560], %gather3A_556 {strides = array<i32>} : memref<32x8x256xf32, #tpu.memory_space<vmem>>, vector<16xf32>,
        %lt3A_562 = arith.constant 0 : i32
        %lt3A_563 = vector.broadcast %lt3A_562 : i32 to vector<16xi32>
        %lt3A_564 = arith.cmpi slt, %min3A_401, %lt3A_563 : vector<16xi32>
        %add3A_565 = arith.constant 16 : i32
        %add3A_566 = vector.broadcast %add3A_565 : i32 to vector<16xi32>
        %add3A_567 = arith.addi %min3A_401, %add3A_566 : vector<16xi32>
        %select_n3A_568 = arith.select %lt3A_564, %add3A_567, %min3A_401 : vector<16xi1>, vector<16xi32>
        %broadcast_in_dim3A_569 = vector.shape_cast %select_n3A_568 : vector<16xi32> to vector<16x1xi32>
        %gather3A_570 = vector.shape_cast %broadcast_in_dim3A_569 : vector<16x1xi32> to vector<16xi32>
        %gather3A_571 = tpu.dynamic_gather %get3A_116[%gather3A_570] in [0] : vector<16xf32>, vector<16xi32> -> vector<16xf32>
        %swap3A_572 = arith.constant 11 : i32
        %swap3A_573 = arith.index_cast %swap3A_572 : i32 to index
        %swap3A_574 = arith.index_cast %shift_right_arithmetic3A_387 : i32 to index
        %swap3A_575 = arith.index_cast %mul3A_390 : i32 to index
        %swap3A_576 = tpu.vector_load %arg8[%swap3A_573, %swap3A_574, %swap3A_575] {strides = array<i32>} : memref<32x8x256xf32, #tpu.memory_space<vmem>>, vector<16xf32>,
        tpu.vector_store %arg8[%swap3A_573, %swap3A_574, %swap3A_575], %gather3A_571 {strides = array<i32>} : memref<32x8x256xf32, #tpu.memory_space<vmem>>, vector<16xf32>,
        %lt3A_577 = arith.constant 0 : i32
        %lt3A_578 = vector.broadcast %lt3A_577 : i32 to vector<16xi32>
        %lt3A_579 = arith.cmpi slt, %min3A_401, %lt3A_578 : vector<16xi32>
        %add3A_580 = arith.constant 16 : i32
        %add3A_581 = vector.broadcast %add3A_580 : i32 to vector<16xi32>
        %add3A_582 = arith.addi %min3A_401, %add3A_581 : vector<16xi32>
        %select_n3A_583 = arith.select %lt3A_579, %add3A_582, %min3A_401 : vector<16xi1>, vector<16xi32>
        %broadcast_in_dim3A_584 = vector.shape_cast %select_n3A_583 : vector<16xi32> to vector<16x1xi32>
        %gather3A_585 = vector.shape_cast %broadcast_in_dim3A_584 : vector<16x1xi32> to vector<16xi32>
        %gather3A_586 = tpu.dynamic_gather %get3A_118[%gather3A_585] in [0] : vector<16xf32>, vector<16xi32> -> vector<16xf32>
        %swap3A_587 = arith.constant 12 : i32
        %swap3A_588 = arith.index_cast %swap3A_587 : i32 to index
        %swap3A_589 = arith.index_cast %shift_right_arithmetic3A_387 : i32 to index
        %swap3A_590 = arith.index_cast %mul3A_390 : i32 to index
        %swap3A_591 = tpu.vector_load %arg8[%swap3A_588, %swap3A_589, %swap3A_590] {strides = array<i32>} : memref<32x8x256xf32, #tpu.memory_space<vmem>>, vector<16xf32>,
        tpu.vector_store %arg8[%swap3A_588, %swap3A_589, %swap3A_590], %gather3A_586 {strides = array<i32>} : memref<32x8x256xf32, #tpu.memory_space<vmem>>, vector<16xf32>,
        %lt3A_592 = arith.constant 0 : i32
        %lt3A_593 = vector.broadcast %lt3A_592 : i32 to vector<16xi32>
        %lt3A_594 = arith.cmpi slt, %min3A_401, %lt3A_593 : vector<16xi32>
        %add3A_595 = arith.constant 16 : i32
        %add3A_596 = vector.broadcast %add3A_595 : i32 to vector<16xi32>
        %add3A_597 = arith.addi %min3A_401, %add3A_596 : vector<16xi32>
        %select_n3A_598 = arith.select %lt3A_594, %add3A_597, %min3A_401 : vector<16xi1>, vector<16xi32>
        %broadcast_in_dim3A_599 = vector.shape_cast %select_n3A_598 : vector<16xi32> to vector<16x1xi32>
        %gather3A_600 = vector.shape_cast %broadcast_in_dim3A_599 : vector<16x1xi32> to vector<16xi32>
        %gather3A_601 = tpu.dynamic_gather %get3A_120[%gather3A_600] in [0] : vector<16xf32>, vector<16xi32> -> vector<16xf32>
        %swap3A_602 = arith.constant 13 : i32
        %swap3A_603 = arith.index_cast %swap3A_602 : i32 to index
        %swap3A_604 = arith.index_cast %shift_right_arithmetic3A_387 : i32 to index
        %swap3A_605 = arith.index_cast %mul3A_390 : i32 to index
        %swap3A_606 = tpu.vector_load %arg8[%swap3A_603, %swap3A_604, %swap3A_605] {strides = array<i32>} : memref<32x8x256xf32, #tpu.memory_space<vmem>>, vector<16xf32>,
        tpu.vector_store %arg8[%swap3A_603, %swap3A_604, %swap3A_605], %gather3A_601 {strides = array<i32>} : memref<32x8x256xf32, #tpu.memory_space<vmem>>, vector<16xf32>,
        %lt3A_607 = arith.constant 0 : i32
        %lt3A_608 = vector.broadcast %lt3A_607 : i32 to vector<16xi32>
        %lt3A_609 = arith.cmpi slt, %min3A_401, %lt3A_608 : vector<16xi32>
        %add3A_610 = arith.constant 16 : i32
        %add3A_611 = vector.broadcast %add3A_610 : i32 to vector<16xi32>
        %add3A_612 = arith.addi %min3A_401, %add3A_611 : vector<16xi32>
        %select_n3A_613 = arith.select %lt3A_609, %add3A_612, %min3A_401 : vector<16xi1>, vector<16xi32>
        %broadcast_in_dim3A_614 = vector.shape_cast %select_n3A_613 : vector<16xi32> to vector<16x1xi32>
        %gather3A_615 = vector.shape_cast %broadcast_in_dim3A_614 : vector<16x1xi32> to vector<16xi32>
        %gather3A_616 = tpu.dynamic_gather %get3A_122[%gather3A_615] in [0] : vector<16xf32>, vector<16xi32> -> vector<16xf32>
        %swap3A_617 = arith.constant 14 : i32
        %swap3A_618 = arith.index_cast %swap3A_617 : i32 to index
        %swap3A_619 = arith.index_cast %shift_right_arithmetic3A_387 : i32 to index
        %swap3A_620 = arith.index_cast %mul3A_390 : i32 to index
        %swap3A_621 = tpu.vector_load %arg8[%swap3A_618, %swap3A_619, %swap3A_620] {strides = array<i32>} : memref<32x8x256xf32, #tpu.memory_space<vmem>>, vector<16xf32>,
        tpu.vector_store %arg8[%swap3A_618, %swap3A_619, %swap3A_620], %gather3A_616 {strides = array<i32>} : memref<32x8x256xf32, #tpu.memory_space<vmem>>, vector<16xf32>,
        %lt3A_622 = arith.constant 0 : i32
        %lt3A_623 = vector.broadcast %lt3A_622 : i32 to vector<16xi32>
        %lt3A_624 = arith.cmpi slt, %min3A_401, %lt3A_623 : vector<16xi32>
        %add3A_625 = arith.constant 16 : i32
        %add3A_626 = vector.broadcast %add3A_625 : i32 to vector<16xi32>
        %add3A_627 = arith.addi %min3A_401, %add3A_626 : vector<16xi32>
        %select_n3A_628 = arith.select %lt3A_624, %add3A_627, %min3A_401 : vector<16xi1>, vector<16xi32>
        %broadcast_in_dim3A_629 = vector.shape_cast %select_n3A_628 : vector<16xi32> to vector<16x1xi32>
        %gather3A_630 = vector.shape_cast %broadcast_in_dim3A_629 : vector<16x1xi32> to vector<16xi32>
        %gather3A_631 = tpu.dynamic_gather %get3A_124[%gather3A_630] in [0] : vector<16xf32>, vector<16xi32> -> vector<16xf32>
        %swap3A_632 = arith.constant 15 : i32
        %swap3A_633 = arith.index_cast %swap3A_632 : i32 to index
        %swap3A_634 = arith.index_cast %shift_right_arithmetic3A_387 : i32 to index
        %swap3A_635 = arith.index_cast %mul3A_390 : i32 to index
        %swap3A_636 = tpu.vector_load %arg8[%swap3A_633, %swap3A_634, %swap3A_635] {strides = array<i32>} : memref<32x8x256xf32, #tpu.memory_space<vmem>>, vector<16xf32>,
        tpu.vector_store %arg8[%swap3A_633, %swap3A_634, %swap3A_635], %gather3A_631 {strides = array<i32>} : memref<32x8x256xf32, #tpu.memory_space<vmem>>, vector<16xf32>,
        %scan3A_637 = arith.constant 0 : i32
        %scan3A_638 = arith.constant 1 : i32
        %scan3A_639 = arith.addi %scan3A_385, %scan3A_638 : i32
        %shift_right_arithmetic3A_640 = arith.constant 4 : i32
        %shift_right_arithmetic3A_641 = arith.shrsi %scan3A_639, %shift_right_arithmetic3A_640 : i32
        %and3A_642 = arith.constant 15 : i32
        %and3A_643 = arith.andi %scan3A_639, %and3A_642 : i32
        %mul3A_644 = arith.constant 16 : i32
        %mul3A_645 = arith.muli %and3A_643, %mul3A_644 : i32
        %get3A_646 = arith.index_cast %shift_right_arithmetic3A_641 : i32 to index
        %get3A_647 = arith.index_cast %mul3A_645 : i32 to index
        %get3A_648 = tpu.vector_load %arg6[%get3A_646, %get3A_647] {strides = array<i32>} : memref<8x256xi32, #tpu.memory_space<vmem>>, vector<16xi32>,
        %add3A_649 = arith.constant 1 : i32
        %add3A_650 = vector.broadcast %add3A_649 : i32 to vector<16xi32>
        %add3A_651 = arith.addi %get3A_648, %add3A_650 : vector<16xi32>
        %max3A_652 = arith.constant 0 : i32
        %max3A_653 = vector.broadcast %max3A_652 : i32 to vector<16xi32>
        %max3A_654 = arith.maxsi %add3A_651, %max3A_653 : vector<16xi32>
        %min3A_655 = arith.constant 11 : i32
        %min3A_656 = vector.broadcast %min3A_655 : i32 to vector<16xi32>
        %min3A_657 = arith.minsi %max3A_654, %min3A_656 : vector<16xi32>
        %lt3A_658 = arith.constant 0 : i32
        %lt3A_659 = vector.broadcast %lt3A_658 : i32 to vector<16xi32>
        %lt3A_660 = arith.cmpi slt, %min3A_657, %lt3A_659 : vector<16xi32>
        %add3A_661 = arith.constant 16 : i32
        %add3A_662 = vector.broadcast %add3A_661 : i32 to vector<16xi32>
        %add3A_663 = arith.addi %min3A_657, %add3A_662 : vector<16xi32>
        %select_n3A_664 = arith.select %lt3A_660, %add3A_663, %min3A_657 : vector<16xi1>, vector<16xi32>
        %broadcast_in_dim3A_665 = vector.shape_cast %select_n3A_664 : vector<16xi32> to vector<16x1xi32>
        %gather3A_666 = vector.shape_cast %broadcast_in_dim3A_665 : vector<16x1xi32> to vector<16xi32>
        %gather3A_667 = tpu.dynamic_gather %get3A_94[%gather3A_666] in [0] : vector<16xf32>, vector<16xi32> -> vector<16xf32>
        %swap3A_668 = arith.constant 0 : i32
        %swap3A_669 = arith.index_cast %swap3A_668 : i32 to index
        %swap3A_670 = arith.index_cast %shift_right_arithmetic3A_641 : i32 to index
        %swap3A_671 = arith.index_cast %mul3A_645 : i32 to index
        %swap3A_672 = tpu.vector_load %arg8[%swap3A_669, %swap3A_670, %swap3A_671] {strides = array<i32>} : memref<32x8x256xf32, #tpu.memory_space<vmem>>, vector<16xf32>,
        tpu.vector_store %arg8[%swap3A_669, %swap3A_670, %swap3A_671], %gather3A_667 {strides = array<i32>} : memref<32x8x256xf32, #tpu.memory_space<vmem>>, vector<16xf32>,
        %lt3A_673 = arith.constant 0 : i32
        %lt3A_674 = vector.broadcast %lt3A_673 : i32 to vector<16xi32>
        %lt3A_675 = arith.cmpi slt, %min3A_657, %lt3A_674 : vector<16xi32>
        %add3A_676 = arith.constant 16 : i32
        %add3A_677 = vector.broadcast %add3A_676 : i32 to vector<16xi32>
        %add3A_678 = arith.addi %min3A_657, %add3A_677 : vector<16xi32>
        %select_n3A_679 = arith.select %lt3A_675, %add3A_678, %min3A_657 : vector<16xi1>, vector<16xi32>
        %broadcast_in_dim3A_680 = vector.shape_cast %select_n3A_679 : vector<16xi32> to vector<16x1xi32>
        %gather3A_681 = vector.shape_cast %broadcast_in_dim3A_680 : vector<16x1xi32> to vector<16xi32>
        %gather3A_682 = tpu.dynamic_gather %get3A_96[%gather3A_681] in [0] : vector<16xf32>, vector<16xi32> -> vector<16xf32>
        %swap3A_683 = arith.constant 1 : i32
        %swap3A_684 = arith.index_cast %swap3A_683 : i32 to index
        %swap3A_685 = arith.index_cast %shift_right_arithmetic3A_641 : i32 to index
        %swap3A_686 = arith.index_cast %mul3A_645 : i32 to index
        %swap3A_687 = tpu.vector_load %arg8[%swap3A_684, %swap3A_685, %swap3A_686] {strides = array<i32>} : memref<32x8x256xf32, #tpu.memory_space<vmem>>, vector<16xf32>,
        tpu.vector_store %arg8[%swap3A_684, %swap3A_685, %swap3A_686], %gather3A_682 {strides = array<i32>} : memref<32x8x256xf32, #tpu.memory_space<vmem>>, vector<16xf32>,
        %lt3A_688 = arith.constant 0 : i32
        %lt3A_689 = vector.broadcast %lt3A_688 : i32 to vector<16xi32>
        %lt3A_690 = arith.cmpi slt, %min3A_657, %lt3A_689 : vector<16xi32>
        %add3A_691 = arith.constant 16 : i32
        %add3A_692 = vector.broadcast %add3A_691 : i32 to vector<16xi32>
        %add3A_693 = arith.addi %min3A_657, %add3A_692 : vector<16xi32>
        %select_n3A_694 = arith.select %lt3A_690, %add3A_693, %min3A_657 : vector<16xi1>, vector<16xi32>
        %broadcast_in_dim3A_695 = vector.shape_cast %select_n3A_694 : vector<16xi32> to vector<16x1xi32>
        %gather3A_696 = vector.shape_cast %broadcast_in_dim3A_695 : vector<16x1xi32> to vector<16xi32>
        %gather3A_697 = tpu.dynamic_gather %get3A_98[%gather3A_696] in [0] : vector<16xf32>, vector<16xi32> -> vector<16xf32>
        %swap3A_698 = arith.constant 2 : i32
        %swap3A_699 = arith.index_cast %swap3A_698 : i32 to index
        %swap3A_700 = arith.index_cast %shift_right_arithmetic3A_641 : i32 to index
        %swap3A_701 = arith.index_cast %mul3A_645 : i32 to index
        %swap3A_702 = tpu.vector_load %arg8[%swap3A_699, %swap3A_700, %swap3A_701] {strides = array<i32>} : memref<32x8x256xf32, #tpu.memory_space<vmem>>, vector<16xf32>,
        tpu.vector_store %arg8[%swap3A_699, %swap3A_700, %swap3A_701], %gather3A_697 {strides = array<i32>} : memref<32x8x256xf32, #tpu.memory_space<vmem>>, vector<16xf32>,
        %lt3A_703 = arith.constant 0 : i32
        %lt3A_704 = vector.broadcast %lt3A_703 : i32 to vector<16xi32>
        %lt3A_705 = arith.cmpi slt, %min3A_657, %lt3A_704 : vector<16xi32>
        %add3A_706 = arith.constant 16 : i32
        %add3A_707 = vector.broadcast %add3A_706 : i32 to vector<16xi32>
        %add3A_708 = arith.addi %min3A_657, %add3A_707 : vector<16xi32>
        %select_n3A_709 = arith.select %lt3A_705, %add3A_708, %min3A_657 : vector<16xi1>, vector<16xi32>
        %broadcast_in_dim3A_710 = vector.shape_cast %select_n3A_709 : vector<16xi32> to vector<16x1xi32>
        %gather3A_711 = vector.shape_cast %broadcast_in_dim3A_710 : vector<16x1xi32> to vector<16xi32>
        %gather3A_712 = tpu.dynamic_gather %get3A_100[%gather3A_711] in [0] : vector<16xf32>, vector<16xi32> -> vector<16xf32>
        %swap3A_713 = arith.constant 3 : i32
        %swap3A_714 = arith.index_cast %swap3A_713 : i32 to index
        %swap3A_715 = arith.index_cast %shift_right_arithmetic3A_641 : i32 to index
        %swap3A_716 = arith.index_cast %mul3A_645 : i32 to index
        %swap3A_717 = tpu.vector_load %arg8[%swap3A_714, %swap3A_715, %swap3A_716] {strides = array<i32>} : memref<32x8x256xf32, #tpu.memory_space<vmem>>, vector<16xf32>,
        tpu.vector_store %arg8[%swap3A_714, %swap3A_715, %swap3A_716], %gather3A_712 {strides = array<i32>} : memref<32x8x256xf32, #tpu.memory_space<vmem>>, vector<16xf32>,
        %lt3A_718 = arith.constant 0 : i32
        %lt3A_719 = vector.broadcast %lt3A_718 : i32 to vector<16xi32>
        %lt3A_720 = arith.cmpi slt, %min3A_657, %lt3A_719 : vector<16xi32>
        %add3A_721 = arith.constant 16 : i32
        %add3A_722 = vector.broadcast %add3A_721 : i32 to vector<16xi32>
        %add3A_723 = arith.addi %min3A_657, %add3A_722 : vector<16xi32>
        %select_n3A_724 = arith.select %lt3A_720, %add3A_723, %min3A_657 : vector<16xi1>, vector<16xi32>
        %broadcast_in_dim3A_725 = vector.shape_cast %select_n3A_724 : vector<16xi32> to vector<16x1xi32>
        %gather3A_726 = vector.shape_cast %broadcast_in_dim3A_725 : vector<16x1xi32> to vector<16xi32>
        %gather3A_727 = tpu.dynamic_gather %get3A_102[%gather3A_726] in [0] : vector<16xf32>, vector<16xi32> -> vector<16xf32>
        %swap3A_728 = arith.constant 4 : i32
        %swap3A_729 = arith.index_cast %swap3A_728 : i32 to index
        %swap3A_730 = arith.index_cast %shift_right_arithmetic3A_641 : i32 to index
        %swap3A_731 = arith.index_cast %mul3A_645 : i32 to index
        %swap3A_732 = tpu.vector_load %arg8[%swap3A_729, %swap3A_730, %swap3A_731] {strides = array<i32>} : memref<32x8x256xf32, #tpu.memory_space<vmem>>, vector<16xf32>,
        tpu.vector_store %arg8[%swap3A_729, %swap3A_730, %swap3A_731], %gather3A_727 {strides = array<i32>} : memref<32x8x256xf32, #tpu.memory_space<vmem>>, vector<16xf32>,
        %lt3A_733 = arith.constant 0 : i32
        %lt3A_734 = vector.broadcast %lt3A_733 : i32 to vector<16xi32>
        %lt3A_735 = arith.cmpi slt, %min3A_657, %lt3A_734 : vector<16xi32>
        %add3A_736 = arith.constant 16 : i32
        %add3A_737 = vector.broadcast %add3A_736 : i32 to vector<16xi32>
        %add3A_738 = arith.addi %min3A_657, %add3A_737 : vector<16xi32>
        %select_n3A_739 = arith.select %lt3A_735, %add3A_738, %min3A_657 : vector<16xi1>, vector<16xi32>
        %broadcast_in_dim3A_740 = vector.shape_cast %select_n3A_739 : vector<16xi32> to vector<16x1xi32>
        %gather3A_741 = vector.shape_cast %broadcast_in_dim3A_740 : vector<16x1xi32> to vector<16xi32>
        %gather3A_742 = tpu.dynamic_gather %get3A_104[%gather3A_741] in [0] : vector<16xf32>, vector<16xi32> -> vector<16xf32>
        %swap3A_743 = arith.constant 5 : i32
        %swap3A_744 = arith.index_cast %swap3A_743 : i32 to index
        %swap3A_745 = arith.index_cast %shift_right_arithmetic3A_641 : i32 to index
        %swap3A_746 = arith.index_cast %mul3A_645 : i32 to index
        %swap3A_747 = tpu.vector_load %arg8[%swap3A_744, %swap3A_745, %swap3A_746] {strides = array<i32>} : memref<32x8x256xf32, #tpu.memory_space<vmem>>, vector<16xf32>,
        tpu.vector_store %arg8[%swap3A_744, %swap3A_745, %swap3A_746], %gather3A_742 {strides = array<i32>} : memref<32x8x256xf32, #tpu.memory_space<vmem>>, vector<16xf32>,
        %lt3A_748 = arith.constant 0 : i32
        %lt3A_749 = vector.broadcast %lt3A_748 : i32 to vector<16xi32>
        %lt3A_750 = arith.cmpi slt, %min3A_657, %lt3A_749 : vector<16xi32>
        %add3A_751 = arith.constant 16 : i32
        %add3A_752 = vector.broadcast %add3A_751 : i32 to vector<16xi32>
        %add3A_753 = arith.addi %min3A_657, %add3A_752 : vector<16xi32>
        %select_n3A_754 = arith.select %lt3A_750, %add3A_753, %min3A_657 : vector<16xi1>, vector<16xi32>
        %broadcast_in_dim3A_755 = vector.shape_cast %select_n3A_754 : vector<16xi32> to vector<16x1xi32>
        %gather3A_756 = vector.shape_cast %broadcast_in_dim3A_755 : vector<16x1xi32> to vector<16xi32>
        %gather3A_757 = tpu.dynamic_gather %get3A_106[%gather3A_756] in [0] : vector<16xf32>, vector<16xi32> -> vector<16xf32>
        %swap3A_758 = arith.constant 6 : i32
        %swap3A_759 = arith.index_cast %swap3A_758 : i32 to index
        %swap3A_760 = arith.index_cast %shift_right_arithmetic3A_641 : i32 to index
        %swap3A_761 = arith.index_cast %mul3A_645 : i32 to index
        %swap3A_762 = tpu.vector_load %arg8[%swap3A_759, %swap3A_760, %swap3A_761] {strides = array<i32>} : memref<32x8x256xf32, #tpu.memory_space<vmem>>, vector<16xf32>,
        tpu.vector_store %arg8[%swap3A_759, %swap3A_760, %swap3A_761], %gather3A_757 {strides = array<i32>} : memref<32x8x256xf32, #tpu.memory_space<vmem>>, vector<16xf32>,
        %lt3A_763 = arith.constant 0 : i32
        %lt3A_764 = vector.broadcast %lt3A_763 : i32 to vector<16xi32>
        %lt3A_765 = arith.cmpi slt, %min3A_657, %lt3A_764 : vector<16xi32>
        %add3A_766 = arith.constant 16 : i32
        %add3A_767 = vector.broadcast %add3A_766 : i32 to vector<16xi32>
        %add3A_768 = arith.addi %min3A_657, %add3A_767 : vector<16xi32>
        %select_n3A_769 = arith.select %lt3A_765, %add3A_768, %min3A_657 : vector<16xi1>, vector<16xi32>
        %broadcast_in_dim3A_770 = vector.shape_cast %select_n3A_769 : vector<16xi32> to vector<16x1xi32>
        %gather3A_771 = vector.shape_cast %broadcast_in_dim3A_770 : vector<16x1xi32> to vector<16xi32>
        %gather3A_772 = tpu.dynamic_gather %get3A_108[%gather3A_771] in [0] : vector<16xf32>, vector<16xi32> -> vector<16xf32>
        %swap3A_773 = arith.constant 7 : i32
        %swap3A_774 = arith.index_cast %swap3A_773 : i32 to index
        %swap3A_775 = arith.index_cast %shift_right_arithmetic3A_641 : i32 to index
        %swap3A_776 = arith.index_cast %mul3A_645 : i32 to index
        %swap3A_777 = tpu.vector_load %arg8[%swap3A_774, %swap3A_775, %swap3A_776] {strides = array<i32>} : memref<32x8x256xf32, #tpu.memory_space<vmem>>, vector<16xf32>,
        tpu.vector_store %arg8[%swap3A_774, %swap3A_775, %swap3A_776], %gather3A_772 {strides = array<i32>} : memref<32x8x256xf32, #tpu.memory_space<vmem>>, vector<16xf32>,
        %lt3A_778 = arith.constant 0 : i32
        %lt3A_779 = vector.broadcast %lt3A_778 : i32 to vector<16xi32>
        %lt3A_780 = arith.cmpi slt, %min3A_657, %lt3A_779 : vector<16xi32>
        %add3A_781 = arith.constant 16 : i32
        %add3A_782 = vector.broadcast %add3A_781 : i32 to vector<16xi32>
        %add3A_783 = arith.addi %min3A_657, %add3A_782 : vector<16xi32>
        %select_n3A_784 = arith.select %lt3A_780, %add3A_783, %min3A_657 : vector<16xi1>, vector<16xi32>
        %broadcast_in_dim3A_785 = vector.shape_cast %select_n3A_784 : vector<16xi32> to vector<16x1xi32>
        %gather3A_786 = vector.shape_cast %broadcast_in_dim3A_785 : vector<16x1xi32> to vector<16xi32>
        %gather3A_787 = tpu.dynamic_gather %get3A_110[%gather3A_786] in [0] : vector<16xf32>, vector<16xi32> -> vector<16xf32>
        %swap3A_788 = arith.constant 8 : i32
        %swap3A_789 = arith.index_cast %swap3A_788 : i32 to index
        %swap3A_790 = arith.index_cast %shift_right_arithmetic3A_641 : i32 to index
        %swap3A_791 = arith.index_cast %mul3A_645 : i32 to index
        %swap3A_792 = tpu.vector_load %arg8[%swap3A_789, %swap3A_790, %swap3A_791] {strides = array<i32>} : memref<32x8x256xf32, #tpu.memory_space<vmem>>, vector<16xf32>,
        tpu.vector_store %arg8[%swap3A_789, %swap3A_790, %swap3A_791], %gather3A_787 {strides = array<i32>} : memref<32x8x256xf32, #tpu.memory_space<vmem>>, vector<16xf32>,
        %lt3A_793 = arith.constant 0 : i32
        %lt3A_794 = vector.broadcast %lt3A_793 : i32 to vector<16xi32>
        %lt3A_795 = arith.cmpi slt, %min3A_657, %lt3A_794 : vector<16xi32>
        %add3A_796 = arith.constant 16 : i32
        %add3A_797 = vector.broadcast %add3A_796 : i32 to vector<16xi32>
        %add3A_798 = arith.addi %min3A_657, %add3A_797 : vector<16xi32>
        %select_n3A_799 = arith.select %lt3A_795, %add3A_798, %min3A_657 : vector<16xi1>, vector<16xi32>
        %broadcast_in_dim3A_800 = vector.shape_cast %select_n3A_799 : vector<16xi32> to vector<16x1xi32>
        %gather3A_801 = vector.shape_cast %broadcast_in_dim3A_800 : vector<16x1xi32> to vector<16xi32>
        %gather3A_802 = tpu.dynamic_gather %get3A_112[%gather3A_801] in [0] : vector<16xf32>, vector<16xi32> -> vector<16xf32>
        %swap3A_803 = arith.constant 9 : i32
        %swap3A_804 = arith.index_cast %swap3A_803 : i32 to index
        %swap3A_805 = arith.index_cast %shift_right_arithmetic3A_641 : i32 to index
        %swap3A_806 = arith.index_cast %mul3A_645 : i32 to index
        %swap3A_807 = tpu.vector_load %arg8[%swap3A_804, %swap3A_805, %swap3A_806] {strides = array<i32>} : memref<32x8x256xf32, #tpu.memory_space<vmem>>, vector<16xf32>,
        tpu.vector_store %arg8[%swap3A_804, %swap3A_805, %swap3A_806], %gather3A_802 {strides = array<i32>} : memref<32x8x256xf32, #tpu.memory_space<vmem>>, vector<16xf32>,
        %lt3A_808 = arith.constant 0 : i32
        %lt3A_809 = vector.broadcast %lt3A_808 : i32 to vector<16xi32>
        %lt3A_810 = arith.cmpi slt, %min3A_657, %lt3A_809 : vector<16xi32>
        %add3A_811 = arith.constant 16 : i32
        %add3A_812 = vector.broadcast %add3A_811 : i32 to vector<16xi32>
        %add3A_813 = arith.addi %min3A_657, %add3A_812 : vector<16xi32>
        %select_n3A_814 = arith.select %lt3A_810, %add3A_813, %min3A_657 : vector<16xi1>, vector<16xi32>
        %broadcast_in_dim3A_815 = vector.shape_cast %select_n3A_814 : vector<16xi32> to vector<16x1xi32>
        %gather3A_816 = vector.shape_cast %broadcast_in_dim3A_815 : vector<16x1xi32> to vector<16xi32>
        %gather3A_817 = tpu.dynamic_gather %get3A_114[%gather3A_816] in [0] : vector<16xf32>, vector<16xi32> -> vector<16xf32>
        %swap3A_818 = arith.constant 10 : i32
        %swap3A_819 = arith.index_cast %swap3A_818 : i32 to index
        %swap3A_820 = arith.index_cast %shift_right_arithmetic3A_641 : i32 to index
        %swap3A_821 = arith.index_cast %mul3A_645 : i32 to index
        %swap3A_822 = tpu.vector_load %arg8[%swap3A_819, %swap3A_820, %swap3A_821] {strides = array<i32>} : memref<32x8x256xf32, #tpu.memory_space<vmem>>, vector<16xf32>,
        tpu.vector_store %arg8[%swap3A_819, %swap3A_820, %swap3A_821], %gather3A_817 {strides = array<i32>} : memref<32x8x256xf32, #tpu.memory_space<vmem>>, vector<16xf32>,
        %lt3A_823 = arith.constant 0 : i32
        %lt3A_824 = vector.broadcast %lt3A_823 : i32 to vector<16xi32>
        %lt3A_825 = arith.cmpi slt, %min3A_657, %lt3A_824 : vector<16xi32>
        %add3A_826 = arith.constant 16 : i32
        %add3A_827 = vector.broadcast %add3A_826 : i32 to vector<16xi32>
        %add3A_828 = arith.addi %min3A_657, %add3A_827 : vector<16xi32>
        %select_n3A_829 = arith.select %lt3A_825, %add3A_828, %min3A_657 : vector<16xi1>, vector<16xi32>
        %broadcast_in_dim3A_830 = vector.shape_cast %select_n3A_829 : vector<16xi32> to vector<16x1xi32>
        %gather3A_831 = vector.shape_cast %broadcast_in_dim3A_830 : vector<16x1xi32> to vector<16xi32>
        %gather3A_832 = tpu.dynamic_gather %get3A_116[%gather3A_831] in [0] : vector<16xf32>, vector<16xi32> -> vector<16xf32>
        %swap3A_833 = arith.constant 11 : i32
        %swap3A_834 = arith.index_cast %swap3A_833 : i32 to index
        %swap3A_835 = arith.index_cast %shift_right_arithmetic3A_641 : i32 to index
        %swap3A_836 = arith.index_cast %mul3A_645 : i32 to index
        %swap3A_837 = tpu.vector_load %arg8[%swap3A_834, %swap3A_835, %swap3A_836] {strides = array<i32>} : memref<32x8x256xf32, #tpu.memory_space<vmem>>, vector<16xf32>,
        tpu.vector_store %arg8[%swap3A_834, %swap3A_835, %swap3A_836], %gather3A_832 {strides = array<i32>} : memref<32x8x256xf32, #tpu.memory_space<vmem>>, vector<16xf32>,
        %lt3A_838 = arith.constant 0 : i32
        %lt3A_839 = vector.broadcast %lt3A_838 : i32 to vector<16xi32>
        %lt3A_840 = arith.cmpi slt, %min3A_657, %lt3A_839 : vector<16xi32>
        %add3A_841 = arith.constant 16 : i32
        %add3A_842 = vector.broadcast %add3A_841 : i32 to vector<16xi32>
        %add3A_843 = arith.addi %min3A_657, %add3A_842 : vector<16xi32>
        %select_n3A_844 = arith.select %lt3A_840, %add3A_843, %min3A_657 : vector<16xi1>, vector<16xi32>
        %broadcast_in_dim3A_845 = vector.shape_cast %select_n3A_844 : vector<16xi32> to vector<16x1xi32>
        %gather3A_846 = vector.shape_cast %broadcast_in_dim3A_845 : vector<16x1xi32> to vector<16xi32>
        %gather3A_847 = tpu.dynamic_gather %get3A_118[%gather3A_846] in [0] : vector<16xf32>, vector<16xi32> -> vector<16xf32>
        %swap3A_848 = arith.constant 12 : i32
        %swap3A_849 = arith.index_cast %swap3A_848 : i32 to index
        %swap3A_850 = arith.index_cast %shift_right_arithmetic3A_641 : i32 to index
        %swap3A_851 = arith.index_cast %mul3A_645 : i32 to index
        %swap3A_852 = tpu.vector_load %arg8[%swap3A_849, %swap3A_850, %swap3A_851] {strides = array<i32>} : memref<32x8x256xf32, #tpu.memory_space<vmem>>, vector<16xf32>,
        tpu.vector_store %arg8[%swap3A_849, %swap3A_850, %swap3A_851], %gather3A_847 {strides = array<i32>} : memref<32x8x256xf32, #tpu.memory_space<vmem>>, vector<16xf32>,
        %lt3A_853 = arith.constant 0 : i32
        %lt3A_854 = vector.broadcast %lt3A_853 : i32 to vector<16xi32>
        %lt3A_855 = arith.cmpi slt, %min3A_657, %lt3A_854 : vector<16xi32>
        %add3A_856 = arith.constant 16 : i32
        %add3A_857 = vector.broadcast %add3A_856 : i32 to vector<16xi32>
        %add3A_858 = arith.addi %min3A_657, %add3A_857 : vector<16xi32>
        %select_n3A_859 = arith.select %lt3A_855, %add3A_858, %min3A_657 : vector<16xi1>, vector<16xi32>
        %broadcast_in_dim3A_860 = vector.shape_cast %select_n3A_859 : vector<16xi32> to vector<16x1xi32>
        %gather3A_861 = vector.shape_cast %broadcast_in_dim3A_860 : vector<16x1xi32> to vector<16xi32>
        %gather3A_862 = tpu.dynamic_gather %get3A_120[%gather3A_861] in [0] : vector<16xf32>, vector<16xi32> -> vector<16xf32>
        %swap3A_863 = arith.constant 13 : i32
        %swap3A_864 = arith.index_cast %swap3A_863 : i32 to index
        %swap3A_865 = arith.index_cast %shift_right_arithmetic3A_641 : i32 to index
        %swap3A_866 = arith.index_cast %mul3A_645 : i32 to index
        %swap3A_867 = tpu.vector_load %arg8[%swap3A_864, %swap3A_865, %swap3A_866] {strides = array<i32>} : memref<32x8x256xf32, #tpu.memory_space<vmem>>, vector<16xf32>,
        tpu.vector_store %arg8[%swap3A_864, %swap3A_865, %swap3A_866], %gather3A_862 {strides = array<i32>} : memref<32x8x256xf32, #tpu.memory_space<vmem>>, vector<16xf32>,
        %lt3A_868 = arith.constant 0 : i32
        %lt3A_869 = vector.broadcast %lt3A_868 : i32 to vector<16xi32>
        %lt3A_870 = arith.cmpi slt, %min3A_657, %lt3A_869 : vector<16xi32>
        %add3A_871 = arith.constant 16 : i32
        %add3A_872 = vector.broadcast %add3A_871 : i32 to vector<16xi32>
        %add3A_873 = arith.addi %min3A_657, %add3A_872 : vector<16xi32>
        %select_n3A_874 = arith.select %lt3A_870, %add3A_873, %min3A_657 : vector<16xi1>, vector<16xi32>
        %broadcast_in_dim3A_875 = vector.shape_cast %select_n3A_874 : vector<16xi32> to vector<16x1xi32>
        %gather3A_876 = vector.shape_cast %broadcast_in_dim3A_875 : vector<16x1xi32> to vector<16xi32>
        %gather3A_877 = tpu.dynamic_gather %get3A_122[%gather3A_876] in [0] : vector<16xf32>, vector<16xi32> -> vector<16xf32>
        %swap3A_878 = arith.constant 14 : i32
        %swap3A_879 = arith.index_cast %swap3A_878 : i32 to index
        %swap3A_880 = arith.index_cast %shift_right_arithmetic3A_641 : i32 to index
        %swap3A_881 = arith.index_cast %mul3A_645 : i32 to index
        %swap3A_882 = tpu.vector_load %arg8[%swap3A_879, %swap3A_880, %swap3A_881] {strides = array<i32>} : memref<32x8x256xf32, #tpu.memory_space<vmem>>, vector<16xf32>,
        tpu.vector_store %arg8[%swap3A_879, %swap3A_880, %swap3A_881], %gather3A_877 {strides = array<i32>} : memref<32x8x256xf32, #tpu.memory_space<vmem>>, vector<16xf32>,
        %lt3A_883 = arith.constant 0 : i32
        %lt3A_884 = vector.broadcast %lt3A_883 : i32 to vector<16xi32>
        %lt3A_885 = arith.cmpi slt, %min3A_657, %lt3A_884 : vector<16xi32>
        %add3A_886 = arith.constant 16 : i32
        %add3A_887 = vector.broadcast %add3A_886 : i32 to vector<16xi32>
        %add3A_888 = arith.addi %min3A_657, %add3A_887 : vector<16xi32>
        %select_n3A_889 = arith.select %lt3A_885, %add3A_888, %min3A_657 : vector<16xi1>, vector<16xi32>
        %broadcast_in_dim3A_890 = vector.shape_cast %select_n3A_889 : vector<16xi32> to vector<16x1xi32>
        %gather3A_891 = vector.shape_cast %broadcast_in_dim3A_890 : vector<16x1xi32> to vector<16xi32>
        %gather3A_892 = tpu.dynamic_gather %get3A_124[%gather3A_891] in [0] : vector<16xf32>, vector<16xi32> -> vector<16xf32>
        %swap3A_893 = arith.constant 15 : i32
        %swap3A_894 = arith.index_cast %swap3A_893 : i32 to index
        %swap3A_895 = arith.index_cast %shift_right_arithmetic3A_641 : i32 to index
        %swap3A_896 = arith.index_cast %mul3A_645 : i32 to index
        %swap3A_897 = tpu.vector_load %arg8[%swap3A_894, %swap3A_895, %swap3A_896] {strides = array<i32>} : memref<32x8x256xf32, #tpu.memory_space<vmem>>, vector<16xf32>,
        tpu.vector_store %arg8[%swap3A_894, %swap3A_895, %swap3A_896], %gather3A_892 {strides = array<i32>} : memref<32x8x256xf32, #tpu.memory_space<vmem>>, vector<16xf32>,
        %scan3A_898 = arith.constant 0 : i32
        scf.yield %scan3A_898 : i32
      }
      %scan3A_131 = arith.constant 128 : i32
      %mul3A_132 = arith.constant 32 : i32
      %mul3A_133 = arith.muli %add3A, %mul3A_132 : i32
      %add3A_134 = arith.constant 0 : i32
      %add3A_135 = arith.addi %mul3A_133, %add3A_134 : i32
      %mul3A_136 = arith.constant 8 : i32
      %mul3A_137 = arith.muli %add3A_82, %mul3A_136 : i32
      %dma_start3A_138 = arith.constant 0 : i32
      %dma_start3A_139 = arith.constant 0 : i32
      %dma_start3A_140 = arith.constant 0 : i32
      %dma_start3A_141 = arith.constant 0 : i32
      %dma_start3A_142 = tpu.memref_slice %arg8[%dma_start3A_139, %dma_start3A_140, %dma_start3A_141] : memref<32x8x256xf32, #tpu.memory_space<vmem>> -> memref<16x8x256xf32, #tpu.memory_space<vmem>>
      %dma_start3A_143 = arith.constant 0 : i32
      %dma_start3A_144 = tpu.memref_slice %arg4[%add3A_135, %mul3A_137, %dma_start3A_143] : memref<1024x256x256xf32, #tpu.memory_space<hbm>> -> memref<16x8x256xf32, #tpu.memory_space<hbm>>
      %dma_start3A_145 = tpu.memref_slice %arg11[%dma_start3A_138] : memref<2x!tpu.dma_semaphore, #tpu.memory_space<semaphore_mem>> -> memref<1x!tpu.dma_semaphore, #tpu.memory_space<semaphore_mem>>
      %dma_start3A_146 = tpu.memref_squeeze %dma_start3A_145 : memref<1x!tpu.dma_semaphore, #tpu.memory_space<semaphore_mem>> -> memref<!tpu.dma_semaphore, #tpu.memory_space<semaphore_mem>>
      %dma_start3A_147 = arith.constant 0 : i32
      %dma_start3A_148 = tpu.memref_slice %arg4[%add3A_135, %mul3A_137, %dma_start3A_147] : memref<1024x256x256xf32, #tpu.memory_space<hbm>> -> memref<16x8x256xf32, #tpu.memory_space<hbm>>
      %dma_start3A_149 = arith.constant 0 : i32
      %dma_start3A_150 = arith.constant 0 : i32
      %dma_start3A_151 = arith.constant 0 : i32
      %dma_start3A_152 = tpu.memref_slice %arg8[%dma_start3A_149, %dma_start3A_150, %dma_start3A_151] : memref<32x8x256xf32, #tpu.memory_space<vmem>> -> memref<16x8x256xf32, #tpu.memory_space<vmem>>
      tpu.enqueue_dma source(%dma_start3A_152 : memref<16x8x256xf32, #tpu.memory_space<vmem>>) target(%dma_start3A_148 : memref<16x8x256xf32, #tpu.memory_space<hbm>>) target_semaphore(%dma_start3A_146 : memref<!tpu.dma_semaphore, #tpu.memory_space<semaphore_mem>>)
      %ge3A_153 = arith.constant 1 : i32
      %ge3A_154 = arith.cmpi sge, %add3A_82, %ge3A_153 : i32
      %convert_element_type3A_155 = arith.extui %ge3A_154 : i1 to i32
      %cond3A_156 = arith.constant 0 : i32
      %cond3A_157 = arith.cmpi ne, %convert_element_type3A_155, %cond3A_156 : i32
      scf.if %cond3A_157 {
        %dma_wait3A_385 = arith.constant 1 : i32
        %dma_wait3A_386 = arith.constant 16 : i32
        %dma_wait3A_387 = arith.constant 0 : i32
        %dma_wait3A_388 = arith.constant 0 : i32
        %dma_wait3A_389 = tpu.memref_slice %arg8[%dma_wait3A_386, %dma_wait3A_387, %dma_wait3A_388] : memref<32x8x256xf32, #tpu.memory_space<vmem>> -> memref<16x8x256xf32, #tpu.memory_space<vmem>>
        %dma_wait3A_390 = arith.constant 0 : i32
        %dma_wait3A_391 = arith.constant 0 : i32
        %dma_wait3A_392 = arith.constant 0 : i32
        %dma_wait3A_393 = tpu.memref_slice %arg4[%dma_wait3A_390, %dma_wait3A_391, %dma_wait3A_392] : memref<1024x256x256xf32, #tpu.memory_space<hbm>> -> memref<16x8x256xf32, #tpu.memory_space<hbm>>
        %dma_wait3A_394 = tpu.memref_slice %arg11[%dma_wait3A_385] : memref<2x!tpu.dma_semaphore, #tpu.memory_space<semaphore_mem>> -> memref<1x!tpu.dma_semaphore, #tpu.memory_space<semaphore_mem>>
        %dma_wait3A_395 = tpu.memref_squeeze %dma_wait3A_394 : memref<1x!tpu.dma_semaphore, #tpu.memory_space<semaphore_mem>> -> memref<!tpu.dma_semaphore, #tpu.memory_space<semaphore_mem>>
        %dma_wait3A_396 = arith.constant 0 : i32
        %dma_wait3A_397 = arith.constant 0 : i32
        %dma_wait3A_398 = arith.constant 0 : i32
        %dma_wait3A_399 = tpu.memref_slice %arg4[%dma_wait3A_396, %dma_wait3A_397, %dma_wait3A_398] : memref<1024x256x256xf32, #tpu.memory_space<hbm>> -> memref<16x8x256xf32, #tpu.memory_space<hbm>>
        %dma_wait3A_400 = arith.constant 16 : i32
        %dma_wait3A_401 = arith.constant 0 : i32
        %dma_wait3A_402 = arith.constant 0 : i32
        %dma_wait3A_403 = tpu.memref_slice %arg8[%dma_wait3A_400, %dma_wait3A_401, %dma_wait3A_402] : memref<32x8x256xf32, #tpu.memory_space<vmem>> -> memref<16x8x256xf32, #tpu.memory_space<vmem>>
        tpu.wait_dma2 semaphore(%dma_wait3A_395 : memref<!tpu.dma_semaphore, #tpu.memory_space<semaphore_mem>>) src(%dma_wait3A_403 : memref<16x8x256xf32, #tpu.memory_space<vmem>>) dst(%dma_wait3A_399 : memref<16x8x256xf32, #tpu.memory_space<hbm>>)
      } else {
      }
      %get3A_158 = arith.constant 256 : index
      %get3A_159 = tpu.vector_load %arg5[%get3A_158] {strides = array<i32>} : memref<512xf32, #tpu.memory_space<vmem>>, vector<16xf32>,
      %get3A_160 = arith.constant 272 : index
      %get3A_161 = tpu.vector_load %arg5[%get3A_160] {strides = array<i32>} : memref<512xf32, #tpu.memory_space<vmem>>, vector<16xf32>,
      %get3A_162 = arith.constant 288 : index
      %get3A_163 = tpu.vector_load %arg5[%get3A_162] {strides = array<i32>} : memref<512xf32, #tpu.memory_space<vmem>>, vector<16xf32>,
      %get3A_164 = arith.constant 304 : index
      %get3A_165 = tpu.vector_load %arg5[%get3A_164] {strides = array<i32>} : memref<512xf32, #tpu.memory_space<vmem>>, vector<16xf32>,
      %get3A_166 = arith.constant 320 : index
      %get3A_167 = tpu.vector_load %arg5[%get3A_166] {strides = array<i32>} : memref<512xf32, #tpu.memory_space<vmem>>, vector<16xf32>,
      %get3A_168 = arith.constant 336 : index
      %get3A_169 = tpu.vector_load %arg5[%get3A_168] {strides = array<i32>} : memref<512xf32, #tpu.memory_space<vmem>>, vector<16xf32>,
      %get3A_170 = arith.constant 352 : index
      %get3A_171 = tpu.vector_load %arg5[%get3A_170] {strides = array<i32>} : memref<512xf32, #tpu.memory_space<vmem>>, vector<16xf32>,
      %get3A_172 = arith.constant 368 : index
      %get3A_173 = tpu.vector_load %arg5[%get3A_172] {strides = array<i32>} : memref<512xf32, #tpu.memory_space<vmem>>, vector<16xf32>,
      %get3A_174 = arith.constant 384 : index
      %get3A_175 = tpu.vector_load %arg5[%get3A_174] {strides = array<i32>} : memref<512xf32, #tpu.memory_space<vmem>>, vector<16xf32>,
      %get3A_176 = arith.constant 400 : index
      %get3A_177 = tpu.vector_load %arg5[%get3A_176] {strides = array<i32>} : memref<512xf32, #tpu.memory_space<vmem>>, vector<16xf32>,
      %get3A_178 = arith.constant 416 : index
      %get3A_179 = tpu.vector_load %arg5[%get3A_178] {strides = array<i32>} : memref<512xf32, #tpu.memory_space<vmem>>, vector<16xf32>,
      %get3A_180 = arith.constant 432 : index
      %get3A_181 = tpu.vector_load %arg5[%get3A_180] {strides = array<i32>} : memref<512xf32, #tpu.memory_space<vmem>>, vector<16xf32>,
      %get3A_182 = arith.constant 448 : index
      %get3A_183 = tpu.vector_load %arg5[%get3A_182] {strides = array<i32>} : memref<512xf32, #tpu.memory_space<vmem>>, vector<16xf32>,
      %get3A_184 = arith.constant 464 : index
      %get3A_185 = tpu.vector_load %arg5[%get3A_184] {strides = array<i32>} : memref<512xf32, #tpu.memory_space<vmem>>, vector<16xf32>,
      %get3A_186 = arith.constant 480 : index
      %get3A_187 = tpu.vector_load %arg5[%get3A_186] {strides = array<i32>} : memref<512xf32, #tpu.memory_space<vmem>>, vector<16xf32>,
      %get3A_188 = arith.constant 496 : index
      %get3A_189 = tpu.vector_load %arg5[%get3A_188] {strides = array<i32>} : memref<512xf32, #tpu.memory_space<vmem>>, vector<16xf32>,
      %scan3A_190 = arith.constant 0 : i32
      %scan3A_191 = arith.constant 0 : i32
      %scan3A_192 = arith.constant 128 : i32
      %scan3A_193 = arith.addi %scan3A_191, %scan3A_192 : i32
      %scan3A_194 = arith.constant 2 : i32
      %scan3A_195 = scf.for %scan3A_385 = %scan3A_191 to %scan3A_193 step %scan3A_194 iter_args(%scan3A_386 = %scan3A_190) -> (i32)  : i32 {
        %shift_right_arithmetic3A = arith.constant 4 : i32
        %shift_right_arithmetic3A_387 = arith.shrsi %scan3A_385, %shift_right_arithmetic3A : i32
        %and3A = arith.constant 15 : i32
        %and3A_388 = arith.andi %scan3A_385, %and3A : i32
        %mul3A_389 = arith.constant 16 : i32
        %mul3A_390 = arith.muli %and3A_388, %mul3A_389 : i32
        %get3A_391 = arith.index_cast %shift_right_arithmetic3A_387 : i32 to index
        %get3A_392 = arith.index_cast %mul3A_390 : i32 to index
        %get3A_393 = tpu.vector_load %arg6[%get3A_391, %get3A_392] {strides = array<i32>} : memref<8x256xi32, #tpu.memory_space<vmem>>, vector<16xi32>,
        %add3A_394 = arith.constant 1 : i32
        %add3A_395 = vector.broadcast %add3A_394 : i32 to vector<16xi32>
        %add3A_396 = arith.addi %get3A_393, %add3A_395 : vector<16xi32>
        %max3A = arith.constant 0 : i32
        %max3A_397 = vector.broadcast %max3A : i32 to vector<16xi32>
        %max3A_398 = arith.maxsi %add3A_396, %max3A_397 : vector<16xi32>
        %min3A_399 = arith.constant 11 : i32
        %min3A_400 = vector.broadcast %min3A_399 : i32 to vector<16xi32>
        %min3A_401 = arith.minsi %max3A_398, %min3A_400 : vector<16xi32>
        %lt3A = arith.constant 0 : i32
        %lt3A_402 = vector.broadcast %lt3A : i32 to vector<16xi32>
        %lt3A_403 = arith.cmpi slt, %min3A_401, %lt3A_402 : vector<16xi32>
        %add3A_404 = arith.constant 16 : i32
        %add3A_405 = vector.broadcast %add3A_404 : i32 to vector<16xi32>
        %add3A_406 = arith.addi %min3A_401, %add3A_405 : vector<16xi32>
        %select_n3A = arith.select %lt3A_403, %add3A_406, %min3A_401 : vector<16xi1>, vector<16xi32>
        %broadcast_in_dim3A = vector.shape_cast %select_n3A : vector<16xi32> to vector<16x1xi32>
        %gather3A = vector.shape_cast %broadcast_in_dim3A : vector<16x1xi32> to vector<16xi32>
        %gather3A_407 = tpu.dynamic_gather %get3A_159[%gather3A] in [0] : vector<16xf32>, vector<16xi32> -> vector<16xf32>
        %swap3A = arith.constant 16 : i32
        %swap3A_408 = arith.index_cast %swap3A : i32 to index
        %swap3A_409 = arith.index_cast %shift_right_arithmetic3A_387 : i32 to index
        %swap3A_410 = arith.index_cast %mul3A_390 : i32 to index
        %swap3A_411 = tpu.vector_load %arg8[%swap3A_408, %swap3A_409, %swap3A_410] {strides = array<i32>} : memref<32x8x256xf32, #tpu.memory_space<vmem>>, vector<16xf32>,
        tpu.vector_store %arg8[%swap3A_408, %swap3A_409, %swap3A_410], %gather3A_407 {strides = array<i32>} : memref<32x8x256xf32, #tpu.memory_space<vmem>>, vector<16xf32>,
        %lt3A_412 = arith.constant 0 : i32
        %lt3A_413 = vector.broadcast %lt3A_412 : i32 to vector<16xi32>
        %lt3A_414 = arith.cmpi slt, %min3A_401, %lt3A_413 : vector<16xi32>
        %add3A_415 = arith.constant 16 : i32
        %add3A_416 = vector.broadcast %add3A_415 : i32 to vector<16xi32>
        %add3A_417 = arith.addi %min3A_401, %add3A_416 : vector<16xi32>
        %select_n3A_418 = arith.select %lt3A_414, %add3A_417, %min3A_401 : vector<16xi1>, vector<16xi32>
        %broadcast_in_dim3A_419 = vector.shape_cast %select_n3A_418 : vector<16xi32> to vector<16x1xi32>
        %gather3A_420 = vector.shape_cast %broadcast_in_dim3A_419 : vector<16x1xi32> to vector<16xi32>
        %gather3A_421 = tpu.dynamic_gather %get3A_161[%gather3A_420] in [0] : vector<16xf32>, vector<16xi32> -> vector<16xf32>
        %swap3A_422 = arith.constant 17 : i32
        %swap3A_423 = arith.index_cast %swap3A_422 : i32 to index
        %swap3A_424 = arith.index_cast %shift_right_arithmetic3A_387 : i32 to index
        %swap3A_425 = arith.index_cast %mul3A_390 : i32 to index
        %swap3A_426 = tpu.vector_load %arg8[%swap3A_423, %swap3A_424, %swap3A_425] {strides = array<i32>} : memref<32x8x256xf32, #tpu.memory_space<vmem>>, vector<16xf32>,
        tpu.vector_store %arg8[%swap3A_423, %swap3A_424, %swap3A_425], %gather3A_421 {strides = array<i32>} : memref<32x8x256xf32, #tpu.memory_space<vmem>>, vector<16xf32>,
        %lt3A_427 = arith.constant 0 : i32
        %lt3A_428 = vector.broadcast %lt3A_427 : i32 to vector<16xi32>
        %lt3A_429 = arith.cmpi slt, %min3A_401, %lt3A_428 : vector<16xi32>
        %add3A_430 = arith.constant 16 : i32
        %add3A_431 = vector.broadcast %add3A_430 : i32 to vector<16xi32>
        %add3A_432 = arith.addi %min3A_401, %add3A_431 : vector<16xi32>
        %select_n3A_433 = arith.select %lt3A_429, %add3A_432, %min3A_401 : vector<16xi1>, vector<16xi32>
        %broadcast_in_dim3A_434 = vector.shape_cast %select_n3A_433 : vector<16xi32> to vector<16x1xi32>
        %gather3A_435 = vector.shape_cast %broadcast_in_dim3A_434 : vector<16x1xi32> to vector<16xi32>
        %gather3A_436 = tpu.dynamic_gather %get3A_163[%gather3A_435] in [0] : vector<16xf32>, vector<16xi32> -> vector<16xf32>
        %swap3A_437 = arith.constant 18 : i32
        %swap3A_438 = arith.index_cast %swap3A_437 : i32 to index
        %swap3A_439 = arith.index_cast %shift_right_arithmetic3A_387 : i32 to index
        %swap3A_440 = arith.index_cast %mul3A_390 : i32 to index
        %swap3A_441 = tpu.vector_load %arg8[%swap3A_438, %swap3A_439, %swap3A_440] {strides = array<i32>} : memref<32x8x256xf32, #tpu.memory_space<vmem>>, vector<16xf32>,
        tpu.vector_store %arg8[%swap3A_438, %swap3A_439, %swap3A_440], %gather3A_436 {strides = array<i32>} : memref<32x8x256xf32, #tpu.memory_space<vmem>>, vector<16xf32>,
        %lt3A_442 = arith.constant 0 : i32
        %lt3A_443 = vector.broadcast %lt3A_442 : i32 to vector<16xi32>
        %lt3A_444 = arith.cmpi slt, %min3A_401, %lt3A_443 : vector<16xi32>
        %add3A_445 = arith.constant 16 : i32
        %add3A_446 = vector.broadcast %add3A_445 : i32 to vector<16xi32>
        %add3A_447 = arith.addi %min3A_401, %add3A_446 : vector<16xi32>
        %select_n3A_448 = arith.select %lt3A_444, %add3A_447, %min3A_401 : vector<16xi1>, vector<16xi32>
        %broadcast_in_dim3A_449 = vector.shape_cast %select_n3A_448 : vector<16xi32> to vector<16x1xi32>
        %gather3A_450 = vector.shape_cast %broadcast_in_dim3A_449 : vector<16x1xi32> to vector<16xi32>
        %gather3A_451 = tpu.dynamic_gather %get3A_165[%gather3A_450] in [0] : vector<16xf32>, vector<16xi32> -> vector<16xf32>
        %swap3A_452 = arith.constant 19 : i32
        %swap3A_453 = arith.index_cast %swap3A_452 : i32 to index
        %swap3A_454 = arith.index_cast %shift_right_arithmetic3A_387 : i32 to index
        %swap3A_455 = arith.index_cast %mul3A_390 : i32 to index
        %swap3A_456 = tpu.vector_load %arg8[%swap3A_453, %swap3A_454, %swap3A_455] {strides = array<i32>} : memref<32x8x256xf32, #tpu.memory_space<vmem>>, vector<16xf32>,
        tpu.vector_store %arg8[%swap3A_453, %swap3A_454, %swap3A_455], %gather3A_451 {strides = array<i32>} : memref<32x8x256xf32, #tpu.memory_space<vmem>>, vector<16xf32>,
        %lt3A_457 = arith.constant 0 : i32
        %lt3A_458 = vector.broadcast %lt3A_457 : i32 to vector<16xi32>
        %lt3A_459 = arith.cmpi slt, %min3A_401, %lt3A_458 : vector<16xi32>
        %add3A_460 = arith.constant 16 : i32
        %add3A_461 = vector.broadcast %add3A_460 : i32 to vector<16xi32>
        %add3A_462 = arith.addi %min3A_401, %add3A_461 : vector<16xi32>
        %select_n3A_463 = arith.select %lt3A_459, %add3A_462, %min3A_401 : vector<16xi1>, vector<16xi32>
        %broadcast_in_dim3A_464 = vector.shape_cast %select_n3A_463 : vector<16xi32> to vector<16x1xi32>
        %gather3A_465 = vector.shape_cast %broadcast_in_dim3A_464 : vector<16x1xi32> to vector<16xi32>
        %gather3A_466 = tpu.dynamic_gather %get3A_167[%gather3A_465] in [0] : vector<16xf32>, vector<16xi32> -> vector<16xf32>
        %swap3A_467 = arith.constant 20 : i32
        %swap3A_468 = arith.index_cast %swap3A_467 : i32 to index
        %swap3A_469 = arith.index_cast %shift_right_arithmetic3A_387 : i32 to index
        %swap3A_470 = arith.index_cast %mul3A_390 : i32 to index
        %swap3A_471 = tpu.vector_load %arg8[%swap3A_468, %swap3A_469, %swap3A_470] {strides = array<i32>} : memref<32x8x256xf32, #tpu.memory_space<vmem>>, vector<16xf32>,
        tpu.vector_store %arg8[%swap3A_468, %swap3A_469, %swap3A_470], %gather3A_466 {strides = array<i32>} : memref<32x8x256xf32, #tpu.memory_space<vmem>>, vector<16xf32>,
        %lt3A_472 = arith.constant 0 : i32
        %lt3A_473 = vector.broadcast %lt3A_472 : i32 to vector<16xi32>
        %lt3A_474 = arith.cmpi slt, %min3A_401, %lt3A_473 : vector<16xi32>
        %add3A_475 = arith.constant 16 : i32
        %add3A_476 = vector.broadcast %add3A_475 : i32 to vector<16xi32>
        %add3A_477 = arith.addi %min3A_401, %add3A_476 : vector<16xi32>
        %select_n3A_478 = arith.select %lt3A_474, %add3A_477, %min3A_401 : vector<16xi1>, vector<16xi32>
        %broadcast_in_dim3A_479 = vector.shape_cast %select_n3A_478 : vector<16xi32> to vector<16x1xi32>
        %gather3A_480 = vector.shape_cast %broadcast_in_dim3A_479 : vector<16x1xi32> to vector<16xi32>
        %gather3A_481 = tpu.dynamic_gather %get3A_169[%gather3A_480] in [0] : vector<16xf32>, vector<16xi32> -> vector<16xf32>
        %swap3A_482 = arith.constant 21 : i32
        %swap3A_483 = arith.index_cast %swap3A_482 : i32 to index
        %swap3A_484 = arith.index_cast %shift_right_arithmetic3A_387 : i32 to index
        %swap3A_485 = arith.index_cast %mul3A_390 : i32 to index
        %swap3A_486 = tpu.vector_load %arg8[%swap3A_483, %swap3A_484, %swap3A_485] {strides = array<i32>} : memref<32x8x256xf32, #tpu.memory_space<vmem>>, vector<16xf32>,
        tpu.vector_store %arg8[%swap3A_483, %swap3A_484, %swap3A_485], %gather3A_481 {strides = array<i32>} : memref<32x8x256xf32, #tpu.memory_space<vmem>>, vector<16xf32>,
        %lt3A_487 = arith.constant 0 : i32
        %lt3A_488 = vector.broadcast %lt3A_487 : i32 to vector<16xi32>
        %lt3A_489 = arith.cmpi slt, %min3A_401, %lt3A_488 : vector<16xi32>
        %add3A_490 = arith.constant 16 : i32
        %add3A_491 = vector.broadcast %add3A_490 : i32 to vector<16xi32>
        %add3A_492 = arith.addi %min3A_401, %add3A_491 : vector<16xi32>
        %select_n3A_493 = arith.select %lt3A_489, %add3A_492, %min3A_401 : vector<16xi1>, vector<16xi32>
        %broadcast_in_dim3A_494 = vector.shape_cast %select_n3A_493 : vector<16xi32> to vector<16x1xi32>
        %gather3A_495 = vector.shape_cast %broadcast_in_dim3A_494 : vector<16x1xi32> to vector<16xi32>
        %gather3A_496 = tpu.dynamic_gather %get3A_171[%gather3A_495] in [0] : vector<16xf32>, vector<16xi32> -> vector<16xf32>
        %swap3A_497 = arith.constant 22 : i32
        %swap3A_498 = arith.index_cast %swap3A_497 : i32 to index
        %swap3A_499 = arith.index_cast %shift_right_arithmetic3A_387 : i32 to index
        %swap3A_500 = arith.index_cast %mul3A_390 : i32 to index
        %swap3A_501 = tpu.vector_load %arg8[%swap3A_498, %swap3A_499, %swap3A_500] {strides = array<i32>} : memref<32x8x256xf32, #tpu.memory_space<vmem>>, vector<16xf32>,
        tpu.vector_store %arg8[%swap3A_498, %swap3A_499, %swap3A_500], %gather3A_496 {strides = array<i32>} : memref<32x8x256xf32, #tpu.memory_space<vmem>>, vector<16xf32>,
        %lt3A_502 = arith.constant 0 : i32
        %lt3A_503 = vector.broadcast %lt3A_502 : i32 to vector<16xi32>
        %lt3A_504 = arith.cmpi slt, %min3A_401, %lt3A_503 : vector<16xi32>
        %add3A_505 = arith.constant 16 : i32
        %add3A_506 = vector.broadcast %add3A_505 : i32 to vector<16xi32>
        %add3A_507 = arith.addi %min3A_401, %add3A_506 : vector<16xi32>
        %select_n3A_508 = arith.select %lt3A_504, %add3A_507, %min3A_401 : vector<16xi1>, vector<16xi32>
        %broadcast_in_dim3A_509 = vector.shape_cast %select_n3A_508 : vector<16xi32> to vector<16x1xi32>
        %gather3A_510 = vector.shape_cast %broadcast_in_dim3A_509 : vector<16x1xi32> to vector<16xi32>
        %gather3A_511 = tpu.dynamic_gather %get3A_173[%gather3A_510] in [0] : vector<16xf32>, vector<16xi32> -> vector<16xf32>
        %swap3A_512 = arith.constant 23 : i32
        %swap3A_513 = arith.index_cast %swap3A_512 : i32 to index
        %swap3A_514 = arith.index_cast %shift_right_arithmetic3A_387 : i32 to index
        %swap3A_515 = arith.index_cast %mul3A_390 : i32 to index
        %swap3A_516 = tpu.vector_load %arg8[%swap3A_513, %swap3A_514, %swap3A_515] {strides = array<i32>} : memref<32x8x256xf32, #tpu.memory_space<vmem>>, vector<16xf32>,
        tpu.vector_store %arg8[%swap3A_513, %swap3A_514, %swap3A_515], %gather3A_511 {strides = array<i32>} : memref<32x8x256xf32, #tpu.memory_space<vmem>>, vector<16xf32>,
        %lt3A_517 = arith.constant 0 : i32
        %lt3A_518 = vector.broadcast %lt3A_517 : i32 to vector<16xi32>
        %lt3A_519 = arith.cmpi slt, %min3A_401, %lt3A_518 : vector<16xi32>
        %add3A_520 = arith.constant 16 : i32
        %add3A_521 = vector.broadcast %add3A_520 : i32 to vector<16xi32>
        %add3A_522 = arith.addi %min3A_401, %add3A_521 : vector<16xi32>
        %select_n3A_523 = arith.select %lt3A_519, %add3A_522, %min3A_401 : vector<16xi1>, vector<16xi32>
        %broadcast_in_dim3A_524 = vector.shape_cast %select_n3A_523 : vector<16xi32> to vector<16x1xi32>
        %gather3A_525 = vector.shape_cast %broadcast_in_dim3A_524 : vector<16x1xi32> to vector<16xi32>
        %gather3A_526 = tpu.dynamic_gather %get3A_175[%gather3A_525] in [0] : vector<16xf32>, vector<16xi32> -> vector<16xf32>
        %swap3A_527 = arith.constant 24 : i32
        %swap3A_528 = arith.index_cast %swap3A_527 : i32 to index
        %swap3A_529 = arith.index_cast %shift_right_arithmetic3A_387 : i32 to index
        %swap3A_530 = arith.index_cast %mul3A_390 : i32 to index
        %swap3A_531 = tpu.vector_load %arg8[%swap3A_528, %swap3A_529, %swap3A_530] {strides = array<i32>} : memref<32x8x256xf32, #tpu.memory_space<vmem>>, vector<16xf32>,
        tpu.vector_store %arg8[%swap3A_528, %swap3A_529, %swap3A_530], %gather3A_526 {strides = array<i32>} : memref<32x8x256xf32, #tpu.memory_space<vmem>>, vector<16xf32>,
        %lt3A_532 = arith.constant 0 : i32
        %lt3A_533 = vector.broadcast %lt3A_532 : i32 to vector<16xi32>
        %lt3A_534 = arith.cmpi slt, %min3A_401, %lt3A_533 : vector<16xi32>
        %add3A_535 = arith.constant 16 : i32
        %add3A_536 = vector.broadcast %add3A_535 : i32 to vector<16xi32>
        %add3A_537 = arith.addi %min3A_401, %add3A_536 : vector<16xi32>
        %select_n3A_538 = arith.select %lt3A_534, %add3A_537, %min3A_401 : vector<16xi1>, vector<16xi32>
        %broadcast_in_dim3A_539 = vector.shape_cast %select_n3A_538 : vector<16xi32> to vector<16x1xi32>
        %gather3A_540 = vector.shape_cast %broadcast_in_dim3A_539 : vector<16x1xi32> to vector<16xi32>
        %gather3A_541 = tpu.dynamic_gather %get3A_177[%gather3A_540] in [0] : vector<16xf32>, vector<16xi32> -> vector<16xf32>
        %swap3A_542 = arith.constant 25 : i32
        %swap3A_543 = arith.index_cast %swap3A_542 : i32 to index
        %swap3A_544 = arith.index_cast %shift_right_arithmetic3A_387 : i32 to index
        %swap3A_545 = arith.index_cast %mul3A_390 : i32 to index
        %swap3A_546 = tpu.vector_load %arg8[%swap3A_543, %swap3A_544, %swap3A_545] {strides = array<i32>} : memref<32x8x256xf32, #tpu.memory_space<vmem>>, vector<16xf32>,
        tpu.vector_store %arg8[%swap3A_543, %swap3A_544, %swap3A_545], %gather3A_541 {strides = array<i32>} : memref<32x8x256xf32, #tpu.memory_space<vmem>>, vector<16xf32>,
        %lt3A_547 = arith.constant 0 : i32
        %lt3A_548 = vector.broadcast %lt3A_547 : i32 to vector<16xi32>
        %lt3A_549 = arith.cmpi slt, %min3A_401, %lt3A_548 : vector<16xi32>
        %add3A_550 = arith.constant 16 : i32
        %add3A_551 = vector.broadcast %add3A_550 : i32 to vector<16xi32>
        %add3A_552 = arith.addi %min3A_401, %add3A_551 : vector<16xi32>
        %select_n3A_553 = arith.select %lt3A_549, %add3A_552, %min3A_401 : vector<16xi1>, vector<16xi32>
        %broadcast_in_dim3A_554 = vector.shape_cast %select_n3A_553 : vector<16xi32> to vector<16x1xi32>
        %gather3A_555 = vector.shape_cast %broadcast_in_dim3A_554 : vector<16x1xi32> to vector<16xi32>
        %gather3A_556 = tpu.dynamic_gather %get3A_179[%gather3A_555] in [0] : vector<16xf32>, vector<16xi32> -> vector<16xf32>
        %swap3A_557 = arith.constant 26 : i32
        %swap3A_558 = arith.index_cast %swap3A_557 : i32 to index
        %swap3A_559 = arith.index_cast %shift_right_arithmetic3A_387 : i32 to index
        %swap3A_560 = arith.index_cast %mul3A_390 : i32 to index
        %swap3A_561 = tpu.vector_load %arg8[%swap3A_558, %swap3A_559, %swap3A_560] {strides = array<i32>} : memref<32x8x256xf32, #tpu.memory_space<vmem>>, vector<16xf32>,
        tpu.vector_store %arg8[%swap3A_558, %swap3A_559, %swap3A_560], %gather3A_556 {strides = array<i32>} : memref<32x8x256xf32, #tpu.memory_space<vmem>>, vector<16xf32>,
        %lt3A_562 = arith.constant 0 : i32
        %lt3A_563 = vector.broadcast %lt3A_562 : i32 to vector<16xi32>
        %lt3A_564 = arith.cmpi slt, %min3A_401, %lt3A_563 : vector<16xi32>
        %add3A_565 = arith.constant 16 : i32
        %add3A_566 = vector.broadcast %add3A_565 : i32 to vector<16xi32>
        %add3A_567 = arith.addi %min3A_401, %add3A_566 : vector<16xi32>
        %select_n3A_568 = arith.select %lt3A_564, %add3A_567, %min3A_401 : vector<16xi1>, vector<16xi32>
        %broadcast_in_dim3A_569 = vector.shape_cast %select_n3A_568 : vector<16xi32> to vector<16x1xi32>
        %gather3A_570 = vector.shape_cast %broadcast_in_dim3A_569 : vector<16x1xi32> to vector<16xi32>
        %gather3A_571 = tpu.dynamic_gather %get3A_181[%gather3A_570] in [0] : vector<16xf32>, vector<16xi32> -> vector<16xf32>
        %swap3A_572 = arith.constant 27 : i32
        %swap3A_573 = arith.index_cast %swap3A_572 : i32 to index
        %swap3A_574 = arith.index_cast %shift_right_arithmetic3A_387 : i32 to index
        %swap3A_575 = arith.index_cast %mul3A_390 : i32 to index
        %swap3A_576 = tpu.vector_load %arg8[%swap3A_573, %swap3A_574, %swap3A_575] {strides = array<i32>} : memref<32x8x256xf32, #tpu.memory_space<vmem>>, vector<16xf32>,
        tpu.vector_store %arg8[%swap3A_573, %swap3A_574, %swap3A_575], %gather3A_571 {strides = array<i32>} : memref<32x8x256xf32, #tpu.memory_space<vmem>>, vector<16xf32>,
        %lt3A_577 = arith.constant 0 : i32
        %lt3A_578 = vector.broadcast %lt3A_577 : i32 to vector<16xi32>
        %lt3A_579 = arith.cmpi slt, %min3A_401, %lt3A_578 : vector<16xi32>
        %add3A_580 = arith.constant 16 : i32
        %add3A_581 = vector.broadcast %add3A_580 : i32 to vector<16xi32>
        %add3A_582 = arith.addi %min3A_401, %add3A_581 : vector<16xi32>
        %select_n3A_583 = arith.select %lt3A_579, %add3A_582, %min3A_401 : vector<16xi1>, vector<16xi32>
        %broadcast_in_dim3A_584 = vector.shape_cast %select_n3A_583 : vector<16xi32> to vector<16x1xi32>
        %gather3A_585 = vector.shape_cast %broadcast_in_dim3A_584 : vector<16x1xi32> to vector<16xi32>
        %gather3A_586 = tpu.dynamic_gather %get3A_183[%gather3A_585] in [0] : vector<16xf32>, vector<16xi32> -> vector<16xf32>
        %swap3A_587 = arith.constant 28 : i32
        %swap3A_588 = arith.index_cast %swap3A_587 : i32 to index
        %swap3A_589 = arith.index_cast %shift_right_arithmetic3A_387 : i32 to index
        %swap3A_590 = arith.index_cast %mul3A_390 : i32 to index
        %swap3A_591 = tpu.vector_load %arg8[%swap3A_588, %swap3A_589, %swap3A_590] {strides = array<i32>} : memref<32x8x256xf32, #tpu.memory_space<vmem>>, vector<16xf32>,
        tpu.vector_store %arg8[%swap3A_588, %swap3A_589, %swap3A_590], %gather3A_586 {strides = array<i32>} : memref<32x8x256xf32, #tpu.memory_space<vmem>>, vector<16xf32>,
        %lt3A_592 = arith.constant 0 : i32
        %lt3A_593 = vector.broadcast %lt3A_592 : i32 to vector<16xi32>
        %lt3A_594 = arith.cmpi slt, %min3A_401, %lt3A_593 : vector<16xi32>
        %add3A_595 = arith.constant 16 : i32
        %add3A_596 = vector.broadcast %add3A_595 : i32 to vector<16xi32>
        %add3A_597 = arith.addi %min3A_401, %add3A_596 : vector<16xi32>
        %select_n3A_598 = arith.select %lt3A_594, %add3A_597, %min3A_401 : vector<16xi1>, vector<16xi32>
        %broadcast_in_dim3A_599 = vector.shape_cast %select_n3A_598 : vector<16xi32> to vector<16x1xi32>
        %gather3A_600 = vector.shape_cast %broadcast_in_dim3A_599 : vector<16x1xi32> to vector<16xi32>
        %gather3A_601 = tpu.dynamic_gather %get3A_185[%gather3A_600] in [0] : vector<16xf32>, vector<16xi32> -> vector<16xf32>
        %swap3A_602 = arith.constant 29 : i32
        %swap3A_603 = arith.index_cast %swap3A_602 : i32 to index
        %swap3A_604 = arith.index_cast %shift_right_arithmetic3A_387 : i32 to index
        %swap3A_605 = arith.index_cast %mul3A_390 : i32 to index
        %swap3A_606 = tpu.vector_load %arg8[%swap3A_603, %swap3A_604, %swap3A_605] {strides = array<i32>} : memref<32x8x256xf32, #tpu.memory_space<vmem>>, vector<16xf32>,
        tpu.vector_store %arg8[%swap3A_603, %swap3A_604, %swap3A_605], %gather3A_601 {strides = array<i32>} : memref<32x8x256xf32, #tpu.memory_space<vmem>>, vector<16xf32>,
        %lt3A_607 = arith.constant 0 : i32
        %lt3A_608 = vector.broadcast %lt3A_607 : i32 to vector<16xi32>
        %lt3A_609 = arith.cmpi slt, %min3A_401, %lt3A_608 : vector<16xi32>
        %add3A_610 = arith.constant 16 : i32
        %add3A_611 = vector.broadcast %add3A_610 : i32 to vector<16xi32>
        %add3A_612 = arith.addi %min3A_401, %add3A_611 : vector<16xi32>
        %select_n3A_613 = arith.select %lt3A_609, %add3A_612, %min3A_401 : vector<16xi1>, vector<16xi32>
        %broadcast_in_dim3A_614 = vector.shape_cast %select_n3A_613 : vector<16xi32> to vector<16x1xi32>
        %gather3A_615 = vector.shape_cast %broadcast_in_dim3A_614 : vector<16x1xi32> to vector<16xi32>
        %gather3A_616 = tpu.dynamic_gather %get3A_187[%gather3A_615] in [0] : vector<16xf32>, vector<16xi32> -> vector<16xf32>
        %swap3A_617 = arith.constant 30 : i32
        %swap3A_618 = arith.index_cast %swap3A_617 : i32 to index
        %swap3A_619 = arith.index_cast %shift_right_arithmetic3A_387 : i32 to index
        %swap3A_620 = arith.index_cast %mul3A_390 : i32 to index
        %swap3A_621 = tpu.vector_load %arg8[%swap3A_618, %swap3A_619, %swap3A_620] {strides = array<i32>} : memref<32x8x256xf32, #tpu.memory_space<vmem>>, vector<16xf32>,
        tpu.vector_store %arg8[%swap3A_618, %swap3A_619, %swap3A_620], %gather3A_616 {strides = array<i32>} : memref<32x8x256xf32, #tpu.memory_space<vmem>>, vector<16xf32>,
        %lt3A_622 = arith.constant 0 : i32
        %lt3A_623 = vector.broadcast %lt3A_622 : i32 to vector<16xi32>
        %lt3A_624 = arith.cmpi slt, %min3A_401, %lt3A_623 : vector<16xi32>
        %add3A_625 = arith.constant 16 : i32
        %add3A_626 = vector.broadcast %add3A_625 : i32 to vector<16xi32>
        %add3A_627 = arith.addi %min3A_401, %add3A_626 : vector<16xi32>
        %select_n3A_628 = arith.select %lt3A_624, %add3A_627, %min3A_401 : vector<16xi1>, vector<16xi32>
        %broadcast_in_dim3A_629 = vector.shape_cast %select_n3A_628 : vector<16xi32> to vector<16x1xi32>
        %gather3A_630 = vector.shape_cast %broadcast_in_dim3A_629 : vector<16x1xi32> to vector<16xi32>
        %gather3A_631 = tpu.dynamic_gather %get3A_189[%gather3A_630] in [0] : vector<16xf32>, vector<16xi32> -> vector<16xf32>
        %swap3A_632 = arith.constant 31 : i32
        %swap3A_633 = arith.index_cast %swap3A_632 : i32 to index
        %swap3A_634 = arith.index_cast %shift_right_arithmetic3A_387 : i32 to index
        %swap3A_635 = arith.index_cast %mul3A_390 : i32 to index
        %swap3A_636 = tpu.vector_load %arg8[%swap3A_633, %swap3A_634, %swap3A_635] {strides = array<i32>} : memref<32x8x256xf32, #tpu.memory_space<vmem>>, vector<16xf32>,
        tpu.vector_store %arg8[%swap3A_633, %swap3A_634, %swap3A_635], %gather3A_631 {strides = array<i32>} : memref<32x8x256xf32, #tpu.memory_space<vmem>>, vector<16xf32>,
        %scan3A_637 = arith.constant 0 : i32
        %scan3A_638 = arith.constant 1 : i32
        %scan3A_639 = arith.addi %scan3A_385, %scan3A_638 : i32
        %shift_right_arithmetic3A_640 = arith.constant 4 : i32
        %shift_right_arithmetic3A_641 = arith.shrsi %scan3A_639, %shift_right_arithmetic3A_640 : i32
        %and3A_642 = arith.constant 15 : i32
        %and3A_643 = arith.andi %scan3A_639, %and3A_642 : i32
        %mul3A_644 = arith.constant 16 : i32
        %mul3A_645 = arith.muli %and3A_643, %mul3A_644 : i32
        %get3A_646 = arith.index_cast %shift_right_arithmetic3A_641 : i32 to index
        %get3A_647 = arith.index_cast %mul3A_645 : i32 to index
        %get3A_648 = tpu.vector_load %arg6[%get3A_646, %get3A_647] {strides = array<i32>} : memref<8x256xi32, #tpu.memory_space<vmem>>, vector<16xi32>,
        %add3A_649 = arith.constant 1 : i32
        %add3A_650 = vector.broadcast %add3A_649 : i32 to vector<16xi32>
        %add3A_651 = arith.addi %get3A_648, %add3A_650 : vector<16xi32>
        %max3A_652 = arith.constant 0 : i32
        %max3A_653 = vector.broadcast %max3A_652 : i32 to vector<16xi32>
        %max3A_654 = arith.maxsi %add3A_651, %max3A_653 : vector<16xi32>
        %min3A_655 = arith.constant 11 : i32
        %min3A_656 = vector.broadcast %min3A_655 : i32 to vector<16xi32>
        %min3A_657 = arith.minsi %max3A_654, %min3A_656 : vector<16xi32>
        %lt3A_658 = arith.constant 0 : i32
        %lt3A_659 = vector.broadcast %lt3A_658 : i32 to vector<16xi32>
        %lt3A_660 = arith.cmpi slt, %min3A_657, %lt3A_659 : vector<16xi32>
        %add3A_661 = arith.constant 16 : i32
        %add3A_662 = vector.broadcast %add3A_661 : i32 to vector<16xi32>
        %add3A_663 = arith.addi %min3A_657, %add3A_662 : vector<16xi32>
        %select_n3A_664 = arith.select %lt3A_660, %add3A_663, %min3A_657 : vector<16xi1>, vector<16xi32>
        %broadcast_in_dim3A_665 = vector.shape_cast %select_n3A_664 : vector<16xi32> to vector<16x1xi32>
        %gather3A_666 = vector.shape_cast %broadcast_in_dim3A_665 : vector<16x1xi32> to vector<16xi32>
        %gather3A_667 = tpu.dynamic_gather %get3A_159[%gather3A_666] in [0] : vector<16xf32>, vector<16xi32> -> vector<16xf32>
        %swap3A_668 = arith.constant 16 : i32
        %swap3A_669 = arith.index_cast %swap3A_668 : i32 to index
        %swap3A_670 = arith.index_cast %shift_right_arithmetic3A_641 : i32 to index
        %swap3A_671 = arith.index_cast %mul3A_645 : i32 to index
        %swap3A_672 = tpu.vector_load %arg8[%swap3A_669, %swap3A_670, %swap3A_671] {strides = array<i32>} : memref<32x8x256xf32, #tpu.memory_space<vmem>>, vector<16xf32>,
        tpu.vector_store %arg8[%swap3A_669, %swap3A_670, %swap3A_671], %gather3A_667 {strides = array<i32>} : memref<32x8x256xf32, #tpu.memory_space<vmem>>, vector<16xf32>,
        %lt3A_673 = arith.constant 0 : i32
        %lt3A_674 = vector.broadcast %lt3A_673 : i32 to vector<16xi32>
        %lt3A_675 = arith.cmpi slt, %min3A_657, %lt3A_674 : vector<16xi32>
        %add3A_676 = arith.constant 16 : i32
        %add3A_677 = vector.broadcast %add3A_676 : i32 to vector<16xi32>
        %add3A_678 = arith.addi %min3A_657, %add3A_677 : vector<16xi32>
        %select_n3A_679 = arith.select %lt3A_675, %add3A_678, %min3A_657 : vector<16xi1>, vector<16xi32>
        %broadcast_in_dim3A_680 = vector.shape_cast %select_n3A_679 : vector<16xi32> to vector<16x1xi32>
        %gather3A_681 = vector.shape_cast %broadcast_in_dim3A_680 : vector<16x1xi32> to vector<16xi32>
        %gather3A_682 = tpu.dynamic_gather %get3A_161[%gather3A_681] in [0] : vector<16xf32>, vector<16xi32> -> vector<16xf32>
        %swap3A_683 = arith.constant 17 : i32
        %swap3A_684 = arith.index_cast %swap3A_683 : i32 to index
        %swap3A_685 = arith.index_cast %shift_right_arithmetic3A_641 : i32 to index
        %swap3A_686 = arith.index_cast %mul3A_645 : i32 to index
        %swap3A_687 = tpu.vector_load %arg8[%swap3A_684, %swap3A_685, %swap3A_686] {strides = array<i32>} : memref<32x8x256xf32, #tpu.memory_space<vmem>>, vector<16xf32>,
        tpu.vector_store %arg8[%swap3A_684, %swap3A_685, %swap3A_686], %gather3A_682 {strides = array<i32>} : memref<32x8x256xf32, #tpu.memory_space<vmem>>, vector<16xf32>,
        %lt3A_688 = arith.constant 0 : i32
        %lt3A_689 = vector.broadcast %lt3A_688 : i32 to vector<16xi32>
        %lt3A_690 = arith.cmpi slt, %min3A_657, %lt3A_689 : vector<16xi32>
        %add3A_691 = arith.constant 16 : i32
        %add3A_692 = vector.broadcast %add3A_691 : i32 to vector<16xi32>
        %add3A_693 = arith.addi %min3A_657, %add3A_692 : vector<16xi32>
        %select_n3A_694 = arith.select %lt3A_690, %add3A_693, %min3A_657 : vector<16xi1>, vector<16xi32>
        %broadcast_in_dim3A_695 = vector.shape_cast %select_n3A_694 : vector<16xi32> to vector<16x1xi32>
        %gather3A_696 = vector.shape_cast %broadcast_in_dim3A_695 : vector<16x1xi32> to vector<16xi32>
        %gather3A_697 = tpu.dynamic_gather %get3A_163[%gather3A_696] in [0] : vector<16xf32>, vector<16xi32> -> vector<16xf32>
        %swap3A_698 = arith.constant 18 : i32
        %swap3A_699 = arith.index_cast %swap3A_698 : i32 to index
        %swap3A_700 = arith.index_cast %shift_right_arithmetic3A_641 : i32 to index
        %swap3A_701 = arith.index_cast %mul3A_645 : i32 to index
        %swap3A_702 = tpu.vector_load %arg8[%swap3A_699, %swap3A_700, %swap3A_701] {strides = array<i32>} : memref<32x8x256xf32, #tpu.memory_space<vmem>>, vector<16xf32>,
        tpu.vector_store %arg8[%swap3A_699, %swap3A_700, %swap3A_701], %gather3A_697 {strides = array<i32>} : memref<32x8x256xf32, #tpu.memory_space<vmem>>, vector<16xf32>,
        %lt3A_703 = arith.constant 0 : i32
        %lt3A_704 = vector.broadcast %lt3A_703 : i32 to vector<16xi32>
        %lt3A_705 = arith.cmpi slt, %min3A_657, %lt3A_704 : vector<16xi32>
        %add3A_706 = arith.constant 16 : i32
        %add3A_707 = vector.broadcast %add3A_706 : i32 to vector<16xi32>
        %add3A_708 = arith.addi %min3A_657, %add3A_707 : vector<16xi32>
        %select_n3A_709 = arith.select %lt3A_705, %add3A_708, %min3A_657 : vector<16xi1>, vector<16xi32>
        %broadcast_in_dim3A_710 = vector.shape_cast %select_n3A_709 : vector<16xi32> to vector<16x1xi32>
        %gather3A_711 = vector.shape_cast %broadcast_in_dim3A_710 : vector<16x1xi32> to vector<16xi32>
        %gather3A_712 = tpu.dynamic_gather %get3A_165[%gather3A_711] in [0] : vector<16xf32>, vector<16xi32> -> vector<16xf32>
        %swap3A_713 = arith.constant 19 : i32
        %swap3A_714 = arith.index_cast %swap3A_713 : i32 to index
        %swap3A_715 = arith.index_cast %shift_right_arithmetic3A_641 : i32 to index
        %swap3A_716 = arith.index_cast %mul3A_645 : i32 to index
        %swap3A_717 = tpu.vector_load %arg8[%swap3A_714, %swap3A_715, %swap3A_716] {strides = array<i32>} : memref<32x8x256xf32, #tpu.memory_space<vmem>>, vector<16xf32>,
        tpu.vector_store %arg8[%swap3A_714, %swap3A_715, %swap3A_716], %gather3A_712 {strides = array<i32>} : memref<32x8x256xf32, #tpu.memory_space<vmem>>, vector<16xf32>,
        %lt3A_718 = arith.constant 0 : i32
        %lt3A_719 = vector.broadcast %lt3A_718 : i32 to vector<16xi32>
        %lt3A_720 = arith.cmpi slt, %min3A_657, %lt3A_719 : vector<16xi32>
        %add3A_721 = arith.constant 16 : i32
        %add3A_722 = vector.broadcast %add3A_721 : i32 to vector<16xi32>
        %add3A_723 = arith.addi %min3A_657, %add3A_722 : vector<16xi32>
        %select_n3A_724 = arith.select %lt3A_720, %add3A_723, %min3A_657 : vector<16xi1>, vector<16xi32>
        %broadcast_in_dim3A_725 = vector.shape_cast %select_n3A_724 : vector<16xi32> to vector<16x1xi32>
        %gather3A_726 = vector.shape_cast %broadcast_in_dim3A_725 : vector<16x1xi32> to vector<16xi32>
        %gather3A_727 = tpu.dynamic_gather %get3A_167[%gather3A_726] in [0] : vector<16xf32>, vector<16xi32> -> vector<16xf32>
        %swap3A_728 = arith.constant 20 : i32
        %swap3A_729 = arith.index_cast %swap3A_728 : i32 to index
        %swap3A_730 = arith.index_cast %shift_right_arithmetic3A_641 : i32 to index
        %swap3A_731 = arith.index_cast %mul3A_645 : i32 to index
        %swap3A_732 = tpu.vector_load %arg8[%swap3A_729, %swap3A_730, %swap3A_731] {strides = array<i32>} : memref<32x8x256xf32, #tpu.memory_space<vmem>>, vector<16xf32>,
        tpu.vector_store %arg8[%swap3A_729, %swap3A_730, %swap3A_731], %gather3A_727 {strides = array<i32>} : memref<32x8x256xf32, #tpu.memory_space<vmem>>, vector<16xf32>,
        %lt3A_733 = arith.constant 0 : i32
        %lt3A_734 = vector.broadcast %lt3A_733 : i32 to vector<16xi32>
        %lt3A_735 = arith.cmpi slt, %min3A_657, %lt3A_734 : vector<16xi32>
        %add3A_736 = arith.constant 16 : i32
        %add3A_737 = vector.broadcast %add3A_736 : i32 to vector<16xi32>
        %add3A_738 = arith.addi %min3A_657, %add3A_737 : vector<16xi32>
        %select_n3A_739 = arith.select %lt3A_735, %add3A_738, %min3A_657 : vector<16xi1>, vector<16xi32>
        %broadcast_in_dim3A_740 = vector.shape_cast %select_n3A_739 : vector<16xi32> to vector<16x1xi32>
        %gather3A_741 = vector.shape_cast %broadcast_in_dim3A_740 : vector<16x1xi32> to vector<16xi32>
        %gather3A_742 = tpu.dynamic_gather %get3A_169[%gather3A_741] in [0] : vector<16xf32>, vector<16xi32> -> vector<16xf32>
        %swap3A_743 = arith.constant 21 : i32
        %swap3A_744 = arith.index_cast %swap3A_743 : i32 to index
        %swap3A_745 = arith.index_cast %shift_right_arithmetic3A_641 : i32 to index
        %swap3A_746 = arith.index_cast %mul3A_645 : i32 to index
        %swap3A_747 = tpu.vector_load %arg8[%swap3A_744, %swap3A_745, %swap3A_746] {strides = array<i32>} : memref<32x8x256xf32, #tpu.memory_space<vmem>>, vector<16xf32>,
        tpu.vector_store %arg8[%swap3A_744, %swap3A_745, %swap3A_746], %gather3A_742 {strides = array<i32>} : memref<32x8x256xf32, #tpu.memory_space<vmem>>, vector<16xf32>,
        %lt3A_748 = arith.constant 0 : i32
        %lt3A_749 = vector.broadcast %lt3A_748 : i32 to vector<16xi32>
        %lt3A_750 = arith.cmpi slt, %min3A_657, %lt3A_749 : vector<16xi32>
        %add3A_751 = arith.constant 16 : i32
        %add3A_752 = vector.broadcast %add3A_751 : i32 to vector<16xi32>
        %add3A_753 = arith.addi %min3A_657, %add3A_752 : vector<16xi32>
        %select_n3A_754 = arith.select %lt3A_750, %add3A_753, %min3A_657 : vector<16xi1>, vector<16xi32>
        %broadcast_in_dim3A_755 = vector.shape_cast %select_n3A_754 : vector<16xi32> to vector<16x1xi32>
        %gather3A_756 = vector.shape_cast %broadcast_in_dim3A_755 : vector<16x1xi32> to vector<16xi32>
        %gather3A_757 = tpu.dynamic_gather %get3A_171[%gather3A_756] in [0] : vector<16xf32>, vector<16xi32> -> vector<16xf32>
        %swap3A_758 = arith.constant 22 : i32
        %swap3A_759 = arith.index_cast %swap3A_758 : i32 to index
        %swap3A_760 = arith.index_cast %shift_right_arithmetic3A_641 : i32 to index
        %swap3A_761 = arith.index_cast %mul3A_645 : i32 to index
        %swap3A_762 = tpu.vector_load %arg8[%swap3A_759, %swap3A_760, %swap3A_761] {strides = array<i32>} : memref<32x8x256xf32, #tpu.memory_space<vmem>>, vector<16xf32>,
        tpu.vector_store %arg8[%swap3A_759, %swap3A_760, %swap3A_761], %gather3A_757 {strides = array<i32>} : memref<32x8x256xf32, #tpu.memory_space<vmem>>, vector<16xf32>,
        %lt3A_763 = arith.constant 0 : i32
        %lt3A_764 = vector.broadcast %lt3A_763 : i32 to vector<16xi32>
        %lt3A_765 = arith.cmpi slt, %min3A_657, %lt3A_764 : vector<16xi32>
        %add3A_766 = arith.constant 16 : i32
        %add3A_767 = vector.broadcast %add3A_766 : i32 to vector<16xi32>
        %add3A_768 = arith.addi %min3A_657, %add3A_767 : vector<16xi32>
        %select_n3A_769 = arith.select %lt3A_765, %add3A_768, %min3A_657 : vector<16xi1>, vector<16xi32>
        %broadcast_in_dim3A_770 = vector.shape_cast %select_n3A_769 : vector<16xi32> to vector<16x1xi32>
        %gather3A_771 = vector.shape_cast %broadcast_in_dim3A_770 : vector<16x1xi32> to vector<16xi32>
        %gather3A_772 = tpu.dynamic_gather %get3A_173[%gather3A_771] in [0] : vector<16xf32>, vector<16xi32> -> vector<16xf32>
        %swap3A_773 = arith.constant 23 : i32
        %swap3A_774 = arith.index_cast %swap3A_773 : i32 to index
        %swap3A_775 = arith.index_cast %shift_right_arithmetic3A_641 : i32 to index
        %swap3A_776 = arith.index_cast %mul3A_645 : i32 to index
        %swap3A_777 = tpu.vector_load %arg8[%swap3A_774, %swap3A_775, %swap3A_776] {strides = array<i32>} : memref<32x8x256xf32, #tpu.memory_space<vmem>>, vector<16xf32>,
        tpu.vector_store %arg8[%swap3A_774, %swap3A_775, %swap3A_776], %gather3A_772 {strides = array<i32>} : memref<32x8x256xf32, #tpu.memory_space<vmem>>, vector<16xf32>,
        %lt3A_778 = arith.constant 0 : i32
        %lt3A_779 = vector.broadcast %lt3A_778 : i32 to vector<16xi32>
        %lt3A_780 = arith.cmpi slt, %min3A_657, %lt3A_779 : vector<16xi32>
        %add3A_781 = arith.constant 16 : i32
        %add3A_782 = vector.broadcast %add3A_781 : i32 to vector<16xi32>
        %add3A_783 = arith.addi %min3A_657, %add3A_782 : vector<16xi32>
        %select_n3A_784 = arith.select %lt3A_780, %add3A_783, %min3A_657 : vector<16xi1>, vector<16xi32>
        %broadcast_in_dim3A_785 = vector.shape_cast %select_n3A_784 : vector<16xi32> to vector<16x1xi32>
        %gather3A_786 = vector.shape_cast %broadcast_in_dim3A_785 : vector<16x1xi32> to vector<16xi32>
        %gather3A_787 = tpu.dynamic_gather %get3A_175[%gather3A_786] in [0] : vector<16xf32>, vector<16xi32> -> vector<16xf32>
        %swap3A_788 = arith.constant 24 : i32
        %swap3A_789 = arith.index_cast %swap3A_788 : i32 to index
        %swap3A_790 = arith.index_cast %shift_right_arithmetic3A_641 : i32 to index
        %swap3A_791 = arith.index_cast %mul3A_645 : i32 to index
        %swap3A_792 = tpu.vector_load %arg8[%swap3A_789, %swap3A_790, %swap3A_791] {strides = array<i32>} : memref<32x8x256xf32, #tpu.memory_space<vmem>>, vector<16xf32>,
        tpu.vector_store %arg8[%swap3A_789, %swap3A_790, %swap3A_791], %gather3A_787 {strides = array<i32>} : memref<32x8x256xf32, #tpu.memory_space<vmem>>, vector<16xf32>,
        %lt3A_793 = arith.constant 0 : i32
        %lt3A_794 = vector.broadcast %lt3A_793 : i32 to vector<16xi32>
        %lt3A_795 = arith.cmpi slt, %min3A_657, %lt3A_794 : vector<16xi32>
        %add3A_796 = arith.constant 16 : i32
        %add3A_797 = vector.broadcast %add3A_796 : i32 to vector<16xi32>
        %add3A_798 = arith.addi %min3A_657, %add3A_797 : vector<16xi32>
        %select_n3A_799 = arith.select %lt3A_795, %add3A_798, %min3A_657 : vector<16xi1>, vector<16xi32>
        %broadcast_in_dim3A_800 = vector.shape_cast %select_n3A_799 : vector<16xi32> to vector<16x1xi32>
        %gather3A_801 = vector.shape_cast %broadcast_in_dim3A_800 : vector<16x1xi32> to vector<16xi32>
        %gather3A_802 = tpu.dynamic_gather %get3A_177[%gather3A_801] in [0] : vector<16xf32>, vector<16xi32> -> vector<16xf32>
        %swap3A_803 = arith.constant 25 : i32
        %swap3A_804 = arith.index_cast %swap3A_803 : i32 to index
        %swap3A_805 = arith.index_cast %shift_right_arithmetic3A_641 : i32 to index
        %swap3A_806 = arith.index_cast %mul3A_645 : i32 to index
        %swap3A_807 = tpu.vector_load %arg8[%swap3A_804, %swap3A_805, %swap3A_806] {strides = array<i32>} : memref<32x8x256xf32, #tpu.memory_space<vmem>>, vector<16xf32>,
        tpu.vector_store %arg8[%swap3A_804, %swap3A_805, %swap3A_806], %gather3A_802 {strides = array<i32>} : memref<32x8x256xf32, #tpu.memory_space<vmem>>, vector<16xf32>,
        %lt3A_808 = arith.constant 0 : i32
        %lt3A_809 = vector.broadcast %lt3A_808 : i32 to vector<16xi32>
        %lt3A_810 = arith.cmpi slt, %min3A_657, %lt3A_809 : vector<16xi32>
        %add3A_811 = arith.constant 16 : i32
        %add3A_812 = vector.broadcast %add3A_811 : i32 to vector<16xi32>
        %add3A_813 = arith.addi %min3A_657, %add3A_812 : vector<16xi32>
        %select_n3A_814 = arith.select %lt3A_810, %add3A_813, %min3A_657 : vector<16xi1>, vector<16xi32>
        %broadcast_in_dim3A_815 = vector.shape_cast %select_n3A_814 : vector<16xi32> to vector<16x1xi32>
        %gather3A_816 = vector.shape_cast %broadcast_in_dim3A_815 : vector<16x1xi32> to vector<16xi32>
        %gather3A_817 = tpu.dynamic_gather %get3A_179[%gather3A_816] in [0] : vector<16xf32>, vector<16xi32> -> vector<16xf32>
        %swap3A_818 = arith.constant 26 : i32
        %swap3A_819 = arith.index_cast %swap3A_818 : i32 to index
        %swap3A_820 = arith.index_cast %shift_right_arithmetic3A_641 : i32 to index
        %swap3A_821 = arith.index_cast %mul3A_645 : i32 to index
        %swap3A_822 = tpu.vector_load %arg8[%swap3A_819, %swap3A_820, %swap3A_821] {strides = array<i32>} : memref<32x8x256xf32, #tpu.memory_space<vmem>>, vector<16xf32>,
        tpu.vector_store %arg8[%swap3A_819, %swap3A_820, %swap3A_821], %gather3A_817 {strides = array<i32>} : memref<32x8x256xf32, #tpu.memory_space<vmem>>, vector<16xf32>,
        %lt3A_823 = arith.constant 0 : i32
        %lt3A_824 = vector.broadcast %lt3A_823 : i32 to vector<16xi32>
        %lt3A_825 = arith.cmpi slt, %min3A_657, %lt3A_824 : vector<16xi32>
        %add3A_826 = arith.constant 16 : i32
        %add3A_827 = vector.broadcast %add3A_826 : i32 to vector<16xi32>
        %add3A_828 = arith.addi %min3A_657, %add3A_827 : vector<16xi32>
        %select_n3A_829 = arith.select %lt3A_825, %add3A_828, %min3A_657 : vector<16xi1>, vector<16xi32>
        %broadcast_in_dim3A_830 = vector.shape_cast %select_n3A_829 : vector<16xi32> to vector<16x1xi32>
        %gather3A_831 = vector.shape_cast %broadcast_in_dim3A_830 : vector<16x1xi32> to vector<16xi32>
        %gather3A_832 = tpu.dynamic_gather %get3A_181[%gather3A_831] in [0] : vector<16xf32>, vector<16xi32> -> vector<16xf32>
        %swap3A_833 = arith.constant 27 : i32
        %swap3A_834 = arith.index_cast %swap3A_833 : i32 to index
        %swap3A_835 = arith.index_cast %shift_right_arithmetic3A_641 : i32 to index
        %swap3A_836 = arith.index_cast %mul3A_645 : i32 to index
        %swap3A_837 = tpu.vector_load %arg8[%swap3A_834, %swap3A_835, %swap3A_836] {strides = array<i32>} : memref<32x8x256xf32, #tpu.memory_space<vmem>>, vector<16xf32>,
        tpu.vector_store %arg8[%swap3A_834, %swap3A_835, %swap3A_836], %gather3A_832 {strides = array<i32>} : memref<32x8x256xf32, #tpu.memory_space<vmem>>, vector<16xf32>,
        %lt3A_838 = arith.constant 0 : i32
        %lt3A_839 = vector.broadcast %lt3A_838 : i32 to vector<16xi32>
        %lt3A_840 = arith.cmpi slt, %min3A_657, %lt3A_839 : vector<16xi32>
        %add3A_841 = arith.constant 16 : i32
        %add3A_842 = vector.broadcast %add3A_841 : i32 to vector<16xi32>
        %add3A_843 = arith.addi %min3A_657, %add3A_842 : vector<16xi32>
        %select_n3A_844 = arith.select %lt3A_840, %add3A_843, %min3A_657 : vector<16xi1>, vector<16xi32>
        %broadcast_in_dim3A_845 = vector.shape_cast %select_n3A_844 : vector<16xi32> to vector<16x1xi32>
        %gather3A_846 = vector.shape_cast %broadcast_in_dim3A_845 : vector<16x1xi32> to vector<16xi32>
        %gather3A_847 = tpu.dynamic_gather %get3A_183[%gather3A_846] in [0] : vector<16xf32>, vector<16xi32> -> vector<16xf32>
        %swap3A_848 = arith.constant 28 : i32
        %swap3A_849 = arith.index_cast %swap3A_848 : i32 to index
        %swap3A_850 = arith.index_cast %shift_right_arithmetic3A_641 : i32 to index
        %swap3A_851 = arith.index_cast %mul3A_645 : i32 to index
        %swap3A_852 = tpu.vector_load %arg8[%swap3A_849, %swap3A_850, %swap3A_851] {strides = array<i32>} : memref<32x8x256xf32, #tpu.memory_space<vmem>>, vector<16xf32>,
        tpu.vector_store %arg8[%swap3A_849, %swap3A_850, %swap3A_851], %gather3A_847 {strides = array<i32>} : memref<32x8x256xf32, #tpu.memory_space<vmem>>, vector<16xf32>,
        %lt3A_853 = arith.constant 0 : i32
        %lt3A_854 = vector.broadcast %lt3A_853 : i32 to vector<16xi32>
        %lt3A_855 = arith.cmpi slt, %min3A_657, %lt3A_854 : vector<16xi32>
        %add3A_856 = arith.constant 16 : i32
        %add3A_857 = vector.broadcast %add3A_856 : i32 to vector<16xi32>
        %add3A_858 = arith.addi %min3A_657, %add3A_857 : vector<16xi32>
        %select_n3A_859 = arith.select %lt3A_855, %add3A_858, %min3A_657 : vector<16xi1>, vector<16xi32>
        %broadcast_in_dim3A_860 = vector.shape_cast %select_n3A_859 : vector<16xi32> to vector<16x1xi32>
        %gather3A_861 = vector.shape_cast %broadcast_in_dim3A_860 : vector<16x1xi32> to vector<16xi32>
        %gather3A_862 = tpu.dynamic_gather %get3A_185[%gather3A_861] in [0] : vector<16xf32>, vector<16xi32> -> vector<16xf32>
        %swap3A_863 = arith.constant 29 : i32
        %swap3A_864 = arith.index_cast %swap3A_863 : i32 to index
        %swap3A_865 = arith.index_cast %shift_right_arithmetic3A_641 : i32 to index
        %swap3A_866 = arith.index_cast %mul3A_645 : i32 to index
        %swap3A_867 = tpu.vector_load %arg8[%swap3A_864, %swap3A_865, %swap3A_866] {strides = array<i32>} : memref<32x8x256xf32, #tpu.memory_space<vmem>>, vector<16xf32>,
        tpu.vector_store %arg8[%swap3A_864, %swap3A_865, %swap3A_866], %gather3A_862 {strides = array<i32>} : memref<32x8x256xf32, #tpu.memory_space<vmem>>, vector<16xf32>,
        %lt3A_868 = arith.constant 0 : i32
        %lt3A_869 = vector.broadcast %lt3A_868 : i32 to vector<16xi32>
        %lt3A_870 = arith.cmpi slt, %min3A_657, %lt3A_869 : vector<16xi32>
        %add3A_871 = arith.constant 16 : i32
        %add3A_872 = vector.broadcast %add3A_871 : i32 to vector<16xi32>
        %add3A_873 = arith.addi %min3A_657, %add3A_872 : vector<16xi32>
        %select_n3A_874 = arith.select %lt3A_870, %add3A_873, %min3A_657 : vector<16xi1>, vector<16xi32>
        %broadcast_in_dim3A_875 = vector.shape_cast %select_n3A_874 : vector<16xi32> to vector<16x1xi32>
        %gather3A_876 = vector.shape_cast %broadcast_in_dim3A_875 : vector<16x1xi32> to vector<16xi32>
        %gather3A_877 = tpu.dynamic_gather %get3A_187[%gather3A_876] in [0] : vector<16xf32>, vector<16xi32> -> vector<16xf32>
        %swap3A_878 = arith.constant 30 : i32
        %swap3A_879 = arith.index_cast %swap3A_878 : i32 to index
        %swap3A_880 = arith.index_cast %shift_right_arithmetic3A_641 : i32 to index
        %swap3A_881 = arith.index_cast %mul3A_645 : i32 to index
        %swap3A_882 = tpu.vector_load %arg8[%swap3A_879, %swap3A_880, %swap3A_881] {strides = array<i32>} : memref<32x8x256xf32, #tpu.memory_space<vmem>>, vector<16xf32>,
        tpu.vector_store %arg8[%swap3A_879, %swap3A_880, %swap3A_881], %gather3A_877 {strides = array<i32>} : memref<32x8x256xf32, #tpu.memory_space<vmem>>, vector<16xf32>,
        %lt3A_883 = arith.constant 0 : i32
        %lt3A_884 = vector.broadcast %lt3A_883 : i32 to vector<16xi32>
        %lt3A_885 = arith.cmpi slt, %min3A_657, %lt3A_884 : vector<16xi32>
        %add3A_886 = arith.constant 16 : i32
        %add3A_887 = vector.broadcast %add3A_886 : i32 to vector<16xi32>
        %add3A_888 = arith.addi %min3A_657, %add3A_887 : vector<16xi32>
        %select_n3A_889 = arith.select %lt3A_885, %add3A_888, %min3A_657 : vector<16xi1>, vector<16xi32>
        %broadcast_in_dim3A_890 = vector.shape_cast %select_n3A_889 : vector<16xi32> to vector<16x1xi32>
        %gather3A_891 = vector.shape_cast %broadcast_in_dim3A_890 : vector<16x1xi32> to vector<16xi32>
        %gather3A_892 = tpu.dynamic_gather %get3A_189[%gather3A_891] in [0] : vector<16xf32>, vector<16xi32> -> vector<16xf32>
        %swap3A_893 = arith.constant 31 : i32
        %swap3A_894 = arith.index_cast %swap3A_893 : i32 to index
        %swap3A_895 = arith.index_cast %shift_right_arithmetic3A_641 : i32 to index
        %swap3A_896 = arith.index_cast %mul3A_645 : i32 to index
        %swap3A_897 = tpu.vector_load %arg8[%swap3A_894, %swap3A_895, %swap3A_896] {strides = array<i32>} : memref<32x8x256xf32, #tpu.memory_space<vmem>>, vector<16xf32>,
        tpu.vector_store %arg8[%swap3A_894, %swap3A_895, %swap3A_896], %gather3A_892 {strides = array<i32>} : memref<32x8x256xf32, #tpu.memory_space<vmem>>, vector<16xf32>,
        %scan3A_898 = arith.constant 0 : i32
        scf.yield %scan3A_898 : i32
      }
      %scan3A_196 = arith.constant 128 : i32
      %mul3A_197 = arith.constant 32 : i32
      %mul3A_198 = arith.muli %add3A, %mul3A_197 : i32
      %add3A_199 = arith.constant 16 : i32
      %add3A_200 = arith.addi %mul3A_198, %add3A_199 : i32
      %mul3A_201 = arith.constant 8 : i32
      %mul3A_202 = arith.muli %add3A_82, %mul3A_201 : i32
      %dma_start3A_203 = arith.constant 1 : i32
      %dma_start3A_204 = arith.constant 16 : i32
      %dma_start3A_205 = arith.constant 0 : i32
      %dma_start3A_206 = arith.constant 0 : i32
      %dma_start3A_207 = tpu.memref_slice %arg8[%dma_start3A_204, %dma_start3A_205, %dma_start3A_206] : memref<32x8x256xf32, #tpu.memory_space<vmem>> -> memref<16x8x256xf32, #tpu.memory_space<vmem>>
      %dma_start3A_208 = arith.constant 0 : i32
      %dma_start3A_209 = tpu.memref_slice %arg4[%add3A_200, %mul3A_202, %dma_start3A_208] : memref<1024x256x256xf32, #tpu.memory_space<hbm>> -> memref<16x8x256xf32, #tpu.memory_space<hbm>>
      %dma_start3A_210 = tpu.memref_slice %arg11[%dma_start3A_203] : memref<2x!tpu.dma_semaphore, #tpu.memory_space<semaphore_mem>> -> memref<1x!tpu.dma_semaphore, #tpu.memory_space<semaphore_mem>>
      %dma_start3A_211 = tpu.memref_squeeze %dma_start3A_210 : memref<1x!tpu.dma_semaphore, #tpu.memory_space<semaphore_mem>> -> memref<!tpu.dma_semaphore, #tpu.memory_space<semaphore_mem>>
      %dma_start3A_212 = arith.constant 0 : i32
      %dma_start3A_213 = tpu.memref_slice %arg4[%add3A_200, %mul3A_202, %dma_start3A_212] : memref<1024x256x256xf32, #tpu.memory_space<hbm>> -> memref<16x8x256xf32, #tpu.memory_space<hbm>>
      %dma_start3A_214 = arith.constant 16 : i32
      %dma_start3A_215 = arith.constant 0 : i32
      %dma_start3A_216 = arith.constant 0 : i32
      %dma_start3A_217 = tpu.memref_slice %arg8[%dma_start3A_214, %dma_start3A_215, %dma_start3A_216] : memref<32x8x256xf32, #tpu.memory_space<vmem>> -> memref<16x8x256xf32, #tpu.memory_space<vmem>>
      tpu.enqueue_dma source(%dma_start3A_217 : memref<16x8x256xf32, #tpu.memory_space<vmem>>) target(%dma_start3A_213 : memref<16x8x256xf32, #tpu.memory_space<hbm>>) target_semaphore(%dma_start3A_211 : memref<!tpu.dma_semaphore, #tpu.memory_space<semaphore_mem>>)
      %add3A_218 = arith.constant 2 : i32
      %add3A_219 = arith.addi %add3A_82, %add3A_218 : i32
      %min3A = arith.constant 31 : i32
      %min3A_220 = arith.minsi %add3A_219, %min3A : i32
      %mul3A_221 = arith.constant 8 : i32
      %mul3A_222 = arith.muli %min3A_220, %mul3A_221 : i32
      %dma_start3A_223 = arith.constant 0 : i32
      %dma_start3A_224 = tpu.memref_slice %arg2[%add3A, %mul3A_222, %dma_start3A_223] : memref<32x256x256xi32, #tpu.memory_space<hbm>> -> memref<1x8x256xi32, #tpu.memory_space<hbm>>
      %dma_start3A_225 = tpu.memref_squeeze %dma_start3A_224 : memref<1x8x256xi32, #tpu.memory_space<hbm>> -> memref<8x256xi32, #tpu.memory_space<hbm>>
      %dma_start3A_226 = arith.constant 0 : i32
      %dma_start3A_227 = tpu.memref_slice %arg2[%add3A, %mul3A_222, %dma_start3A_226] : memref<32x256x256xi32, #tpu.memory_space<hbm>> -> memref<1x8x256xi32, #tpu.memory_space<hbm>>
      %dma_start3A_228 = tpu.memref_squeeze %dma_start3A_227 : memref<1x8x256xi32, #tpu.memory_space<hbm>> -> memref<8x256xi32, #tpu.memory_space<hbm>>
      tpu.enqueue_dma source(%dma_start3A_228 : memref<8x256xi32, #tpu.memory_space<hbm>>) target(%arg6 : memref<8x256xi32, #tpu.memory_space<vmem>>) target_semaphore(%arg9 : memref<!tpu.dma_semaphore, #tpu.memory_space<semaphore_mem>>)
      %mul3A_229 = arith.constant 2 : i32
      %mul3A_230 = arith.muli %mul3A_229, %scan3A_77 : i32
      %add3A_231 = arith.constant 1 : i32
      %add3A_232 = arith.addi %mul3A_230, %add3A_231 : i32
      %dma_wait3A_233 = arith.constant 0 : i32
      %dma_wait3A_234 = arith.constant 0 : i32
      %dma_wait3A_235 = arith.constant 0 : i32
      %dma_wait3A_236 = tpu.memref_slice %arg2[%dma_wait3A_233, %dma_wait3A_234, %dma_wait3A_235] : memref<32x256x256xi32, #tpu.memory_space<hbm>> -> memref<1x8x256xi32, #tpu.memory_space<hbm>>
      %dma_wait3A_237 = tpu.memref_squeeze %dma_wait3A_236 : memref<1x8x256xi32, #tpu.memory_space<hbm>> -> memref<8x256xi32, #tpu.memory_space<hbm>>
      %dma_wait3A_238 = arith.constant 0 : i32
      %dma_wait3A_239 = arith.constant 0 : i32
      %dma_wait3A_240 = tpu.memref_slice %arg2[%dma_wait3A_233, %dma_wait3A_238, %dma_wait3A_239] : memref<32x256x256xi32, #tpu.memory_space<hbm>> -> memref<1x8x256xi32, #tpu.memory_space<hbm>>
      %dma_wait3A_241 = tpu.memref_squeeze %dma_wait3A_240 : memref<1x8x256xi32, #tpu.memory_space<hbm>> -> memref<8x256xi32, #tpu.memory_space<hbm>>
      tpu.wait_dma2 semaphore(%arg10 : memref<!tpu.dma_semaphore, #tpu.memory_space<semaphore_mem>>) src(%dma_wait3A_241 : memref<8x256xi32, #tpu.memory_space<hbm>>) dst(%arg7 : memref<8x256xi32, #tpu.memory_space<vmem>>)
      %ge3A_242 = arith.constant 1 : i32
      %ge3A_243 = arith.cmpi sge, %add3A_232, %ge3A_242 : i32
      %convert_element_type3A_244 = arith.extui %ge3A_243 : i1 to i32
      %cond3A_245 = arith.constant 0 : i32
      %cond3A_246 = arith.cmpi ne, %convert_element_type3A_244, %cond3A_245 : i32
      scf.if %cond3A_246 {
        %dma_wait3A_385 = arith.constant 0 : i32
        %dma_wait3A_386 = arith.constant 0 : i32
        %dma_wait3A_387 = arith.constant 0 : i32
        %dma_wait3A_388 = arith.constant 0 : i32
        %dma_wait3A_389 = tpu.memref_slice %arg8[%dma_wait3A_386, %dma_wait3A_387, %dma_wait3A_388] : memref<32x8x256xf32, #tpu.memory_space<vmem>> -> memref<16x8x256xf32, #tpu.memory_space<vmem>>
        %dma_wait3A_390 = arith.constant 0 : i32
        %dma_wait3A_391 = arith.constant 0 : i32
        %dma_wait3A_392 = arith.constant 0 : i32
        %dma_wait3A_393 = tpu.memref_slice %arg4[%dma_wait3A_390, %dma_wait3A_391, %dma_wait3A_392] : memref<1024x256x256xf32, #tpu.memory_space<hbm>> -> memref<16x8x256xf32, #tpu.memory_space<hbm>>
        %dma_wait3A_394 = tpu.memref_slice %arg11[%dma_wait3A_385] : memref<2x!tpu.dma_semaphore, #tpu.memory_space<semaphore_mem>> -> memref<1x!tpu.dma_semaphore, #tpu.memory_space<semaphore_mem>>
        %dma_wait3A_395 = tpu.memref_squeeze %dma_wait3A_394 : memref<1x!tpu.dma_semaphore, #tpu.memory_space<semaphore_mem>> -> memref<!tpu.dma_semaphore, #tpu.memory_space<semaphore_mem>>
        %dma_wait3A_396 = arith.constant 0 : i32
        %dma_wait3A_397 = arith.constant 0 : i32
        %dma_wait3A_398 = arith.constant 0 : i32
        %dma_wait3A_399 = tpu.memref_slice %arg4[%dma_wait3A_396, %dma_wait3A_397, %dma_wait3A_398] : memref<1024x256x256xf32, #tpu.memory_space<hbm>> -> memref<16x8x256xf32, #tpu.memory_space<hbm>>
        %dma_wait3A_400 = arith.constant 0 : i32
        %dma_wait3A_401 = arith.constant 0 : i32
        %dma_wait3A_402 = arith.constant 0 : i32
        %dma_wait3A_403 = tpu.memref_slice %arg8[%dma_wait3A_400, %dma_wait3A_401, %dma_wait3A_402] : memref<32x8x256xf32, #tpu.memory_space<vmem>> -> memref<16x8x256xf32, #tpu.memory_space<vmem>>
        tpu.wait_dma2 semaphore(%dma_wait3A_395 : memref<!tpu.dma_semaphore, #tpu.memory_space<semaphore_mem>>) src(%dma_wait3A_403 : memref<16x8x256xf32, #tpu.memory_space<vmem>>) dst(%dma_wait3A_399 : memref<16x8x256xf32, #tpu.memory_space<hbm>>)
      } else {
      }
      %get3A_247 = arith.constant 0 : index
      %get3A_248 = tpu.vector_load %arg5[%get3A_247] {strides = array<i32>} : memref<512xf32, #tpu.memory_space<vmem>>, vector<16xf32>,
      %get3A_249 = arith.constant 16 : index
      %get3A_250 = tpu.vector_load %arg5[%get3A_249] {strides = array<i32>} : memref<512xf32, #tpu.memory_space<vmem>>, vector<16xf32>,
      %get3A_251 = arith.constant 32 : index
      %get3A_252 = tpu.vector_load %arg5[%get3A_251] {strides = array<i32>} : memref<512xf32, #tpu.memory_space<vmem>>, vector<16xf32>,
      %get3A_253 = arith.constant 48 : index
      %get3A_254 = tpu.vector_load %arg5[%get3A_253] {strides = array<i32>} : memref<512xf32, #tpu.memory_space<vmem>>, vector<16xf32>,
      %get3A_255 = arith.constant 64 : index
      %get3A_256 = tpu.vector_load %arg5[%get3A_255] {strides = array<i32>} : memref<512xf32, #tpu.memory_space<vmem>>, vector<16xf32>,
      %get3A_257 = arith.constant 80 : index
      %get3A_258 = tpu.vector_load %arg5[%get3A_257] {strides = array<i32>} : memref<512xf32, #tpu.memory_space<vmem>>, vector<16xf32>,
      %get3A_259 = arith.constant 96 : index
      %get3A_260 = tpu.vector_load %arg5[%get3A_259] {strides = array<i32>} : memref<512xf32, #tpu.memory_space<vmem>>, vector<16xf32>,
      %get3A_261 = arith.constant 112 : index
      %get3A_262 = tpu.vector_load %arg5[%get3A_261] {strides = array<i32>} : memref<512xf32, #tpu.memory_space<vmem>>, vector<16xf32>,
      %get3A_263 = arith.constant 128 : index
      %get3A_264 = tpu.vector_load %arg5[%get3A_263] {strides = array<i32>} : memref<512xf32, #tpu.memory_space<vmem>>, vector<16xf32>,
      %get3A_265 = arith.constant 144 : index
      %get3A_266 = tpu.vector_load %arg5[%get3A_265] {strides = array<i32>} : memref<512xf32, #tpu.memory_space<vmem>>, vector<16xf32>,
      %get3A_267 = arith.constant 160 : index
      %get3A_268 = tpu.vector_load %arg5[%get3A_267] {strides = array<i32>} : memref<512xf32, #tpu.memory_space<vmem>>, vector<16xf32>,
      %get3A_269 = arith.constant 176 : index
      %get3A_270 = tpu.vector_load %arg5[%get3A_269] {strides = array<i32>} : memref<512xf32, #tpu.memory_space<vmem>>, vector<16xf32>,
      %get3A_271 = arith.constant 192 : index
      %get3A_272 = tpu.vector_load %arg5[%get3A_271] {strides = array<i32>} : memref<512xf32, #tpu.memory_space<vmem>>, vector<16xf32>,
      %get3A_273 = arith.constant 208 : index
      %get3A_274 = tpu.vector_load %arg5[%get3A_273] {strides = array<i32>} : memref<512xf32, #tpu.memory_space<vmem>>, vector<16xf32>,
      %get3A_275 = arith.constant 224 : index
      %get3A_276 = tpu.vector_load %arg5[%get3A_275] {strides = array<i32>} : memref<512xf32, #tpu.memory_space<vmem>>, vector<16xf32>,
      %get3A_277 = arith.constant 240 : index
      %get3A_278 = tpu.vector_load %arg5[%get3A_277] {strides = array<i32>} : memref<512xf32, #tpu.memory_space<vmem>>, vector<16xf32>,
      %scan3A_279 = arith.constant 0 : i32
      %scan3A_280 = arith.constant 0 : i32
      %scan3A_281 = arith.constant 128 : i32
      %scan3A_282 = arith.addi %scan3A_280, %scan3A_281 : i32
      %scan3A_283 = arith.constant 2 : i32
      %scan3A_284 = scf.for %scan3A_385 = %scan3A_280 to %scan3A_282 step %scan3A_283 iter_args(%scan3A_386 = %scan3A_279) -> (i32)  : i32 {
        %shift_right_arithmetic3A = arith.constant 4 : i32
        %shift_right_arithmetic3A_387 = arith.shrsi %scan3A_385, %shift_right_arithmetic3A : i32
        %and3A = arith.constant 15 : i32
        %and3A_388 = arith.andi %scan3A_385, %and3A : i32
        %mul3A_389 = arith.constant 16 : i32
        %mul3A_390 = arith.muli %and3A_388, %mul3A_389 : i32
        %get3A_391 = arith.index_cast %shift_right_arithmetic3A_387 : i32 to index
        %get3A_392 = arith.index_cast %mul3A_390 : i32 to index
        %get3A_393 = tpu.vector_load %arg7[%get3A_391, %get3A_392] {strides = array<i32>} : memref<8x256xi32, #tpu.memory_space<vmem>>, vector<16xi32>,
        %add3A_394 = arith.constant 1 : i32
        %add3A_395 = vector.broadcast %add3A_394 : i32 to vector<16xi32>
        %add3A_396 = arith.addi %get3A_393, %add3A_395 : vector<16xi32>
        %max3A = arith.constant 0 : i32
        %max3A_397 = vector.broadcast %max3A : i32 to vector<16xi32>
        %max3A_398 = arith.maxsi %add3A_396, %max3A_397 : vector<16xi32>
        %min3A_399 = arith.constant 11 : i32
        %min3A_400 = vector.broadcast %min3A_399 : i32 to vector<16xi32>
        %min3A_401 = arith.minsi %max3A_398, %min3A_400 : vector<16xi32>
        %lt3A = arith.constant 0 : i32
        %lt3A_402 = vector.broadcast %lt3A : i32 to vector<16xi32>
        %lt3A_403 = arith.cmpi slt, %min3A_401, %lt3A_402 : vector<16xi32>
        %add3A_404 = arith.constant 16 : i32
        %add3A_405 = vector.broadcast %add3A_404 : i32 to vector<16xi32>
        %add3A_406 = arith.addi %min3A_401, %add3A_405 : vector<16xi32>
        %select_n3A = arith.select %lt3A_403, %add3A_406, %min3A_401 : vector<16xi1>, vector<16xi32>
        %broadcast_in_dim3A = vector.shape_cast %select_n3A : vector<16xi32> to vector<16x1xi32>
        %gather3A = vector.shape_cast %broadcast_in_dim3A : vector<16x1xi32> to vector<16xi32>
        %gather3A_407 = tpu.dynamic_gather %get3A_248[%gather3A] in [0] : vector<16xf32>, vector<16xi32> -> vector<16xf32>
        %swap3A = arith.constant 0 : i32
        %swap3A_408 = arith.index_cast %swap3A : i32 to index
        %swap3A_409 = arith.index_cast %shift_right_arithmetic3A_387 : i32 to index
        %swap3A_410 = arith.index_cast %mul3A_390 : i32 to index
        %swap3A_411 = tpu.vector_load %arg8[%swap3A_408, %swap3A_409, %swap3A_410] {strides = array<i32>} : memref<32x8x256xf32, #tpu.memory_space<vmem>>, vector<16xf32>,
        tpu.vector_store %arg8[%swap3A_408, %swap3A_409, %swap3A_410], %gather3A_407 {strides = array<i32>} : memref<32x8x256xf32, #tpu.memory_space<vmem>>, vector<16xf32>,
        %lt3A_412 = arith.constant 0 : i32
        %lt3A_413 = vector.broadcast %lt3A_412 : i32 to vector<16xi32>
        %lt3A_414 = arith.cmpi slt, %min3A_401, %lt3A_413 : vector<16xi32>
        %add3A_415 = arith.constant 16 : i32
        %add3A_416 = vector.broadcast %add3A_415 : i32 to vector<16xi32>
        %add3A_417 = arith.addi %min3A_401, %add3A_416 : vector<16xi32>
        %select_n3A_418 = arith.select %lt3A_414, %add3A_417, %min3A_401 : vector<16xi1>, vector<16xi32>
        %broadcast_in_dim3A_419 = vector.shape_cast %select_n3A_418 : vector<16xi32> to vector<16x1xi32>
        %gather3A_420 = vector.shape_cast %broadcast_in_dim3A_419 : vector<16x1xi32> to vector<16xi32>
        %gather3A_421 = tpu.dynamic_gather %get3A_250[%gather3A_420] in [0] : vector<16xf32>, vector<16xi32> -> vector<16xf32>
        %swap3A_422 = arith.constant 1 : i32
        %swap3A_423 = arith.index_cast %swap3A_422 : i32 to index
        %swap3A_424 = arith.index_cast %shift_right_arithmetic3A_387 : i32 to index
        %swap3A_425 = arith.index_cast %mul3A_390 : i32 to index
        %swap3A_426 = tpu.vector_load %arg8[%swap3A_423, %swap3A_424, %swap3A_425] {strides = array<i32>} : memref<32x8x256xf32, #tpu.memory_space<vmem>>, vector<16xf32>,
        tpu.vector_store %arg8[%swap3A_423, %swap3A_424, %swap3A_425], %gather3A_421 {strides = array<i32>} : memref<32x8x256xf32, #tpu.memory_space<vmem>>, vector<16xf32>,
        %lt3A_427 = arith.constant 0 : i32
        %lt3A_428 = vector.broadcast %lt3A_427 : i32 to vector<16xi32>
        %lt3A_429 = arith.cmpi slt, %min3A_401, %lt3A_428 : vector<16xi32>
        %add3A_430 = arith.constant 16 : i32
        %add3A_431 = vector.broadcast %add3A_430 : i32 to vector<16xi32>
        %add3A_432 = arith.addi %min3A_401, %add3A_431 : vector<16xi32>
        %select_n3A_433 = arith.select %lt3A_429, %add3A_432, %min3A_401 : vector<16xi1>, vector<16xi32>
        %broadcast_in_dim3A_434 = vector.shape_cast %select_n3A_433 : vector<16xi32> to vector<16x1xi32>
        %gather3A_435 = vector.shape_cast %broadcast_in_dim3A_434 : vector<16x1xi32> to vector<16xi32>
        %gather3A_436 = tpu.dynamic_gather %get3A_252[%gather3A_435] in [0] : vector<16xf32>, vector<16xi32> -> vector<16xf32>
        %swap3A_437 = arith.constant 2 : i32
        %swap3A_438 = arith.index_cast %swap3A_437 : i32 to index
        %swap3A_439 = arith.index_cast %shift_right_arithmetic3A_387 : i32 to index
        %swap3A_440 = arith.index_cast %mul3A_390 : i32 to index
        %swap3A_441 = tpu.vector_load %arg8[%swap3A_438, %swap3A_439, %swap3A_440] {strides = array<i32>} : memref<32x8x256xf32, #tpu.memory_space<vmem>>, vector<16xf32>,
        tpu.vector_store %arg8[%swap3A_438, %swap3A_439, %swap3A_440], %gather3A_436 {strides = array<i32>} : memref<32x8x256xf32, #tpu.memory_space<vmem>>, vector<16xf32>,
        %lt3A_442 = arith.constant 0 : i32
        %lt3A_443 = vector.broadcast %lt3A_442 : i32 to vector<16xi32>
        %lt3A_444 = arith.cmpi slt, %min3A_401, %lt3A_443 : vector<16xi32>
        %add3A_445 = arith.constant 16 : i32
        %add3A_446 = vector.broadcast %add3A_445 : i32 to vector<16xi32>
        %add3A_447 = arith.addi %min3A_401, %add3A_446 : vector<16xi32>
        %select_n3A_448 = arith.select %lt3A_444, %add3A_447, %min3A_401 : vector<16xi1>, vector<16xi32>
        %broadcast_in_dim3A_449 = vector.shape_cast %select_n3A_448 : vector<16xi32> to vector<16x1xi32>
        %gather3A_450 = vector.shape_cast %broadcast_in_dim3A_449 : vector<16x1xi32> to vector<16xi32>
        %gather3A_451 = tpu.dynamic_gather %get3A_254[%gather3A_450] in [0] : vector<16xf32>, vector<16xi32> -> vector<16xf32>
        %swap3A_452 = arith.constant 3 : i32
        %swap3A_453 = arith.index_cast %swap3A_452 : i32 to index
        %swap3A_454 = arith.index_cast %shift_right_arithmetic3A_387 : i32 to index
        %swap3A_455 = arith.index_cast %mul3A_390 : i32 to index
        %swap3A_456 = tpu.vector_load %arg8[%swap3A_453, %swap3A_454, %swap3A_455] {strides = array<i32>} : memref<32x8x256xf32, #tpu.memory_space<vmem>>, vector<16xf32>,
        tpu.vector_store %arg8[%swap3A_453, %swap3A_454, %swap3A_455], %gather3A_451 {strides = array<i32>} : memref<32x8x256xf32, #tpu.memory_space<vmem>>, vector<16xf32>,
        %lt3A_457 = arith.constant 0 : i32
        %lt3A_458 = vector.broadcast %lt3A_457 : i32 to vector<16xi32>
        %lt3A_459 = arith.cmpi slt, %min3A_401, %lt3A_458 : vector<16xi32>
        %add3A_460 = arith.constant 16 : i32
        %add3A_461 = vector.broadcast %add3A_460 : i32 to vector<16xi32>
        %add3A_462 = arith.addi %min3A_401, %add3A_461 : vector<16xi32>
        %select_n3A_463 = arith.select %lt3A_459, %add3A_462, %min3A_401 : vector<16xi1>, vector<16xi32>
        %broadcast_in_dim3A_464 = vector.shape_cast %select_n3A_463 : vector<16xi32> to vector<16x1xi32>
        %gather3A_465 = vector.shape_cast %broadcast_in_dim3A_464 : vector<16x1xi32> to vector<16xi32>
        %gather3A_466 = tpu.dynamic_gather %get3A_256[%gather3A_465] in [0] : vector<16xf32>, vector<16xi32> -> vector<16xf32>
        %swap3A_467 = arith.constant 4 : i32
        %swap3A_468 = arith.index_cast %swap3A_467 : i32 to index
        %swap3A_469 = arith.index_cast %shift_right_arithmetic3A_387 : i32 to index
        %swap3A_470 = arith.index_cast %mul3A_390 : i32 to index
        %swap3A_471 = tpu.vector_load %arg8[%swap3A_468, %swap3A_469, %swap3A_470] {strides = array<i32>} : memref<32x8x256xf32, #tpu.memory_space<vmem>>, vector<16xf32>,
        tpu.vector_store %arg8[%swap3A_468, %swap3A_469, %swap3A_470], %gather3A_466 {strides = array<i32>} : memref<32x8x256xf32, #tpu.memory_space<vmem>>, vector<16xf32>,
        %lt3A_472 = arith.constant 0 : i32
        %lt3A_473 = vector.broadcast %lt3A_472 : i32 to vector<16xi32>
        %lt3A_474 = arith.cmpi slt, %min3A_401, %lt3A_473 : vector<16xi32>
        %add3A_475 = arith.constant 16 : i32
        %add3A_476 = vector.broadcast %add3A_475 : i32 to vector<16xi32>
        %add3A_477 = arith.addi %min3A_401, %add3A_476 : vector<16xi32>
        %select_n3A_478 = arith.select %lt3A_474, %add3A_477, %min3A_401 : vector<16xi1>, vector<16xi32>
        %broadcast_in_dim3A_479 = vector.shape_cast %select_n3A_478 : vector<16xi32> to vector<16x1xi32>
        %gather3A_480 = vector.shape_cast %broadcast_in_dim3A_479 : vector<16x1xi32> to vector<16xi32>
        %gather3A_481 = tpu.dynamic_gather %get3A_258[%gather3A_480] in [0] : vector<16xf32>, vector<16xi32> -> vector<16xf32>
        %swap3A_482 = arith.constant 5 : i32
        %swap3A_483 = arith.index_cast %swap3A_482 : i32 to index
        %swap3A_484 = arith.index_cast %shift_right_arithmetic3A_387 : i32 to index
        %swap3A_485 = arith.index_cast %mul3A_390 : i32 to index
        %swap3A_486 = tpu.vector_load %arg8[%swap3A_483, %swap3A_484, %swap3A_485] {strides = array<i32>} : memref<32x8x256xf32, #tpu.memory_space<vmem>>, vector<16xf32>,
        tpu.vector_store %arg8[%swap3A_483, %swap3A_484, %swap3A_485], %gather3A_481 {strides = array<i32>} : memref<32x8x256xf32, #tpu.memory_space<vmem>>, vector<16xf32>,
        %lt3A_487 = arith.constant 0 : i32
        %lt3A_488 = vector.broadcast %lt3A_487 : i32 to vector<16xi32>
        %lt3A_489 = arith.cmpi slt, %min3A_401, %lt3A_488 : vector<16xi32>
        %add3A_490 = arith.constant 16 : i32
        %add3A_491 = vector.broadcast %add3A_490 : i32 to vector<16xi32>
        %add3A_492 = arith.addi %min3A_401, %add3A_491 : vector<16xi32>
        %select_n3A_493 = arith.select %lt3A_489, %add3A_492, %min3A_401 : vector<16xi1>, vector<16xi32>
        %broadcast_in_dim3A_494 = vector.shape_cast %select_n3A_493 : vector<16xi32> to vector<16x1xi32>
        %gather3A_495 = vector.shape_cast %broadcast_in_dim3A_494 : vector<16x1xi32> to vector<16xi32>
        %gather3A_496 = tpu.dynamic_gather %get3A_260[%gather3A_495] in [0] : vector<16xf32>, vector<16xi32> -> vector<16xf32>
        %swap3A_497 = arith.constant 6 : i32
        %swap3A_498 = arith.index_cast %swap3A_497 : i32 to index
        %swap3A_499 = arith.index_cast %shift_right_arithmetic3A_387 : i32 to index
        %swap3A_500 = arith.index_cast %mul3A_390 : i32 to index
        %swap3A_501 = tpu.vector_load %arg8[%swap3A_498, %swap3A_499, %swap3A_500] {strides = array<i32>} : memref<32x8x256xf32, #tpu.memory_space<vmem>>, vector<16xf32>,
        tpu.vector_store %arg8[%swap3A_498, %swap3A_499, %swap3A_500], %gather3A_496 {strides = array<i32>} : memref<32x8x256xf32, #tpu.memory_space<vmem>>, vector<16xf32>,
        %lt3A_502 = arith.constant 0 : i32
        %lt3A_503 = vector.broadcast %lt3A_502 : i32 to vector<16xi32>
        %lt3A_504 = arith.cmpi slt, %min3A_401, %lt3A_503 : vector<16xi32>
        %add3A_505 = arith.constant 16 : i32
        %add3A_506 = vector.broadcast %add3A_505 : i32 to vector<16xi32>
        %add3A_507 = arith.addi %min3A_401, %add3A_506 : vector<16xi32>
        %select_n3A_508 = arith.select %lt3A_504, %add3A_507, %min3A_401 : vector<16xi1>, vector<16xi32>
        %broadcast_in_dim3A_509 = vector.shape_cast %select_n3A_508 : vector<16xi32> to vector<16x1xi32>
        %gather3A_510 = vector.shape_cast %broadcast_in_dim3A_509 : vector<16x1xi32> to vector<16xi32>
        %gather3A_511 = tpu.dynamic_gather %get3A_262[%gather3A_510] in [0] : vector<16xf32>, vector<16xi32> -> vector<16xf32>
        %swap3A_512 = arith.constant 7 : i32
        %swap3A_513 = arith.index_cast %swap3A_512 : i32 to index
        %swap3A_514 = arith.index_cast %shift_right_arithmetic3A_387 : i32 to index
        %swap3A_515 = arith.index_cast %mul3A_390 : i32 to index
        %swap3A_516 = tpu.vector_load %arg8[%swap3A_513, %swap3A_514, %swap3A_515] {strides = array<i32>} : memref<32x8x256xf32, #tpu.memory_space<vmem>>, vector<16xf32>,
        tpu.vector_store %arg8[%swap3A_513, %swap3A_514, %swap3A_515], %gather3A_511 {strides = array<i32>} : memref<32x8x256xf32, #tpu.memory_space<vmem>>, vector<16xf32>,
        %lt3A_517 = arith.constant 0 : i32
        %lt3A_518 = vector.broadcast %lt3A_517 : i32 to vector<16xi32>
        %lt3A_519 = arith.cmpi slt, %min3A_401, %lt3A_518 : vector<16xi32>
        %add3A_520 = arith.constant 16 : i32
        %add3A_521 = vector.broadcast %add3A_520 : i32 to vector<16xi32>
        %add3A_522 = arith.addi %min3A_401, %add3A_521 : vector<16xi32>
        %select_n3A_523 = arith.select %lt3A_519, %add3A_522, %min3A_401 : vector<16xi1>, vector<16xi32>
        %broadcast_in_dim3A_524 = vector.shape_cast %select_n3A_523 : vector<16xi32> to vector<16x1xi32>
        %gather3A_525 = vector.shape_cast %broadcast_in_dim3A_524 : vector<16x1xi32> to vector<16xi32>
        %gather3A_526 = tpu.dynamic_gather %get3A_264[%gather3A_525] in [0] : vector<16xf32>, vector<16xi32> -> vector<16xf32>
        %swap3A_527 = arith.constant 8 : i32
        %swap3A_528 = arith.index_cast %swap3A_527 : i32 to index
        %swap3A_529 = arith.index_cast %shift_right_arithmetic3A_387 : i32 to index
        %swap3A_530 = arith.index_cast %mul3A_390 : i32 to index
        %swap3A_531 = tpu.vector_load %arg8[%swap3A_528, %swap3A_529, %swap3A_530] {strides = array<i32>} : memref<32x8x256xf32, #tpu.memory_space<vmem>>, vector<16xf32>,
        tpu.vector_store %arg8[%swap3A_528, %swap3A_529, %swap3A_530], %gather3A_526 {strides = array<i32>} : memref<32x8x256xf32, #tpu.memory_space<vmem>>, vector<16xf32>,
        %lt3A_532 = arith.constant 0 : i32
        %lt3A_533 = vector.broadcast %lt3A_532 : i32 to vector<16xi32>
        %lt3A_534 = arith.cmpi slt, %min3A_401, %lt3A_533 : vector<16xi32>
        %add3A_535 = arith.constant 16 : i32
        %add3A_536 = vector.broadcast %add3A_535 : i32 to vector<16xi32>
        %add3A_537 = arith.addi %min3A_401, %add3A_536 : vector<16xi32>
        %select_n3A_538 = arith.select %lt3A_534, %add3A_537, %min3A_401 : vector<16xi1>, vector<16xi32>
        %broadcast_in_dim3A_539 = vector.shape_cast %select_n3A_538 : vector<16xi32> to vector<16x1xi32>
        %gather3A_540 = vector.shape_cast %broadcast_in_dim3A_539 : vector<16x1xi32> to vector<16xi32>
        %gather3A_541 = tpu.dynamic_gather %get3A_266[%gather3A_540] in [0] : vector<16xf32>, vector<16xi32> -> vector<16xf32>
        %swap3A_542 = arith.constant 9 : i32
        %swap3A_543 = arith.index_cast %swap3A_542 : i32 to index
        %swap3A_544 = arith.index_cast %shift_right_arithmetic3A_387 : i32 to index
        %swap3A_545 = arith.index_cast %mul3A_390 : i32 to index
        %swap3A_546 = tpu.vector_load %arg8[%swap3A_543, %swap3A_544, %swap3A_545] {strides = array<i32>} : memref<32x8x256xf32, #tpu.memory_space<vmem>>, vector<16xf32>,
        tpu.vector_store %arg8[%swap3A_543, %swap3A_544, %swap3A_545], %gather3A_541 {strides = array<i32>} : memref<32x8x256xf32, #tpu.memory_space<vmem>>, vector<16xf32>,
        %lt3A_547 = arith.constant 0 : i32
        %lt3A_548 = vector.broadcast %lt3A_547 : i32 to vector<16xi32>
        %lt3A_549 = arith.cmpi slt, %min3A_401, %lt3A_548 : vector<16xi32>
        %add3A_550 = arith.constant 16 : i32
        %add3A_551 = vector.broadcast %add3A_550 : i32 to vector<16xi32>
        %add3A_552 = arith.addi %min3A_401, %add3A_551 : vector<16xi32>
        %select_n3A_553 = arith.select %lt3A_549, %add3A_552, %min3A_401 : vector<16xi1>, vector<16xi32>
        %broadcast_in_dim3A_554 = vector.shape_cast %select_n3A_553 : vector<16xi32> to vector<16x1xi32>
        %gather3A_555 = vector.shape_cast %broadcast_in_dim3A_554 : vector<16x1xi32> to vector<16xi32>
        %gather3A_556 = tpu.dynamic_gather %get3A_268[%gather3A_555] in [0] : vector<16xf32>, vector<16xi32> -> vector<16xf32>
        %swap3A_557 = arith.constant 10 : i32
        %swap3A_558 = arith.index_cast %swap3A_557 : i32 to index
        %swap3A_559 = arith.index_cast %shift_right_arithmetic3A_387 : i32 to index
        %swap3A_560 = arith.index_cast %mul3A_390 : i32 to index
        %swap3A_561 = tpu.vector_load %arg8[%swap3A_558, %swap3A_559, %swap3A_560] {strides = array<i32>} : memref<32x8x256xf32, #tpu.memory_space<vmem>>, vector<16xf32>,
        tpu.vector_store %arg8[%swap3A_558, %swap3A_559, %swap3A_560], %gather3A_556 {strides = array<i32>} : memref<32x8x256xf32, #tpu.memory_space<vmem>>, vector<16xf32>,
        %lt3A_562 = arith.constant 0 : i32
        %lt3A_563 = vector.broadcast %lt3A_562 : i32 to vector<16xi32>
        %lt3A_564 = arith.cmpi slt, %min3A_401, %lt3A_563 : vector<16xi32>
        %add3A_565 = arith.constant 16 : i32
        %add3A_566 = vector.broadcast %add3A_565 : i32 to vector<16xi32>
        %add3A_567 = arith.addi %min3A_401, %add3A_566 : vector<16xi32>
        %select_n3A_568 = arith.select %lt3A_564, %add3A_567, %min3A_401 : vector<16xi1>, vector<16xi32>
        %broadcast_in_dim3A_569 = vector.shape_cast %select_n3A_568 : vector<16xi32> to vector<16x1xi32>
        %gather3A_570 = vector.shape_cast %broadcast_in_dim3A_569 : vector<16x1xi32> to vector<16xi32>
        %gather3A_571 = tpu.dynamic_gather %get3A_270[%gather3A_570] in [0] : vector<16xf32>, vector<16xi32> -> vector<16xf32>
        %swap3A_572 = arith.constant 11 : i32
        %swap3A_573 = arith.index_cast %swap3A_572 : i32 to index
        %swap3A_574 = arith.index_cast %shift_right_arithmetic3A_387 : i32 to index
        %swap3A_575 = arith.index_cast %mul3A_390 : i32 to index
        %swap3A_576 = tpu.vector_load %arg8[%swap3A_573, %swap3A_574, %swap3A_575] {strides = array<i32>} : memref<32x8x256xf32, #tpu.memory_space<vmem>>, vector<16xf32>,
        tpu.vector_store %arg8[%swap3A_573, %swap3A_574, %swap3A_575], %gather3A_571 {strides = array<i32>} : memref<32x8x256xf32, #tpu.memory_space<vmem>>, vector<16xf32>,
        %lt3A_577 = arith.constant 0 : i32
        %lt3A_578 = vector.broadcast %lt3A_577 : i32 to vector<16xi32>
        %lt3A_579 = arith.cmpi slt, %min3A_401, %lt3A_578 : vector<16xi32>
        %add3A_580 = arith.constant 16 : i32
        %add3A_581 = vector.broadcast %add3A_580 : i32 to vector<16xi32>
        %add3A_582 = arith.addi %min3A_401, %add3A_581 : vector<16xi32>
        %select_n3A_583 = arith.select %lt3A_579, %add3A_582, %min3A_401 : vector<16xi1>, vector<16xi32>
        %broadcast_in_dim3A_584 = vector.shape_cast %select_n3A_583 : vector<16xi32> to vector<16x1xi32>
        %gather3A_585 = vector.shape_cast %broadcast_in_dim3A_584 : vector<16x1xi32> to vector<16xi32>
        %gather3A_586 = tpu.dynamic_gather %get3A_272[%gather3A_585] in [0] : vector<16xf32>, vector<16xi32> -> vector<16xf32>
        %swap3A_587 = arith.constant 12 : i32
        %swap3A_588 = arith.index_cast %swap3A_587 : i32 to index
        %swap3A_589 = arith.index_cast %shift_right_arithmetic3A_387 : i32 to index
        %swap3A_590 = arith.index_cast %mul3A_390 : i32 to index
        %swap3A_591 = tpu.vector_load %arg8[%swap3A_588, %swap3A_589, %swap3A_590] {strides = array<i32>} : memref<32x8x256xf32, #tpu.memory_space<vmem>>, vector<16xf32>,
        tpu.vector_store %arg8[%swap3A_588, %swap3A_589, %swap3A_590], %gather3A_586 {strides = array<i32>} : memref<32x8x256xf32, #tpu.memory_space<vmem>>, vector<16xf32>,
        %lt3A_592 = arith.constant 0 : i32
        %lt3A_593 = vector.broadcast %lt3A_592 : i32 to vector<16xi32>
        %lt3A_594 = arith.cmpi slt, %min3A_401, %lt3A_593 : vector<16xi32>
        %add3A_595 = arith.constant 16 : i32
        %add3A_596 = vector.broadcast %add3A_595 : i32 to vector<16xi32>
        %add3A_597 = arith.addi %min3A_401, %add3A_596 : vector<16xi32>
        %select_n3A_598 = arith.select %lt3A_594, %add3A_597, %min3A_401 : vector<16xi1>, vector<16xi32>
        %broadcast_in_dim3A_599 = vector.shape_cast %select_n3A_598 : vector<16xi32> to vector<16x1xi32>
        %gather3A_600 = vector.shape_cast %broadcast_in_dim3A_599 : vector<16x1xi32> to vector<16xi32>
        %gather3A_601 = tpu.dynamic_gather %get3A_274[%gather3A_600] in [0] : vector<16xf32>, vector<16xi32> -> vector<16xf32>
        %swap3A_602 = arith.constant 13 : i32
        %swap3A_603 = arith.index_cast %swap3A_602 : i32 to index
        %swap3A_604 = arith.index_cast %shift_right_arithmetic3A_387 : i32 to index
        %swap3A_605 = arith.index_cast %mul3A_390 : i32 to index
        %swap3A_606 = tpu.vector_load %arg8[%swap3A_603, %swap3A_604, %swap3A_605] {strides = array<i32>} : memref<32x8x256xf32, #tpu.memory_space<vmem>>, vector<16xf32>,
        tpu.vector_store %arg8[%swap3A_603, %swap3A_604, %swap3A_605], %gather3A_601 {strides = array<i32>} : memref<32x8x256xf32, #tpu.memory_space<vmem>>, vector<16xf32>,
        %lt3A_607 = arith.constant 0 : i32
        %lt3A_608 = vector.broadcast %lt3A_607 : i32 to vector<16xi32>
        %lt3A_609 = arith.cmpi slt, %min3A_401, %lt3A_608 : vector<16xi32>
        %add3A_610 = arith.constant 16 : i32
        %add3A_611 = vector.broadcast %add3A_610 : i32 to vector<16xi32>
        %add3A_612 = arith.addi %min3A_401, %add3A_611 : vector<16xi32>
        %select_n3A_613 = arith.select %lt3A_609, %add3A_612, %min3A_401 : vector<16xi1>, vector<16xi32>
        %broadcast_in_dim3A_614 = vector.shape_cast %select_n3A_613 : vector<16xi32> to vector<16x1xi32>
        %gather3A_615 = vector.shape_cast %broadcast_in_dim3A_614 : vector<16x1xi32> to vector<16xi32>
        %gather3A_616 = tpu.dynamic_gather %get3A_276[%gather3A_615] in [0] : vector<16xf32>, vector<16xi32> -> vector<16xf32>
        %swap3A_617 = arith.constant 14 : i32
        %swap3A_618 = arith.index_cast %swap3A_617 : i32 to index
        %swap3A_619 = arith.index_cast %shift_right_arithmetic3A_387 : i32 to index
        %swap3A_620 = arith.index_cast %mul3A_390 : i32 to index
        %swap3A_621 = tpu.vector_load %arg8[%swap3A_618, %swap3A_619, %swap3A_620] {strides = array<i32>} : memref<32x8x256xf32, #tpu.memory_space<vmem>>, vector<16xf32>,
        tpu.vector_store %arg8[%swap3A_618, %swap3A_619, %swap3A_620], %gather3A_616 {strides = array<i32>} : memref<32x8x256xf32, #tpu.memory_space<vmem>>, vector<16xf32>,
        %lt3A_622 = arith.constant 0 : i32
        %lt3A_623 = vector.broadcast %lt3A_622 : i32 to vector<16xi32>
        %lt3A_624 = arith.cmpi slt, %min3A_401, %lt3A_623 : vector<16xi32>
        %add3A_625 = arith.constant 16 : i32
        %add3A_626 = vector.broadcast %add3A_625 : i32 to vector<16xi32>
        %add3A_627 = arith.addi %min3A_401, %add3A_626 : vector<16xi32>
        %select_n3A_628 = arith.select %lt3A_624, %add3A_627, %min3A_401 : vector<16xi1>, vector<16xi32>
        %broadcast_in_dim3A_629 = vector.shape_cast %select_n3A_628 : vector<16xi32> to vector<16x1xi32>
        %gather3A_630 = vector.shape_cast %broadcast_in_dim3A_629 : vector<16x1xi32> to vector<16xi32>
        %gather3A_631 = tpu.dynamic_gather %get3A_278[%gather3A_630] in [0] : vector<16xf32>, vector<16xi32> -> vector<16xf32>
        %swap3A_632 = arith.constant 15 : i32
        %swap3A_633 = arith.index_cast %swap3A_632 : i32 to index
        %swap3A_634 = arith.index_cast %shift_right_arithmetic3A_387 : i32 to index
        %swap3A_635 = arith.index_cast %mul3A_390 : i32 to index
        %swap3A_636 = tpu.vector_load %arg8[%swap3A_633, %swap3A_634, %swap3A_635] {strides = array<i32>} : memref<32x8x256xf32, #tpu.memory_space<vmem>>, vector<16xf32>,
        tpu.vector_store %arg8[%swap3A_633, %swap3A_634, %swap3A_635], %gather3A_631 {strides = array<i32>} : memref<32x8x256xf32, #tpu.memory_space<vmem>>, vector<16xf32>,
        %scan3A_637 = arith.constant 0 : i32
        %scan3A_638 = arith.constant 1 : i32
        %scan3A_639 = arith.addi %scan3A_385, %scan3A_638 : i32
        %shift_right_arithmetic3A_640 = arith.constant 4 : i32
        %shift_right_arithmetic3A_641 = arith.shrsi %scan3A_639, %shift_right_arithmetic3A_640 : i32
        %and3A_642 = arith.constant 15 : i32
        %and3A_643 = arith.andi %scan3A_639, %and3A_642 : i32
        %mul3A_644 = arith.constant 16 : i32
        %mul3A_645 = arith.muli %and3A_643, %mul3A_644 : i32
        %get3A_646 = arith.index_cast %shift_right_arithmetic3A_641 : i32 to index
        %get3A_647 = arith.index_cast %mul3A_645 : i32 to index
        %get3A_648 = tpu.vector_load %arg7[%get3A_646, %get3A_647] {strides = array<i32>} : memref<8x256xi32, #tpu.memory_space<vmem>>, vector<16xi32>,
        %add3A_649 = arith.constant 1 : i32
        %add3A_650 = vector.broadcast %add3A_649 : i32 to vector<16xi32>
        %add3A_651 = arith.addi %get3A_648, %add3A_650 : vector<16xi32>
        %max3A_652 = arith.constant 0 : i32
        %max3A_653 = vector.broadcast %max3A_652 : i32 to vector<16xi32>
        %max3A_654 = arith.maxsi %add3A_651, %max3A_653 : vector<16xi32>
        %min3A_655 = arith.constant 11 : i32
        %min3A_656 = vector.broadcast %min3A_655 : i32 to vector<16xi32>
        %min3A_657 = arith.minsi %max3A_654, %min3A_656 : vector<16xi32>
        %lt3A_658 = arith.constant 0 : i32
        %lt3A_659 = vector.broadcast %lt3A_658 : i32 to vector<16xi32>
        %lt3A_660 = arith.cmpi slt, %min3A_657, %lt3A_659 : vector<16xi32>
        %add3A_661 = arith.constant 16 : i32
        %add3A_662 = vector.broadcast %add3A_661 : i32 to vector<16xi32>
        %add3A_663 = arith.addi %min3A_657, %add3A_662 : vector<16xi32>
        %select_n3A_664 = arith.select %lt3A_660, %add3A_663, %min3A_657 : vector<16xi1>, vector<16xi32>
        %broadcast_in_dim3A_665 = vector.shape_cast %select_n3A_664 : vector<16xi32> to vector<16x1xi32>
        %gather3A_666 = vector.shape_cast %broadcast_in_dim3A_665 : vector<16x1xi32> to vector<16xi32>
        %gather3A_667 = tpu.dynamic_gather %get3A_248[%gather3A_666] in [0] : vector<16xf32>, vector<16xi32> -> vector<16xf32>
        %swap3A_668 = arith.constant 0 : i32
        %swap3A_669 = arith.index_cast %swap3A_668 : i32 to index
        %swap3A_670 = arith.index_cast %shift_right_arithmetic3A_641 : i32 to index
        %swap3A_671 = arith.index_cast %mul3A_645 : i32 to index
        %swap3A_672 = tpu.vector_load %arg8[%swap3A_669, %swap3A_670, %swap3A_671] {strides = array<i32>} : memref<32x8x256xf32, #tpu.memory_space<vmem>>, vector<16xf32>,
        tpu.vector_store %arg8[%swap3A_669, %swap3A_670, %swap3A_671], %gather3A_667 {strides = array<i32>} : memref<32x8x256xf32, #tpu.memory_space<vmem>>, vector<16xf32>,
        %lt3A_673 = arith.constant 0 : i32
        %lt3A_674 = vector.broadcast %lt3A_673 : i32 to vector<16xi32>
        %lt3A_675 = arith.cmpi slt, %min3A_657, %lt3A_674 : vector<16xi32>
        %add3A_676 = arith.constant 16 : i32
        %add3A_677 = vector.broadcast %add3A_676 : i32 to vector<16xi32>
        %add3A_678 = arith.addi %min3A_657, %add3A_677 : vector<16xi32>
        %select_n3A_679 = arith.select %lt3A_675, %add3A_678, %min3A_657 : vector<16xi1>, vector<16xi32>
        %broadcast_in_dim3A_680 = vector.shape_cast %select_n3A_679 : vector<16xi32> to vector<16x1xi32>
        %gather3A_681 = vector.shape_cast %broadcast_in_dim3A_680 : vector<16x1xi32> to vector<16xi32>
        %gather3A_682 = tpu.dynamic_gather %get3A_250[%gather3A_681] in [0] : vector<16xf32>, vector<16xi32> -> vector<16xf32>
        %swap3A_683 = arith.constant 1 : i32
        %swap3A_684 = arith.index_cast %swap3A_683 : i32 to index
        %swap3A_685 = arith.index_cast %shift_right_arithmetic3A_641 : i32 to index
        %swap3A_686 = arith.index_cast %mul3A_645 : i32 to index
        %swap3A_687 = tpu.vector_load %arg8[%swap3A_684, %swap3A_685, %swap3A_686] {strides = array<i32>} : memref<32x8x256xf32, #tpu.memory_space<vmem>>, vector<16xf32>,
        tpu.vector_store %arg8[%swap3A_684, %swap3A_685, %swap3A_686], %gather3A_682 {strides = array<i32>} : memref<32x8x256xf32, #tpu.memory_space<vmem>>, vector<16xf32>,
        %lt3A_688 = arith.constant 0 : i32
        %lt3A_689 = vector.broadcast %lt3A_688 : i32 to vector<16xi32>
        %lt3A_690 = arith.cmpi slt, %min3A_657, %lt3A_689 : vector<16xi32>
        %add3A_691 = arith.constant 16 : i32
        %add3A_692 = vector.broadcast %add3A_691 : i32 to vector<16xi32>
        %add3A_693 = arith.addi %min3A_657, %add3A_692 : vector<16xi32>
        %select_n3A_694 = arith.select %lt3A_690, %add3A_693, %min3A_657 : vector<16xi1>, vector<16xi32>
        %broadcast_in_dim3A_695 = vector.shape_cast %select_n3A_694 : vector<16xi32> to vector<16x1xi32>
        %gather3A_696 = vector.shape_cast %broadcast_in_dim3A_695 : vector<16x1xi32> to vector<16xi32>
        %gather3A_697 = tpu.dynamic_gather %get3A_252[%gather3A_696] in [0] : vector<16xf32>, vector<16xi32> -> vector<16xf32>
        %swap3A_698 = arith.constant 2 : i32
        %swap3A_699 = arith.index_cast %swap3A_698 : i32 to index
        %swap3A_700 = arith.index_cast %shift_right_arithmetic3A_641 : i32 to index
        %swap3A_701 = arith.index_cast %mul3A_645 : i32 to index
        %swap3A_702 = tpu.vector_load %arg8[%swap3A_699, %swap3A_700, %swap3A_701] {strides = array<i32>} : memref<32x8x256xf32, #tpu.memory_space<vmem>>, vector<16xf32>,
        tpu.vector_store %arg8[%swap3A_699, %swap3A_700, %swap3A_701], %gather3A_697 {strides = array<i32>} : memref<32x8x256xf32, #tpu.memory_space<vmem>>, vector<16xf32>,
        %lt3A_703 = arith.constant 0 : i32
        %lt3A_704 = vector.broadcast %lt3A_703 : i32 to vector<16xi32>
        %lt3A_705 = arith.cmpi slt, %min3A_657, %lt3A_704 : vector<16xi32>
        %add3A_706 = arith.constant 16 : i32
        %add3A_707 = vector.broadcast %add3A_706 : i32 to vector<16xi32>
        %add3A_708 = arith.addi %min3A_657, %add3A_707 : vector<16xi32>
        %select_n3A_709 = arith.select %lt3A_705, %add3A_708, %min3A_657 : vector<16xi1>, vector<16xi32>
        %broadcast_in_dim3A_710 = vector.shape_cast %select_n3A_709 : vector<16xi32> to vector<16x1xi32>
        %gather3A_711 = vector.shape_cast %broadcast_in_dim3A_710 : vector<16x1xi32> to vector<16xi32>
        %gather3A_712 = tpu.dynamic_gather %get3A_254[%gather3A_711] in [0] : vector<16xf32>, vector<16xi32> -> vector<16xf32>
        %swap3A_713 = arith.constant 3 : i32
        %swap3A_714 = arith.index_cast %swap3A_713 : i32 to index
        %swap3A_715 = arith.index_cast %shift_right_arithmetic3A_641 : i32 to index
        %swap3A_716 = arith.index_cast %mul3A_645 : i32 to index
        %swap3A_717 = tpu.vector_load %arg8[%swap3A_714, %swap3A_715, %swap3A_716] {strides = array<i32>} : memref<32x8x256xf32, #tpu.memory_space<vmem>>, vector<16xf32>,
        tpu.vector_store %arg8[%swap3A_714, %swap3A_715, %swap3A_716], %gather3A_712 {strides = array<i32>} : memref<32x8x256xf32, #tpu.memory_space<vmem>>, vector<16xf32>,
        %lt3A_718 = arith.constant 0 : i32
        %lt3A_719 = vector.broadcast %lt3A_718 : i32 to vector<16xi32>
        %lt3A_720 = arith.cmpi slt, %min3A_657, %lt3A_719 : vector<16xi32>
        %add3A_721 = arith.constant 16 : i32
        %add3A_722 = vector.broadcast %add3A_721 : i32 to vector<16xi32>
        %add3A_723 = arith.addi %min3A_657, %add3A_722 : vector<16xi32>
        %select_n3A_724 = arith.select %lt3A_720, %add3A_723, %min3A_657 : vector<16xi1>, vector<16xi32>
        %broadcast_in_dim3A_725 = vector.shape_cast %select_n3A_724 : vector<16xi32> to vector<16x1xi32>
        %gather3A_726 = vector.shape_cast %broadcast_in_dim3A_725 : vector<16x1xi32> to vector<16xi32>
        %gather3A_727 = tpu.dynamic_gather %get3A_256[%gather3A_726] in [0] : vector<16xf32>, vector<16xi32> -> vector<16xf32>
        %swap3A_728 = arith.constant 4 : i32
        %swap3A_729 = arith.index_cast %swap3A_728 : i32 to index
        %swap3A_730 = arith.index_cast %shift_right_arithmetic3A_641 : i32 to index
        %swap3A_731 = arith.index_cast %mul3A_645 : i32 to index
        %swap3A_732 = tpu.vector_load %arg8[%swap3A_729, %swap3A_730, %swap3A_731] {strides = array<i32>} : memref<32x8x256xf32, #tpu.memory_space<vmem>>, vector<16xf32>,
        tpu.vector_store %arg8[%swap3A_729, %swap3A_730, %swap3A_731], %gather3A_727 {strides = array<i32>} : memref<32x8x256xf32, #tpu.memory_space<vmem>>, vector<16xf32>,
        %lt3A_733 = arith.constant 0 : i32
        %lt3A_734 = vector.broadcast %lt3A_733 : i32 to vector<16xi32>
        %lt3A_735 = arith.cmpi slt, %min3A_657, %lt3A_734 : vector<16xi32>
        %add3A_736 = arith.constant 16 : i32
        %add3A_737 = vector.broadcast %add3A_736 : i32 to vector<16xi32>
        %add3A_738 = arith.addi %min3A_657, %add3A_737 : vector<16xi32>
        %select_n3A_739 = arith.select %lt3A_735, %add3A_738, %min3A_657 : vector<16xi1>, vector<16xi32>
        %broadcast_in_dim3A_740 = vector.shape_cast %select_n3A_739 : vector<16xi32> to vector<16x1xi32>
        %gather3A_741 = vector.shape_cast %broadcast_in_dim3A_740 : vector<16x1xi32> to vector<16xi32>
        %gather3A_742 = tpu.dynamic_gather %get3A_258[%gather3A_741] in [0] : vector<16xf32>, vector<16xi32> -> vector<16xf32>
        %swap3A_743 = arith.constant 5 : i32
        %swap3A_744 = arith.index_cast %swap3A_743 : i32 to index
        %swap3A_745 = arith.index_cast %shift_right_arithmetic3A_641 : i32 to index
        %swap3A_746 = arith.index_cast %mul3A_645 : i32 to index
        %swap3A_747 = tpu.vector_load %arg8[%swap3A_744, %swap3A_745, %swap3A_746] {strides = array<i32>} : memref<32x8x256xf32, #tpu.memory_space<vmem>>, vector<16xf32>,
        tpu.vector_store %arg8[%swap3A_744, %swap3A_745, %swap3A_746], %gather3A_742 {strides = array<i32>} : memref<32x8x256xf32, #tpu.memory_space<vmem>>, vector<16xf32>,
        %lt3A_748 = arith.constant 0 : i32
        %lt3A_749 = vector.broadcast %lt3A_748 : i32 to vector<16xi32>
        %lt3A_750 = arith.cmpi slt, %min3A_657, %lt3A_749 : vector<16xi32>
        %add3A_751 = arith.constant 16 : i32
        %add3A_752 = vector.broadcast %add3A_751 : i32 to vector<16xi32>
        %add3A_753 = arith.addi %min3A_657, %add3A_752 : vector<16xi32>
        %select_n3A_754 = arith.select %lt3A_750, %add3A_753, %min3A_657 : vector<16xi1>, vector<16xi32>
        %broadcast_in_dim3A_755 = vector.shape_cast %select_n3A_754 : vector<16xi32> to vector<16x1xi32>
        %gather3A_756 = vector.shape_cast %broadcast_in_dim3A_755 : vector<16x1xi32> to vector<16xi32>
        %gather3A_757 = tpu.dynamic_gather %get3A_260[%gather3A_756] in [0] : vector<16xf32>, vector<16xi32> -> vector<16xf32>
        %swap3A_758 = arith.constant 6 : i32
        %swap3A_759 = arith.index_cast %swap3A_758 : i32 to index
        %swap3A_760 = arith.index_cast %shift_right_arithmetic3A_641 : i32 to index
        %swap3A_761 = arith.index_cast %mul3A_645 : i32 to index
        %swap3A_762 = tpu.vector_load %arg8[%swap3A_759, %swap3A_760, %swap3A_761] {strides = array<i32>} : memref<32x8x256xf32, #tpu.memory_space<vmem>>, vector<16xf32>,
        tpu.vector_store %arg8[%swap3A_759, %swap3A_760, %swap3A_761], %gather3A_757 {strides = array<i32>} : memref<32x8x256xf32, #tpu.memory_space<vmem>>, vector<16xf32>,
        %lt3A_763 = arith.constant 0 : i32
        %lt3A_764 = vector.broadcast %lt3A_763 : i32 to vector<16xi32>
        %lt3A_765 = arith.cmpi slt, %min3A_657, %lt3A_764 : vector<16xi32>
        %add3A_766 = arith.constant 16 : i32
        %add3A_767 = vector.broadcast %add3A_766 : i32 to vector<16xi32>
        %add3A_768 = arith.addi %min3A_657, %add3A_767 : vector<16xi32>
        %select_n3A_769 = arith.select %lt3A_765, %add3A_768, %min3A_657 : vector<16xi1>, vector<16xi32>
        %broadcast_in_dim3A_770 = vector.shape_cast %select_n3A_769 : vector<16xi32> to vector<16x1xi32>
        %gather3A_771 = vector.shape_cast %broadcast_in_dim3A_770 : vector<16x1xi32> to vector<16xi32>
        %gather3A_772 = tpu.dynamic_gather %get3A_262[%gather3A_771] in [0] : vector<16xf32>, vector<16xi32> -> vector<16xf32>
        %swap3A_773 = arith.constant 7 : i32
        %swap3A_774 = arith.index_cast %swap3A_773 : i32 to index
        %swap3A_775 = arith.index_cast %shift_right_arithmetic3A_641 : i32 to index
        %swap3A_776 = arith.index_cast %mul3A_645 : i32 to index
        %swap3A_777 = tpu.vector_load %arg8[%swap3A_774, %swap3A_775, %swap3A_776] {strides = array<i32>} : memref<32x8x256xf32, #tpu.memory_space<vmem>>, vector<16xf32>,
        tpu.vector_store %arg8[%swap3A_774, %swap3A_775, %swap3A_776], %gather3A_772 {strides = array<i32>} : memref<32x8x256xf32, #tpu.memory_space<vmem>>, vector<16xf32>,
        %lt3A_778 = arith.constant 0 : i32
        %lt3A_779 = vector.broadcast %lt3A_778 : i32 to vector<16xi32>
        %lt3A_780 = arith.cmpi slt, %min3A_657, %lt3A_779 : vector<16xi32>
        %add3A_781 = arith.constant 16 : i32
        %add3A_782 = vector.broadcast %add3A_781 : i32 to vector<16xi32>
        %add3A_783 = arith.addi %min3A_657, %add3A_782 : vector<16xi32>
        %select_n3A_784 = arith.select %lt3A_780, %add3A_783, %min3A_657 : vector<16xi1>, vector<16xi32>
        %broadcast_in_dim3A_785 = vector.shape_cast %select_n3A_784 : vector<16xi32> to vector<16x1xi32>
        %gather3A_786 = vector.shape_cast %broadcast_in_dim3A_785 : vector<16x1xi32> to vector<16xi32>
        %gather3A_787 = tpu.dynamic_gather %get3A_264[%gather3A_786] in [0] : vector<16xf32>, vector<16xi32> -> vector<16xf32>
        %swap3A_788 = arith.constant 8 : i32
        %swap3A_789 = arith.index_cast %swap3A_788 : i32 to index
        %swap3A_790 = arith.index_cast %shift_right_arithmetic3A_641 : i32 to index
        %swap3A_791 = arith.index_cast %mul3A_645 : i32 to index
        %swap3A_792 = tpu.vector_load %arg8[%swap3A_789, %swap3A_790, %swap3A_791] {strides = array<i32>} : memref<32x8x256xf32, #tpu.memory_space<vmem>>, vector<16xf32>,
        tpu.vector_store %arg8[%swap3A_789, %swap3A_790, %swap3A_791], %gather3A_787 {strides = array<i32>} : memref<32x8x256xf32, #tpu.memory_space<vmem>>, vector<16xf32>,
        %lt3A_793 = arith.constant 0 : i32
        %lt3A_794 = vector.broadcast %lt3A_793 : i32 to vector<16xi32>
        %lt3A_795 = arith.cmpi slt, %min3A_657, %lt3A_794 : vector<16xi32>
        %add3A_796 = arith.constant 16 : i32
        %add3A_797 = vector.broadcast %add3A_796 : i32 to vector<16xi32>
        %add3A_798 = arith.addi %min3A_657, %add3A_797 : vector<16xi32>
        %select_n3A_799 = arith.select %lt3A_795, %add3A_798, %min3A_657 : vector<16xi1>, vector<16xi32>
        %broadcast_in_dim3A_800 = vector.shape_cast %select_n3A_799 : vector<16xi32> to vector<16x1xi32>
        %gather3A_801 = vector.shape_cast %broadcast_in_dim3A_800 : vector<16x1xi32> to vector<16xi32>
        %gather3A_802 = tpu.dynamic_gather %get3A_266[%gather3A_801] in [0] : vector<16xf32>, vector<16xi32> -> vector<16xf32>
        %swap3A_803 = arith.constant 9 : i32
        %swap3A_804 = arith.index_cast %swap3A_803 : i32 to index
        %swap3A_805 = arith.index_cast %shift_right_arithmetic3A_641 : i32 to index
        %swap3A_806 = arith.index_cast %mul3A_645 : i32 to index
        %swap3A_807 = tpu.vector_load %arg8[%swap3A_804, %swap3A_805, %swap3A_806] {strides = array<i32>} : memref<32x8x256xf32, #tpu.memory_space<vmem>>, vector<16xf32>,
        tpu.vector_store %arg8[%swap3A_804, %swap3A_805, %swap3A_806], %gather3A_802 {strides = array<i32>} : memref<32x8x256xf32, #tpu.memory_space<vmem>>, vector<16xf32>,
        %lt3A_808 = arith.constant 0 : i32
        %lt3A_809 = vector.broadcast %lt3A_808 : i32 to vector<16xi32>
        %lt3A_810 = arith.cmpi slt, %min3A_657, %lt3A_809 : vector<16xi32>
        %add3A_811 = arith.constant 16 : i32
        %add3A_812 = vector.broadcast %add3A_811 : i32 to vector<16xi32>
        %add3A_813 = arith.addi %min3A_657, %add3A_812 : vector<16xi32>
        %select_n3A_814 = arith.select %lt3A_810, %add3A_813, %min3A_657 : vector<16xi1>, vector<16xi32>
        %broadcast_in_dim3A_815 = vector.shape_cast %select_n3A_814 : vector<16xi32> to vector<16x1xi32>
        %gather3A_816 = vector.shape_cast %broadcast_in_dim3A_815 : vector<16x1xi32> to vector<16xi32>
        %gather3A_817 = tpu.dynamic_gather %get3A_268[%gather3A_816] in [0] : vector<16xf32>, vector<16xi32> -> vector<16xf32>
        %swap3A_818 = arith.constant 10 : i32
        %swap3A_819 = arith.index_cast %swap3A_818 : i32 to index
        %swap3A_820 = arith.index_cast %shift_right_arithmetic3A_641 : i32 to index
        %swap3A_821 = arith.index_cast %mul3A_645 : i32 to index
        %swap3A_822 = tpu.vector_load %arg8[%swap3A_819, %swap3A_820, %swap3A_821] {strides = array<i32>} : memref<32x8x256xf32, #tpu.memory_space<vmem>>, vector<16xf32>,
        tpu.vector_store %arg8[%swap3A_819, %swap3A_820, %swap3A_821], %gather3A_817 {strides = array<i32>} : memref<32x8x256xf32, #tpu.memory_space<vmem>>, vector<16xf32>,
        %lt3A_823 = arith.constant 0 : i32
        %lt3A_824 = vector.broadcast %lt3A_823 : i32 to vector<16xi32>
        %lt3A_825 = arith.cmpi slt, %min3A_657, %lt3A_824 : vector<16xi32>
        %add3A_826 = arith.constant 16 : i32
        %add3A_827 = vector.broadcast %add3A_826 : i32 to vector<16xi32>
        %add3A_828 = arith.addi %min3A_657, %add3A_827 : vector<16xi32>
        %select_n3A_829 = arith.select %lt3A_825, %add3A_828, %min3A_657 : vector<16xi1>, vector<16xi32>
        %broadcast_in_dim3A_830 = vector.shape_cast %select_n3A_829 : vector<16xi32> to vector<16x1xi32>
        %gather3A_831 = vector.shape_cast %broadcast_in_dim3A_830 : vector<16x1xi32> to vector<16xi32>
        %gather3A_832 = tpu.dynamic_gather %get3A_270[%gather3A_831] in [0] : vector<16xf32>, vector<16xi32> -> vector<16xf32>
        %swap3A_833 = arith.constant 11 : i32
        %swap3A_834 = arith.index_cast %swap3A_833 : i32 to index
        %swap3A_835 = arith.index_cast %shift_right_arithmetic3A_641 : i32 to index
        %swap3A_836 = arith.index_cast %mul3A_645 : i32 to index
        %swap3A_837 = tpu.vector_load %arg8[%swap3A_834, %swap3A_835, %swap3A_836] {strides = array<i32>} : memref<32x8x256xf32, #tpu.memory_space<vmem>>, vector<16xf32>,
        tpu.vector_store %arg8[%swap3A_834, %swap3A_835, %swap3A_836], %gather3A_832 {strides = array<i32>} : memref<32x8x256xf32, #tpu.memory_space<vmem>>, vector<16xf32>,
        %lt3A_838 = arith.constant 0 : i32
        %lt3A_839 = vector.broadcast %lt3A_838 : i32 to vector<16xi32>
        %lt3A_840 = arith.cmpi slt, %min3A_657, %lt3A_839 : vector<16xi32>
        %add3A_841 = arith.constant 16 : i32
        %add3A_842 = vector.broadcast %add3A_841 : i32 to vector<16xi32>
        %add3A_843 = arith.addi %min3A_657, %add3A_842 : vector<16xi32>
        %select_n3A_844 = arith.select %lt3A_840, %add3A_843, %min3A_657 : vector<16xi1>, vector<16xi32>
        %broadcast_in_dim3A_845 = vector.shape_cast %select_n3A_844 : vector<16xi32> to vector<16x1xi32>
        %gather3A_846 = vector.shape_cast %broadcast_in_dim3A_845 : vector<16x1xi32> to vector<16xi32>
        %gather3A_847 = tpu.dynamic_gather %get3A_272[%gather3A_846] in [0] : vector<16xf32>, vector<16xi32> -> vector<16xf32>
        %swap3A_848 = arith.constant 12 : i32
        %swap3A_849 = arith.index_cast %swap3A_848 : i32 to index
        %swap3A_850 = arith.index_cast %shift_right_arithmetic3A_641 : i32 to index
        %swap3A_851 = arith.index_cast %mul3A_645 : i32 to index
        %swap3A_852 = tpu.vector_load %arg8[%swap3A_849, %swap3A_850, %swap3A_851] {strides = array<i32>} : memref<32x8x256xf32, #tpu.memory_space<vmem>>, vector<16xf32>,
        tpu.vector_store %arg8[%swap3A_849, %swap3A_850, %swap3A_851], %gather3A_847 {strides = array<i32>} : memref<32x8x256xf32, #tpu.memory_space<vmem>>, vector<16xf32>,
        %lt3A_853 = arith.constant 0 : i32
        %lt3A_854 = vector.broadcast %lt3A_853 : i32 to vector<16xi32>
        %lt3A_855 = arith.cmpi slt, %min3A_657, %lt3A_854 : vector<16xi32>
        %add3A_856 = arith.constant 16 : i32
        %add3A_857 = vector.broadcast %add3A_856 : i32 to vector<16xi32>
        %add3A_858 = arith.addi %min3A_657, %add3A_857 : vector<16xi32>
        %select_n3A_859 = arith.select %lt3A_855, %add3A_858, %min3A_657 : vector<16xi1>, vector<16xi32>
        %broadcast_in_dim3A_860 = vector.shape_cast %select_n3A_859 : vector<16xi32> to vector<16x1xi32>
        %gather3A_861 = vector.shape_cast %broadcast_in_dim3A_860 : vector<16x1xi32> to vector<16xi32>
        %gather3A_862 = tpu.dynamic_gather %get3A_274[%gather3A_861] in [0] : vector<16xf32>, vector<16xi32> -> vector<16xf32>
        %swap3A_863 = arith.constant 13 : i32
        %swap3A_864 = arith.index_cast %swap3A_863 : i32 to index
        %swap3A_865 = arith.index_cast %shift_right_arithmetic3A_641 : i32 to index
        %swap3A_866 = arith.index_cast %mul3A_645 : i32 to index
        %swap3A_867 = tpu.vector_load %arg8[%swap3A_864, %swap3A_865, %swap3A_866] {strides = array<i32>} : memref<32x8x256xf32, #tpu.memory_space<vmem>>, vector<16xf32>,
        tpu.vector_store %arg8[%swap3A_864, %swap3A_865, %swap3A_866], %gather3A_862 {strides = array<i32>} : memref<32x8x256xf32, #tpu.memory_space<vmem>>, vector<16xf32>,
        %lt3A_868 = arith.constant 0 : i32
        %lt3A_869 = vector.broadcast %lt3A_868 : i32 to vector<16xi32>
        %lt3A_870 = arith.cmpi slt, %min3A_657, %lt3A_869 : vector<16xi32>
        %add3A_871 = arith.constant 16 : i32
        %add3A_872 = vector.broadcast %add3A_871 : i32 to vector<16xi32>
        %add3A_873 = arith.addi %min3A_657, %add3A_872 : vector<16xi32>
        %select_n3A_874 = arith.select %lt3A_870, %add3A_873, %min3A_657 : vector<16xi1>, vector<16xi32>
        %broadcast_in_dim3A_875 = vector.shape_cast %select_n3A_874 : vector<16xi32> to vector<16x1xi32>
        %gather3A_876 = vector.shape_cast %broadcast_in_dim3A_875 : vector<16x1xi32> to vector<16xi32>
        %gather3A_877 = tpu.dynamic_gather %get3A_276[%gather3A_876] in [0] : vector<16xf32>, vector<16xi32> -> vector<16xf32>
        %swap3A_878 = arith.constant 14 : i32
        %swap3A_879 = arith.index_cast %swap3A_878 : i32 to index
        %swap3A_880 = arith.index_cast %shift_right_arithmetic3A_641 : i32 to index
        %swap3A_881 = arith.index_cast %mul3A_645 : i32 to index
        %swap3A_882 = tpu.vector_load %arg8[%swap3A_879, %swap3A_880, %swap3A_881] {strides = array<i32>} : memref<32x8x256xf32, #tpu.memory_space<vmem>>, vector<16xf32>,
        tpu.vector_store %arg8[%swap3A_879, %swap3A_880, %swap3A_881], %gather3A_877 {strides = array<i32>} : memref<32x8x256xf32, #tpu.memory_space<vmem>>, vector<16xf32>,
        %lt3A_883 = arith.constant 0 : i32
        %lt3A_884 = vector.broadcast %lt3A_883 : i32 to vector<16xi32>
        %lt3A_885 = arith.cmpi slt, %min3A_657, %lt3A_884 : vector<16xi32>
        %add3A_886 = arith.constant 16 : i32
        %add3A_887 = vector.broadcast %add3A_886 : i32 to vector<16xi32>
        %add3A_888 = arith.addi %min3A_657, %add3A_887 : vector<16xi32>
        %select_n3A_889 = arith.select %lt3A_885, %add3A_888, %min3A_657 : vector<16xi1>, vector<16xi32>
        %broadcast_in_dim3A_890 = vector.shape_cast %select_n3A_889 : vector<16xi32> to vector<16x1xi32>
        %gather3A_891 = vector.shape_cast %broadcast_in_dim3A_890 : vector<16x1xi32> to vector<16xi32>
        %gather3A_892 = tpu.dynamic_gather %get3A_278[%gather3A_891] in [0] : vector<16xf32>, vector<16xi32> -> vector<16xf32>
        %swap3A_893 = arith.constant 15 : i32
        %swap3A_894 = arith.index_cast %swap3A_893 : i32 to index
        %swap3A_895 = arith.index_cast %shift_right_arithmetic3A_641 : i32 to index
        %swap3A_896 = arith.index_cast %mul3A_645 : i32 to index
        %swap3A_897 = tpu.vector_load %arg8[%swap3A_894, %swap3A_895, %swap3A_896] {strides = array<i32>} : memref<32x8x256xf32, #tpu.memory_space<vmem>>, vector<16xf32>,
        tpu.vector_store %arg8[%swap3A_894, %swap3A_895, %swap3A_896], %gather3A_892 {strides = array<i32>} : memref<32x8x256xf32, #tpu.memory_space<vmem>>, vector<16xf32>,
        %scan3A_898 = arith.constant 0 : i32
        scf.yield %scan3A_898 : i32
      }
      %scan3A_285 = arith.constant 128 : i32
      %mul3A_286 = arith.constant 32 : i32
      %mul3A_287 = arith.muli %add3A, %mul3A_286 : i32
      %add3A_288 = arith.constant 0 : i32
      %add3A_289 = arith.addi %mul3A_287, %add3A_288 : i32
      %mul3A_290 = arith.constant 8 : i32
      %mul3A_291 = arith.muli %add3A_232, %mul3A_290 : i32
      %dma_start3A_292 = arith.constant 0 : i32
      %dma_start3A_293 = arith.constant 0 : i32
      %dma_start3A_294 = arith.constant 0 : i32
      %dma_start3A_295 = arith.constant 0 : i32
      %dma_start3A_296 = tpu.memref_slice %arg8[%dma_start3A_293, %dma_start3A_294, %dma_start3A_295] : memref<32x8x256xf32, #tpu.memory_space<vmem>> -> memref<16x8x256xf32, #tpu.memory_space<vmem>>
      %dma_start3A_297 = arith.constant 0 : i32
      %dma_start3A_298 = tpu.memref_slice %arg4[%add3A_289, %mul3A_291, %dma_start3A_297] : memref<1024x256x256xf32, #tpu.memory_space<hbm>> -> memref<16x8x256xf32, #tpu.memory_space<hbm>>
      %dma_start3A_299 = tpu.memref_slice %arg11[%dma_start3A_292] : memref<2x!tpu.dma_semaphore, #tpu.memory_space<semaphore_mem>> -> memref<1x!tpu.dma_semaphore, #tpu.memory_space<semaphore_mem>>
      %dma_start3A_300 = tpu.memref_squeeze %dma_start3A_299 : memref<1x!tpu.dma_semaphore, #tpu.memory_space<semaphore_mem>> -> memref<!tpu.dma_semaphore, #tpu.memory_space<semaphore_mem>>
      %dma_start3A_301 = arith.constant 0 : i32
      %dma_start3A_302 = tpu.memref_slice %arg4[%add3A_289, %mul3A_291, %dma_start3A_301] : memref<1024x256x256xf32, #tpu.memory_space<hbm>> -> memref<16x8x256xf32, #tpu.memory_space<hbm>>
      %dma_start3A_303 = arith.constant 0 : i32
      %dma_start3A_304 = arith.constant 0 : i32
      %dma_start3A_305 = arith.constant 0 : i32
      %dma_start3A_306 = tpu.memref_slice %arg8[%dma_start3A_303, %dma_start3A_304, %dma_start3A_305] : memref<32x8x256xf32, #tpu.memory_space<vmem>> -> memref<16x8x256xf32, #tpu.memory_space<vmem>>
      tpu.enqueue_dma source(%dma_start3A_306 : memref<16x8x256xf32, #tpu.memory_space<vmem>>) target(%dma_start3A_302 : memref<16x8x256xf32, #tpu.memory_space<hbm>>) target_semaphore(%dma_start3A_300 : memref<!tpu.dma_semaphore, #tpu.memory_space<semaphore_mem>>)
      %ge3A_307 = arith.constant 1 : i32
      %ge3A_308 = arith.cmpi sge, %add3A_232, %ge3A_307 : i32
      %convert_element_type3A_309 = arith.extui %ge3A_308 : i1 to i32
      %cond3A_310 = arith.constant 0 : i32
      %cond3A_311 = arith.cmpi ne, %convert_element_type3A_309, %cond3A_310 : i32
      scf.if %cond3A_311 {
        %dma_wait3A_385 = arith.constant 1 : i32
        %dma_wait3A_386 = arith.constant 16 : i32
        %dma_wait3A_387 = arith.constant 0 : i32
        %dma_wait3A_388 = arith.constant 0 : i32
        %dma_wait3A_389 = tpu.memref_slice %arg8[%dma_wait3A_386, %dma_wait3A_387, %dma_wait3A_388] : memref<32x8x256xf32, #tpu.memory_space<vmem>> -> memref<16x8x256xf32, #tpu.memory_space<vmem>>
        %dma_wait3A_390 = arith.constant 0 : i32
        %dma_wait3A_391 = arith.constant 0 : i32
        %dma_wait3A_392 = arith.constant 0 : i32
        %dma_wait3A_393 = tpu.memref_slice %arg4[%dma_wait3A_390, %dma_wait3A_391, %dma_wait3A_392] : memref<1024x256x256xf32, #tpu.memory_space<hbm>> -> memref<16x8x256xf32, #tpu.memory_space<hbm>>
        %dma_wait3A_394 = tpu.memref_slice %arg11[%dma_wait3A_385] : memref<2x!tpu.dma_semaphore, #tpu.memory_space<semaphore_mem>> -> memref<1x!tpu.dma_semaphore, #tpu.memory_space<semaphore_mem>>
        %dma_wait3A_395 = tpu.memref_squeeze %dma_wait3A_394 : memref<1x!tpu.dma_semaphore, #tpu.memory_space<semaphore_mem>> -> memref<!tpu.dma_semaphore, #tpu.memory_space<semaphore_mem>>
        %dma_wait3A_396 = arith.constant 0 : i32
        %dma_wait3A_397 = arith.constant 0 : i32
        %dma_wait3A_398 = arith.constant 0 : i32
        %dma_wait3A_399 = tpu.memref_slice %arg4[%dma_wait3A_396, %dma_wait3A_397, %dma_wait3A_398] : memref<1024x256x256xf32, #tpu.memory_space<hbm>> -> memref<16x8x256xf32, #tpu.memory_space<hbm>>
        %dma_wait3A_400 = arith.constant 16 : i32
        %dma_wait3A_401 = arith.constant 0 : i32
        %dma_wait3A_402 = arith.constant 0 : i32
        %dma_wait3A_403 = tpu.memref_slice %arg8[%dma_wait3A_400, %dma_wait3A_401, %dma_wait3A_402] : memref<32x8x256xf32, #tpu.memory_space<vmem>> -> memref<16x8x256xf32, #tpu.memory_space<vmem>>
        tpu.wait_dma2 semaphore(%dma_wait3A_395 : memref<!tpu.dma_semaphore, #tpu.memory_space<semaphore_mem>>) src(%dma_wait3A_403 : memref<16x8x256xf32, #tpu.memory_space<vmem>>) dst(%dma_wait3A_399 : memref<16x8x256xf32, #tpu.memory_space<hbm>>)
      } else {
      }
      %get3A_312 = arith.constant 256 : index
      %get3A_313 = tpu.vector_load %arg5[%get3A_312] {strides = array<i32>} : memref<512xf32, #tpu.memory_space<vmem>>, vector<16xf32>,
      %get3A_314 = arith.constant 272 : index
      %get3A_315 = tpu.vector_load %arg5[%get3A_314] {strides = array<i32>} : memref<512xf32, #tpu.memory_space<vmem>>, vector<16xf32>,
      %get3A_316 = arith.constant 288 : index
      %get3A_317 = tpu.vector_load %arg5[%get3A_316] {strides = array<i32>} : memref<512xf32, #tpu.memory_space<vmem>>, vector<16xf32>,
      %get3A_318 = arith.constant 304 : index
      %get3A_319 = tpu.vector_load %arg5[%get3A_318] {strides = array<i32>} : memref<512xf32, #tpu.memory_space<vmem>>, vector<16xf32>,
      %get3A_320 = arith.constant 320 : index
      %get3A_321 = tpu.vector_load %arg5[%get3A_320] {strides = array<i32>} : memref<512xf32, #tpu.memory_space<vmem>>, vector<16xf32>,
      %get3A_322 = arith.constant 336 : index
      %get3A_323 = tpu.vector_load %arg5[%get3A_322] {strides = array<i32>} : memref<512xf32, #tpu.memory_space<vmem>>, vector<16xf32>,
      %get3A_324 = arith.constant 352 : index
      %get3A_325 = tpu.vector_load %arg5[%get3A_324] {strides = array<i32>} : memref<512xf32, #tpu.memory_space<vmem>>, vector<16xf32>,
      %get3A_326 = arith.constant 368 : index
      %get3A_327 = tpu.vector_load %arg5[%get3A_326] {strides = array<i32>} : memref<512xf32, #tpu.memory_space<vmem>>, vector<16xf32>,
      %get3A_328 = arith.constant 384 : index
      %get3A_329 = tpu.vector_load %arg5[%get3A_328] {strides = array<i32>} : memref<512xf32, #tpu.memory_space<vmem>>, vector<16xf32>,
      %get3A_330 = arith.constant 400 : index
      %get3A_331 = tpu.vector_load %arg5[%get3A_330] {strides = array<i32>} : memref<512xf32, #tpu.memory_space<vmem>>, vector<16xf32>,
      %get3A_332 = arith.constant 416 : index
      %get3A_333 = tpu.vector_load %arg5[%get3A_332] {strides = array<i32>} : memref<512xf32, #tpu.memory_space<vmem>>, vector<16xf32>,
      %get3A_334 = arith.constant 432 : index
      %get3A_335 = tpu.vector_load %arg5[%get3A_334] {strides = array<i32>} : memref<512xf32, #tpu.memory_space<vmem>>, vector<16xf32>,
      %get3A_336 = arith.constant 448 : index
      %get3A_337 = tpu.vector_load %arg5[%get3A_336] {strides = array<i32>} : memref<512xf32, #tpu.memory_space<vmem>>, vector<16xf32>,
      %get3A_338 = arith.constant 464 : index
      %get3A_339 = tpu.vector_load %arg5[%get3A_338] {strides = array<i32>} : memref<512xf32, #tpu.memory_space<vmem>>, vector<16xf32>,
      %get3A_340 = arith.constant 480 : index
      %get3A_341 = tpu.vector_load %arg5[%get3A_340] {strides = array<i32>} : memref<512xf32, #tpu.memory_space<vmem>>, vector<16xf32>,
      %get3A_342 = arith.constant 496 : index
      %get3A_343 = tpu.vector_load %arg5[%get3A_342] {strides = array<i32>} : memref<512xf32, #tpu.memory_space<vmem>>, vector<16xf32>,
      %scan3A_344 = arith.constant 0 : i32
      %scan3A_345 = arith.constant 0 : i32
      %scan3A_346 = arith.constant 128 : i32
      %scan3A_347 = arith.addi %scan3A_345, %scan3A_346 : i32
      %scan3A_348 = arith.constant 2 : i32
      %scan3A_349 = scf.for %scan3A_385 = %scan3A_345 to %scan3A_347 step %scan3A_348 iter_args(%scan3A_386 = %scan3A_344) -> (i32)  : i32 {
        %shift_right_arithmetic3A = arith.constant 4 : i32
        %shift_right_arithmetic3A_387 = arith.shrsi %scan3A_385, %shift_right_arithmetic3A : i32
        %and3A = arith.constant 15 : i32
        %and3A_388 = arith.andi %scan3A_385, %and3A : i32
        %mul3A_389 = arith.constant 16 : i32
        %mul3A_390 = arith.muli %and3A_388, %mul3A_389 : i32
        %get3A_391 = arith.index_cast %shift_right_arithmetic3A_387 : i32 to index
        %get3A_392 = arith.index_cast %mul3A_390 : i32 to index
        %get3A_393 = tpu.vector_load %arg7[%get3A_391, %get3A_392] {strides = array<i32>} : memref<8x256xi32, #tpu.memory_space<vmem>>, vector<16xi32>,
        %add3A_394 = arith.constant 1 : i32
        %add3A_395 = vector.broadcast %add3A_394 : i32 to vector<16xi32>
        %add3A_396 = arith.addi %get3A_393, %add3A_395 : vector<16xi32>
        %max3A = arith.constant 0 : i32
        %max3A_397 = vector.broadcast %max3A : i32 to vector<16xi32>
        %max3A_398 = arith.maxsi %add3A_396, %max3A_397 : vector<16xi32>
        %min3A_399 = arith.constant 11 : i32
        %min3A_400 = vector.broadcast %min3A_399 : i32 to vector<16xi32>
        %min3A_401 = arith.minsi %max3A_398, %min3A_400 : vector<16xi32>
        %lt3A = arith.constant 0 : i32
        %lt3A_402 = vector.broadcast %lt3A : i32 to vector<16xi32>
        %lt3A_403 = arith.cmpi slt, %min3A_401, %lt3A_402 : vector<16xi32>
        %add3A_404 = arith.constant 16 : i32
        %add3A_405 = vector.broadcast %add3A_404 : i32 to vector<16xi32>
        %add3A_406 = arith.addi %min3A_401, %add3A_405 : vector<16xi32>
        %select_n3A = arith.select %lt3A_403, %add3A_406, %min3A_401 : vector<16xi1>, vector<16xi32>
        %broadcast_in_dim3A = vector.shape_cast %select_n3A : vector<16xi32> to vector<16x1xi32>
        %gather3A = vector.shape_cast %broadcast_in_dim3A : vector<16x1xi32> to vector<16xi32>
        %gather3A_407 = tpu.dynamic_gather %get3A_313[%gather3A] in [0] : vector<16xf32>, vector<16xi32> -> vector<16xf32>
        %swap3A = arith.constant 16 : i32
        %swap3A_408 = arith.index_cast %swap3A : i32 to index
        %swap3A_409 = arith.index_cast %shift_right_arithmetic3A_387 : i32 to index
        %swap3A_410 = arith.index_cast %mul3A_390 : i32 to index
        %swap3A_411 = tpu.vector_load %arg8[%swap3A_408, %swap3A_409, %swap3A_410] {strides = array<i32>} : memref<32x8x256xf32, #tpu.memory_space<vmem>>, vector<16xf32>,
        tpu.vector_store %arg8[%swap3A_408, %swap3A_409, %swap3A_410], %gather3A_407 {strides = array<i32>} : memref<32x8x256xf32, #tpu.memory_space<vmem>>, vector<16xf32>,
        %lt3A_412 = arith.constant 0 : i32
        %lt3A_413 = vector.broadcast %lt3A_412 : i32 to vector<16xi32>
        %lt3A_414 = arith.cmpi slt, %min3A_401, %lt3A_413 : vector<16xi32>
        %add3A_415 = arith.constant 16 : i32
        %add3A_416 = vector.broadcast %add3A_415 : i32 to vector<16xi32>
        %add3A_417 = arith.addi %min3A_401, %add3A_416 : vector<16xi32>
        %select_n3A_418 = arith.select %lt3A_414, %add3A_417, %min3A_401 : vector<16xi1>, vector<16xi32>
        %broadcast_in_dim3A_419 = vector.shape_cast %select_n3A_418 : vector<16xi32> to vector<16x1xi32>
        %gather3A_420 = vector.shape_cast %broadcast_in_dim3A_419 : vector<16x1xi32> to vector<16xi32>
        %gather3A_421 = tpu.dynamic_gather %get3A_315[%gather3A_420] in [0] : vector<16xf32>, vector<16xi32> -> vector<16xf32>
        %swap3A_422 = arith.constant 17 : i32
        %swap3A_423 = arith.index_cast %swap3A_422 : i32 to index
        %swap3A_424 = arith.index_cast %shift_right_arithmetic3A_387 : i32 to index
        %swap3A_425 = arith.index_cast %mul3A_390 : i32 to index
        %swap3A_426 = tpu.vector_load %arg8[%swap3A_423, %swap3A_424, %swap3A_425] {strides = array<i32>} : memref<32x8x256xf32, #tpu.memory_space<vmem>>, vector<16xf32>,
        tpu.vector_store %arg8[%swap3A_423, %swap3A_424, %swap3A_425], %gather3A_421 {strides = array<i32>} : memref<32x8x256xf32, #tpu.memory_space<vmem>>, vector<16xf32>,
        %lt3A_427 = arith.constant 0 : i32
        %lt3A_428 = vector.broadcast %lt3A_427 : i32 to vector<16xi32>
        %lt3A_429 = arith.cmpi slt, %min3A_401, %lt3A_428 : vector<16xi32>
        %add3A_430 = arith.constant 16 : i32
        %add3A_431 = vector.broadcast %add3A_430 : i32 to vector<16xi32>
        %add3A_432 = arith.addi %min3A_401, %add3A_431 : vector<16xi32>
        %select_n3A_433 = arith.select %lt3A_429, %add3A_432, %min3A_401 : vector<16xi1>, vector<16xi32>
        %broadcast_in_dim3A_434 = vector.shape_cast %select_n3A_433 : vector<16xi32> to vector<16x1xi32>
        %gather3A_435 = vector.shape_cast %broadcast_in_dim3A_434 : vector<16x1xi32> to vector<16xi32>
        %gather3A_436 = tpu.dynamic_gather %get3A_317[%gather3A_435] in [0] : vector<16xf32>, vector<16xi32> -> vector<16xf32>
        %swap3A_437 = arith.constant 18 : i32
        %swap3A_438 = arith.index_cast %swap3A_437 : i32 to index
        %swap3A_439 = arith.index_cast %shift_right_arithmetic3A_387 : i32 to index
        %swap3A_440 = arith.index_cast %mul3A_390 : i32 to index
        %swap3A_441 = tpu.vector_load %arg8[%swap3A_438, %swap3A_439, %swap3A_440] {strides = array<i32>} : memref<32x8x256xf32, #tpu.memory_space<vmem>>, vector<16xf32>,
        tpu.vector_store %arg8[%swap3A_438, %swap3A_439, %swap3A_440], %gather3A_436 {strides = array<i32>} : memref<32x8x256xf32, #tpu.memory_space<vmem>>, vector<16xf32>,
        %lt3A_442 = arith.constant 0 : i32
        %lt3A_443 = vector.broadcast %lt3A_442 : i32 to vector<16xi32>
        %lt3A_444 = arith.cmpi slt, %min3A_401, %lt3A_443 : vector<16xi32>
        %add3A_445 = arith.constant 16 : i32
        %add3A_446 = vector.broadcast %add3A_445 : i32 to vector<16xi32>
        %add3A_447 = arith.addi %min3A_401, %add3A_446 : vector<16xi32>
        %select_n3A_448 = arith.select %lt3A_444, %add3A_447, %min3A_401 : vector<16xi1>, vector<16xi32>
        %broadcast_in_dim3A_449 = vector.shape_cast %select_n3A_448 : vector<16xi32> to vector<16x1xi32>
        %gather3A_450 = vector.shape_cast %broadcast_in_dim3A_449 : vector<16x1xi32> to vector<16xi32>
        %gather3A_451 = tpu.dynamic_gather %get3A_319[%gather3A_450] in [0] : vector<16xf32>, vector<16xi32> -> vector<16xf32>
        %swap3A_452 = arith.constant 19 : i32
        %swap3A_453 = arith.index_cast %swap3A_452 : i32 to index
        %swap3A_454 = arith.index_cast %shift_right_arithmetic3A_387 : i32 to index
        %swap3A_455 = arith.index_cast %mul3A_390 : i32 to index
        %swap3A_456 = tpu.vector_load %arg8[%swap3A_453, %swap3A_454, %swap3A_455] {strides = array<i32>} : memref<32x8x256xf32, #tpu.memory_space<vmem>>, vector<16xf32>,
        tpu.vector_store %arg8[%swap3A_453, %swap3A_454, %swap3A_455], %gather3A_451 {strides = array<i32>} : memref<32x8x256xf32, #tpu.memory_space<vmem>>, vector<16xf32>,
        %lt3A_457 = arith.constant 0 : i32
        %lt3A_458 = vector.broadcast %lt3A_457 : i32 to vector<16xi32>
        %lt3A_459 = arith.cmpi slt, %min3A_401, %lt3A_458 : vector<16xi32>
        %add3A_460 = arith.constant 16 : i32
        %add3A_461 = vector.broadcast %add3A_460 : i32 to vector<16xi32>
        %add3A_462 = arith.addi %min3A_401, %add3A_461 : vector<16xi32>
        %select_n3A_463 = arith.select %lt3A_459, %add3A_462, %min3A_401 : vector<16xi1>, vector<16xi32>
        %broadcast_in_dim3A_464 = vector.shape_cast %select_n3A_463 : vector<16xi32> to vector<16x1xi32>
        %gather3A_465 = vector.shape_cast %broadcast_in_dim3A_464 : vector<16x1xi32> to vector<16xi32>
        %gather3A_466 = tpu.dynamic_gather %get3A_321[%gather3A_465] in [0] : vector<16xf32>, vector<16xi32> -> vector<16xf32>
        %swap3A_467 = arith.constant 20 : i32
        %swap3A_468 = arith.index_cast %swap3A_467 : i32 to index
        %swap3A_469 = arith.index_cast %shift_right_arithmetic3A_387 : i32 to index
        %swap3A_470 = arith.index_cast %mul3A_390 : i32 to index
        %swap3A_471 = tpu.vector_load %arg8[%swap3A_468, %swap3A_469, %swap3A_470] {strides = array<i32>} : memref<32x8x256xf32, #tpu.memory_space<vmem>>, vector<16xf32>,
        tpu.vector_store %arg8[%swap3A_468, %swap3A_469, %swap3A_470], %gather3A_466 {strides = array<i32>} : memref<32x8x256xf32, #tpu.memory_space<vmem>>, vector<16xf32>,
        %lt3A_472 = arith.constant 0 : i32
        %lt3A_473 = vector.broadcast %lt3A_472 : i32 to vector<16xi32>
        %lt3A_474 = arith.cmpi slt, %min3A_401, %lt3A_473 : vector<16xi32>
        %add3A_475 = arith.constant 16 : i32
        %add3A_476 = vector.broadcast %add3A_475 : i32 to vector<16xi32>
        %add3A_477 = arith.addi %min3A_401, %add3A_476 : vector<16xi32>
        %select_n3A_478 = arith.select %lt3A_474, %add3A_477, %min3A_401 : vector<16xi1>, vector<16xi32>
        %broadcast_in_dim3A_479 = vector.shape_cast %select_n3A_478 : vector<16xi32> to vector<16x1xi32>
        %gather3A_480 = vector.shape_cast %broadcast_in_dim3A_479 : vector<16x1xi32> to vector<16xi32>
        %gather3A_481 = tpu.dynamic_gather %get3A_323[%gather3A_480] in [0] : vector<16xf32>, vector<16xi32> -> vector<16xf32>
        %swap3A_482 = arith.constant 21 : i32
        %swap3A_483 = arith.index_cast %swap3A_482 : i32 to index
        %swap3A_484 = arith.index_cast %shift_right_arithmetic3A_387 : i32 to index
        %swap3A_485 = arith.index_cast %mul3A_390 : i32 to index
        %swap3A_486 = tpu.vector_load %arg8[%swap3A_483, %swap3A_484, %swap3A_485] {strides = array<i32>} : memref<32x8x256xf32, #tpu.memory_space<vmem>>, vector<16xf32>,
        tpu.vector_store %arg8[%swap3A_483, %swap3A_484, %swap3A_485], %gather3A_481 {strides = array<i32>} : memref<32x8x256xf32, #tpu.memory_space<vmem>>, vector<16xf32>,
        %lt3A_487 = arith.constant 0 : i32
        %lt3A_488 = vector.broadcast %lt3A_487 : i32 to vector<16xi32>
        %lt3A_489 = arith.cmpi slt, %min3A_401, %lt3A_488 : vector<16xi32>
        %add3A_490 = arith.constant 16 : i32
        %add3A_491 = vector.broadcast %add3A_490 : i32 to vector<16xi32>
        %add3A_492 = arith.addi %min3A_401, %add3A_491 : vector<16xi32>
        %select_n3A_493 = arith.select %lt3A_489, %add3A_492, %min3A_401 : vector<16xi1>, vector<16xi32>
        %broadcast_in_dim3A_494 = vector.shape_cast %select_n3A_493 : vector<16xi32> to vector<16x1xi32>
        %gather3A_495 = vector.shape_cast %broadcast_in_dim3A_494 : vector<16x1xi32> to vector<16xi32>
        %gather3A_496 = tpu.dynamic_gather %get3A_325[%gather3A_495] in [0] : vector<16xf32>, vector<16xi32> -> vector<16xf32>
        %swap3A_497 = arith.constant 22 : i32
        %swap3A_498 = arith.index_cast %swap3A_497 : i32 to index
        %swap3A_499 = arith.index_cast %shift_right_arithmetic3A_387 : i32 to index
        %swap3A_500 = arith.index_cast %mul3A_390 : i32 to index
        %swap3A_501 = tpu.vector_load %arg8[%swap3A_498, %swap3A_499, %swap3A_500] {strides = array<i32>} : memref<32x8x256xf32, #tpu.memory_space<vmem>>, vector<16xf32>,
        tpu.vector_store %arg8[%swap3A_498, %swap3A_499, %swap3A_500], %gather3A_496 {strides = array<i32>} : memref<32x8x256xf32, #tpu.memory_space<vmem>>, vector<16xf32>,
        %lt3A_502 = arith.constant 0 : i32
        %lt3A_503 = vector.broadcast %lt3A_502 : i32 to vector<16xi32>
        %lt3A_504 = arith.cmpi slt, %min3A_401, %lt3A_503 : vector<16xi32>
        %add3A_505 = arith.constant 16 : i32
        %add3A_506 = vector.broadcast %add3A_505 : i32 to vector<16xi32>
        %add3A_507 = arith.addi %min3A_401, %add3A_506 : vector<16xi32>
        %select_n3A_508 = arith.select %lt3A_504, %add3A_507, %min3A_401 : vector<16xi1>, vector<16xi32>
        %broadcast_in_dim3A_509 = vector.shape_cast %select_n3A_508 : vector<16xi32> to vector<16x1xi32>
        %gather3A_510 = vector.shape_cast %broadcast_in_dim3A_509 : vector<16x1xi32> to vector<16xi32>
        %gather3A_511 = tpu.dynamic_gather %get3A_327[%gather3A_510] in [0] : vector<16xf32>, vector<16xi32> -> vector<16xf32>
        %swap3A_512 = arith.constant 23 : i32
        %swap3A_513 = arith.index_cast %swap3A_512 : i32 to index
        %swap3A_514 = arith.index_cast %shift_right_arithmetic3A_387 : i32 to index
        %swap3A_515 = arith.index_cast %mul3A_390 : i32 to index
        %swap3A_516 = tpu.vector_load %arg8[%swap3A_513, %swap3A_514, %swap3A_515] {strides = array<i32>} : memref<32x8x256xf32, #tpu.memory_space<vmem>>, vector<16xf32>,
        tpu.vector_store %arg8[%swap3A_513, %swap3A_514, %swap3A_515], %gather3A_511 {strides = array<i32>} : memref<32x8x256xf32, #tpu.memory_space<vmem>>, vector<16xf32>,
        %lt3A_517 = arith.constant 0 : i32
        %lt3A_518 = vector.broadcast %lt3A_517 : i32 to vector<16xi32>
        %lt3A_519 = arith.cmpi slt, %min3A_401, %lt3A_518 : vector<16xi32>
        %add3A_520 = arith.constant 16 : i32
        %add3A_521 = vector.broadcast %add3A_520 : i32 to vector<16xi32>
        %add3A_522 = arith.addi %min3A_401, %add3A_521 : vector<16xi32>
        %select_n3A_523 = arith.select %lt3A_519, %add3A_522, %min3A_401 : vector<16xi1>, vector<16xi32>
        %broadcast_in_dim3A_524 = vector.shape_cast %select_n3A_523 : vector<16xi32> to vector<16x1xi32>
        %gather3A_525 = vector.shape_cast %broadcast_in_dim3A_524 : vector<16x1xi32> to vector<16xi32>
        %gather3A_526 = tpu.dynamic_gather %get3A_329[%gather3A_525] in [0] : vector<16xf32>, vector<16xi32> -> vector<16xf32>
        %swap3A_527 = arith.constant 24 : i32
        %swap3A_528 = arith.index_cast %swap3A_527 : i32 to index
        %swap3A_529 = arith.index_cast %shift_right_arithmetic3A_387 : i32 to index
        %swap3A_530 = arith.index_cast %mul3A_390 : i32 to index
        %swap3A_531 = tpu.vector_load %arg8[%swap3A_528, %swap3A_529, %swap3A_530] {strides = array<i32>} : memref<32x8x256xf32, #tpu.memory_space<vmem>>, vector<16xf32>,
        tpu.vector_store %arg8[%swap3A_528, %swap3A_529, %swap3A_530], %gather3A_526 {strides = array<i32>} : memref<32x8x256xf32, #tpu.memory_space<vmem>>, vector<16xf32>,
        %lt3A_532 = arith.constant 0 : i32
        %lt3A_533 = vector.broadcast %lt3A_532 : i32 to vector<16xi32>
        %lt3A_534 = arith.cmpi slt, %min3A_401, %lt3A_533 : vector<16xi32>
        %add3A_535 = arith.constant 16 : i32
        %add3A_536 = vector.broadcast %add3A_535 : i32 to vector<16xi32>
        %add3A_537 = arith.addi %min3A_401, %add3A_536 : vector<16xi32>
        %select_n3A_538 = arith.select %lt3A_534, %add3A_537, %min3A_401 : vector<16xi1>, vector<16xi32>
        %broadcast_in_dim3A_539 = vector.shape_cast %select_n3A_538 : vector<16xi32> to vector<16x1xi32>
        %gather3A_540 = vector.shape_cast %broadcast_in_dim3A_539 : vector<16x1xi32> to vector<16xi32>
        %gather3A_541 = tpu.dynamic_gather %get3A_331[%gather3A_540] in [0] : vector<16xf32>, vector<16xi32> -> vector<16xf32>
        %swap3A_542 = arith.constant 25 : i32
        %swap3A_543 = arith.index_cast %swap3A_542 : i32 to index
        %swap3A_544 = arith.index_cast %shift_right_arithmetic3A_387 : i32 to index
        %swap3A_545 = arith.index_cast %mul3A_390 : i32 to index
        %swap3A_546 = tpu.vector_load %arg8[%swap3A_543, %swap3A_544, %swap3A_545] {strides = array<i32>} : memref<32x8x256xf32, #tpu.memory_space<vmem>>, vector<16xf32>,
        tpu.vector_store %arg8[%swap3A_543, %swap3A_544, %swap3A_545], %gather3A_541 {strides = array<i32>} : memref<32x8x256xf32, #tpu.memory_space<vmem>>, vector<16xf32>,
        %lt3A_547 = arith.constant 0 : i32
        %lt3A_548 = vector.broadcast %lt3A_547 : i32 to vector<16xi32>
        %lt3A_549 = arith.cmpi slt, %min3A_401, %lt3A_548 : vector<16xi32>
        %add3A_550 = arith.constant 16 : i32
        %add3A_551 = vector.broadcast %add3A_550 : i32 to vector<16xi32>
        %add3A_552 = arith.addi %min3A_401, %add3A_551 : vector<16xi32>
        %select_n3A_553 = arith.select %lt3A_549, %add3A_552, %min3A_401 : vector<16xi1>, vector<16xi32>
        %broadcast_in_dim3A_554 = vector.shape_cast %select_n3A_553 : vector<16xi32> to vector<16x1xi32>
        %gather3A_555 = vector.shape_cast %broadcast_in_dim3A_554 : vector<16x1xi32> to vector<16xi32>
        %gather3A_556 = tpu.dynamic_gather %get3A_333[%gather3A_555] in [0] : vector<16xf32>, vector<16xi32> -> vector<16xf32>
        %swap3A_557 = arith.constant 26 : i32
        %swap3A_558 = arith.index_cast %swap3A_557 : i32 to index
        %swap3A_559 = arith.index_cast %shift_right_arithmetic3A_387 : i32 to index
        %swap3A_560 = arith.index_cast %mul3A_390 : i32 to index
        %swap3A_561 = tpu.vector_load %arg8[%swap3A_558, %swap3A_559, %swap3A_560] {strides = array<i32>} : memref<32x8x256xf32, #tpu.memory_space<vmem>>, vector<16xf32>,
        tpu.vector_store %arg8[%swap3A_558, %swap3A_559, %swap3A_560], %gather3A_556 {strides = array<i32>} : memref<32x8x256xf32, #tpu.memory_space<vmem>>, vector<16xf32>,
        %lt3A_562 = arith.constant 0 : i32
        %lt3A_563 = vector.broadcast %lt3A_562 : i32 to vector<16xi32>
        %lt3A_564 = arith.cmpi slt, %min3A_401, %lt3A_563 : vector<16xi32>
        %add3A_565 = arith.constant 16 : i32
        %add3A_566 = vector.broadcast %add3A_565 : i32 to vector<16xi32>
        %add3A_567 = arith.addi %min3A_401, %add3A_566 : vector<16xi32>
        %select_n3A_568 = arith.select %lt3A_564, %add3A_567, %min3A_401 : vector<16xi1>, vector<16xi32>
        %broadcast_in_dim3A_569 = vector.shape_cast %select_n3A_568 : vector<16xi32> to vector<16x1xi32>
        %gather3A_570 = vector.shape_cast %broadcast_in_dim3A_569 : vector<16x1xi32> to vector<16xi32>
        %gather3A_571 = tpu.dynamic_gather %get3A_335[%gather3A_570] in [0] : vector<16xf32>, vector<16xi32> -> vector<16xf32>
        %swap3A_572 = arith.constant 27 : i32
        %swap3A_573 = arith.index_cast %swap3A_572 : i32 to index
        %swap3A_574 = arith.index_cast %shift_right_arithmetic3A_387 : i32 to index
        %swap3A_575 = arith.index_cast %mul3A_390 : i32 to index
        %swap3A_576 = tpu.vector_load %arg8[%swap3A_573, %swap3A_574, %swap3A_575] {strides = array<i32>} : memref<32x8x256xf32, #tpu.memory_space<vmem>>, vector<16xf32>,
        tpu.vector_store %arg8[%swap3A_573, %swap3A_574, %swap3A_575], %gather3A_571 {strides = array<i32>} : memref<32x8x256xf32, #tpu.memory_space<vmem>>, vector<16xf32>,
        %lt3A_577 = arith.constant 0 : i32
        %lt3A_578 = vector.broadcast %lt3A_577 : i32 to vector<16xi32>
        %lt3A_579 = arith.cmpi slt, %min3A_401, %lt3A_578 : vector<16xi32>
        %add3A_580 = arith.constant 16 : i32
        %add3A_581 = vector.broadcast %add3A_580 : i32 to vector<16xi32>
        %add3A_582 = arith.addi %min3A_401, %add3A_581 : vector<16xi32>
        %select_n3A_583 = arith.select %lt3A_579, %add3A_582, %min3A_401 : vector<16xi1>, vector<16xi32>
        %broadcast_in_dim3A_584 = vector.shape_cast %select_n3A_583 : vector<16xi32> to vector<16x1xi32>
        %gather3A_585 = vector.shape_cast %broadcast_in_dim3A_584 : vector<16x1xi32> to vector<16xi32>
        %gather3A_586 = tpu.dynamic_gather %get3A_337[%gather3A_585] in [0] : vector<16xf32>, vector<16xi32> -> vector<16xf32>
        %swap3A_587 = arith.constant 28 : i32
        %swap3A_588 = arith.index_cast %swap3A_587 : i32 to index
        %swap3A_589 = arith.index_cast %shift_right_arithmetic3A_387 : i32 to index
        %swap3A_590 = arith.index_cast %mul3A_390 : i32 to index
        %swap3A_591 = tpu.vector_load %arg8[%swap3A_588, %swap3A_589, %swap3A_590] {strides = array<i32>} : memref<32x8x256xf32, #tpu.memory_space<vmem>>, vector<16xf32>,
        tpu.vector_store %arg8[%swap3A_588, %swap3A_589, %swap3A_590], %gather3A_586 {strides = array<i32>} : memref<32x8x256xf32, #tpu.memory_space<vmem>>, vector<16xf32>,
        %lt3A_592 = arith.constant 0 : i32
        %lt3A_593 = vector.broadcast %lt3A_592 : i32 to vector<16xi32>
        %lt3A_594 = arith.cmpi slt, %min3A_401, %lt3A_593 : vector<16xi32>
        %add3A_595 = arith.constant 16 : i32
        %add3A_596 = vector.broadcast %add3A_595 : i32 to vector<16xi32>
        %add3A_597 = arith.addi %min3A_401, %add3A_596 : vector<16xi32>
        %select_n3A_598 = arith.select %lt3A_594, %add3A_597, %min3A_401 : vector<16xi1>, vector<16xi32>
        %broadcast_in_dim3A_599 = vector.shape_cast %select_n3A_598 : vector<16xi32> to vector<16x1xi32>
        %gather3A_600 = vector.shape_cast %broadcast_in_dim3A_599 : vector<16x1xi32> to vector<16xi32>
        %gather3A_601 = tpu.dynamic_gather %get3A_339[%gather3A_600] in [0] : vector<16xf32>, vector<16xi32> -> vector<16xf32>
        %swap3A_602 = arith.constant 29 : i32
        %swap3A_603 = arith.index_cast %swap3A_602 : i32 to index
        %swap3A_604 = arith.index_cast %shift_right_arithmetic3A_387 : i32 to index
        %swap3A_605 = arith.index_cast %mul3A_390 : i32 to index
        %swap3A_606 = tpu.vector_load %arg8[%swap3A_603, %swap3A_604, %swap3A_605] {strides = array<i32>} : memref<32x8x256xf32, #tpu.memory_space<vmem>>, vector<16xf32>,
        tpu.vector_store %arg8[%swap3A_603, %swap3A_604, %swap3A_605], %gather3A_601 {strides = array<i32>} : memref<32x8x256xf32, #tpu.memory_space<vmem>>, vector<16xf32>,
        %lt3A_607 = arith.constant 0 : i32
        %lt3A_608 = vector.broadcast %lt3A_607 : i32 to vector<16xi32>
        %lt3A_609 = arith.cmpi slt, %min3A_401, %lt3A_608 : vector<16xi32>
        %add3A_610 = arith.constant 16 : i32
        %add3A_611 = vector.broadcast %add3A_610 : i32 to vector<16xi32>
        %add3A_612 = arith.addi %min3A_401, %add3A_611 : vector<16xi32>
        %select_n3A_613 = arith.select %lt3A_609, %add3A_612, %min3A_401 : vector<16xi1>, vector<16xi32>
        %broadcast_in_dim3A_614 = vector.shape_cast %select_n3A_613 : vector<16xi32> to vector<16x1xi32>
        %gather3A_615 = vector.shape_cast %broadcast_in_dim3A_614 : vector<16x1xi32> to vector<16xi32>
        %gather3A_616 = tpu.dynamic_gather %get3A_341[%gather3A_615] in [0] : vector<16xf32>, vector<16xi32> -> vector<16xf32>
        %swap3A_617 = arith.constant 30 : i32
        %swap3A_618 = arith.index_cast %swap3A_617 : i32 to index
        %swap3A_619 = arith.index_cast %shift_right_arithmetic3A_387 : i32 to index
        %swap3A_620 = arith.index_cast %mul3A_390 : i32 to index
        %swap3A_621 = tpu.vector_load %arg8[%swap3A_618, %swap3A_619, %swap3A_620] {strides = array<i32>} : memref<32x8x256xf32, #tpu.memory_space<vmem>>, vector<16xf32>,
        tpu.vector_store %arg8[%swap3A_618, %swap3A_619, %swap3A_620], %gather3A_616 {strides = array<i32>} : memref<32x8x256xf32, #tpu.memory_space<vmem>>, vector<16xf32>,
        %lt3A_622 = arith.constant 0 : i32
        %lt3A_623 = vector.broadcast %lt3A_622 : i32 to vector<16xi32>
        %lt3A_624 = arith.cmpi slt, %min3A_401, %lt3A_623 : vector<16xi32>
        %add3A_625 = arith.constant 16 : i32
        %add3A_626 = vector.broadcast %add3A_625 : i32 to vector<16xi32>
        %add3A_627 = arith.addi %min3A_401, %add3A_626 : vector<16xi32>
        %select_n3A_628 = arith.select %lt3A_624, %add3A_627, %min3A_401 : vector<16xi1>, vector<16xi32>
        %broadcast_in_dim3A_629 = vector.shape_cast %select_n3A_628 : vector<16xi32> to vector<16x1xi32>
        %gather3A_630 = vector.shape_cast %broadcast_in_dim3A_629 : vector<16x1xi32> to vector<16xi32>
        %gather3A_631 = tpu.dynamic_gather %get3A_343[%gather3A_630] in [0] : vector<16xf32>, vector<16xi32> -> vector<16xf32>
        %swap3A_632 = arith.constant 31 : i32
        %swap3A_633 = arith.index_cast %swap3A_632 : i32 to index
        %swap3A_634 = arith.index_cast %shift_right_arithmetic3A_387 : i32 to index
        %swap3A_635 = arith.index_cast %mul3A_390 : i32 to index
        %swap3A_636 = tpu.vector_load %arg8[%swap3A_633, %swap3A_634, %swap3A_635] {strides = array<i32>} : memref<32x8x256xf32, #tpu.memory_space<vmem>>, vector<16xf32>,
        tpu.vector_store %arg8[%swap3A_633, %swap3A_634, %swap3A_635], %gather3A_631 {strides = array<i32>} : memref<32x8x256xf32, #tpu.memory_space<vmem>>, vector<16xf32>,
        %scan3A_637 = arith.constant 0 : i32
        %scan3A_638 = arith.constant 1 : i32
        %scan3A_639 = arith.addi %scan3A_385, %scan3A_638 : i32
        %shift_right_arithmetic3A_640 = arith.constant 4 : i32
        %shift_right_arithmetic3A_641 = arith.shrsi %scan3A_639, %shift_right_arithmetic3A_640 : i32
        %and3A_642 = arith.constant 15 : i32
        %and3A_643 = arith.andi %scan3A_639, %and3A_642 : i32
        %mul3A_644 = arith.constant 16 : i32
        %mul3A_645 = arith.muli %and3A_643, %mul3A_644 : i32
        %get3A_646 = arith.index_cast %shift_right_arithmetic3A_641 : i32 to index
        %get3A_647 = arith.index_cast %mul3A_645 : i32 to index
        %get3A_648 = tpu.vector_load %arg7[%get3A_646, %get3A_647] {strides = array<i32>} : memref<8x256xi32, #tpu.memory_space<vmem>>, vector<16xi32>,
        %add3A_649 = arith.constant 1 : i32
        %add3A_650 = vector.broadcast %add3A_649 : i32 to vector<16xi32>
        %add3A_651 = arith.addi %get3A_648, %add3A_650 : vector<16xi32>
        %max3A_652 = arith.constant 0 : i32
        %max3A_653 = vector.broadcast %max3A_652 : i32 to vector<16xi32>
        %max3A_654 = arith.maxsi %add3A_651, %max3A_653 : vector<16xi32>
        %min3A_655 = arith.constant 11 : i32
        %min3A_656 = vector.broadcast %min3A_655 : i32 to vector<16xi32>
        %min3A_657 = arith.minsi %max3A_654, %min3A_656 : vector<16xi32>
        %lt3A_658 = arith.constant 0 : i32
        %lt3A_659 = vector.broadcast %lt3A_658 : i32 to vector<16xi32>
        %lt3A_660 = arith.cmpi slt, %min3A_657, %lt3A_659 : vector<16xi32>
        %add3A_661 = arith.constant 16 : i32
        %add3A_662 = vector.broadcast %add3A_661 : i32 to vector<16xi32>
        %add3A_663 = arith.addi %min3A_657, %add3A_662 : vector<16xi32>
        %select_n3A_664 = arith.select %lt3A_660, %add3A_663, %min3A_657 : vector<16xi1>, vector<16xi32>
        %broadcast_in_dim3A_665 = vector.shape_cast %select_n3A_664 : vector<16xi32> to vector<16x1xi32>
        %gather3A_666 = vector.shape_cast %broadcast_in_dim3A_665 : vector<16x1xi32> to vector<16xi32>
        %gather3A_667 = tpu.dynamic_gather %get3A_313[%gather3A_666] in [0] : vector<16xf32>, vector<16xi32> -> vector<16xf32>
        %swap3A_668 = arith.constant 16 : i32
        %swap3A_669 = arith.index_cast %swap3A_668 : i32 to index
        %swap3A_670 = arith.index_cast %shift_right_arithmetic3A_641 : i32 to index
        %swap3A_671 = arith.index_cast %mul3A_645 : i32 to index
        %swap3A_672 = tpu.vector_load %arg8[%swap3A_669, %swap3A_670, %swap3A_671] {strides = array<i32>} : memref<32x8x256xf32, #tpu.memory_space<vmem>>, vector<16xf32>,
        tpu.vector_store %arg8[%swap3A_669, %swap3A_670, %swap3A_671], %gather3A_667 {strides = array<i32>} : memref<32x8x256xf32, #tpu.memory_space<vmem>>, vector<16xf32>,
        %lt3A_673 = arith.constant 0 : i32
        %lt3A_674 = vector.broadcast %lt3A_673 : i32 to vector<16xi32>
        %lt3A_675 = arith.cmpi slt, %min3A_657, %lt3A_674 : vector<16xi32>
        %add3A_676 = arith.constant 16 : i32
        %add3A_677 = vector.broadcast %add3A_676 : i32 to vector<16xi32>
        %add3A_678 = arith.addi %min3A_657, %add3A_677 : vector<16xi32>
        %select_n3A_679 = arith.select %lt3A_675, %add3A_678, %min3A_657 : vector<16xi1>, vector<16xi32>
        %broadcast_in_dim3A_680 = vector.shape_cast %select_n3A_679 : vector<16xi32> to vector<16x1xi32>
        %gather3A_681 = vector.shape_cast %broadcast_in_dim3A_680 : vector<16x1xi32> to vector<16xi32>
        %gather3A_682 = tpu.dynamic_gather %get3A_315[%gather3A_681] in [0] : vector<16xf32>, vector<16xi32> -> vector<16xf32>
        %swap3A_683 = arith.constant 17 : i32
        %swap3A_684 = arith.index_cast %swap3A_683 : i32 to index
        %swap3A_685 = arith.index_cast %shift_right_arithmetic3A_641 : i32 to index
        %swap3A_686 = arith.index_cast %mul3A_645 : i32 to index
        %swap3A_687 = tpu.vector_load %arg8[%swap3A_684, %swap3A_685, %swap3A_686] {strides = array<i32>} : memref<32x8x256xf32, #tpu.memory_space<vmem>>, vector<16xf32>,
        tpu.vector_store %arg8[%swap3A_684, %swap3A_685, %swap3A_686], %gather3A_682 {strides = array<i32>} : memref<32x8x256xf32, #tpu.memory_space<vmem>>, vector<16xf32>,
        %lt3A_688 = arith.constant 0 : i32
        %lt3A_689 = vector.broadcast %lt3A_688 : i32 to vector<16xi32>
        %lt3A_690 = arith.cmpi slt, %min3A_657, %lt3A_689 : vector<16xi32>
        %add3A_691 = arith.constant 16 : i32
        %add3A_692 = vector.broadcast %add3A_691 : i32 to vector<16xi32>
        %add3A_693 = arith.addi %min3A_657, %add3A_692 : vector<16xi32>
        %select_n3A_694 = arith.select %lt3A_690, %add3A_693, %min3A_657 : vector<16xi1>, vector<16xi32>
        %broadcast_in_dim3A_695 = vector.shape_cast %select_n3A_694 : vector<16xi32> to vector<16x1xi32>
        %gather3A_696 = vector.shape_cast %broadcast_in_dim3A_695 : vector<16x1xi32> to vector<16xi32>
        %gather3A_697 = tpu.dynamic_gather %get3A_317[%gather3A_696] in [0] : vector<16xf32>, vector<16xi32> -> vector<16xf32>
        %swap3A_698 = arith.constant 18 : i32
        %swap3A_699 = arith.index_cast %swap3A_698 : i32 to index
        %swap3A_700 = arith.index_cast %shift_right_arithmetic3A_641 : i32 to index
        %swap3A_701 = arith.index_cast %mul3A_645 : i32 to index
        %swap3A_702 = tpu.vector_load %arg8[%swap3A_699, %swap3A_700, %swap3A_701] {strides = array<i32>} : memref<32x8x256xf32, #tpu.memory_space<vmem>>, vector<16xf32>,
        tpu.vector_store %arg8[%swap3A_699, %swap3A_700, %swap3A_701], %gather3A_697 {strides = array<i32>} : memref<32x8x256xf32, #tpu.memory_space<vmem>>, vector<16xf32>,
        %lt3A_703 = arith.constant 0 : i32
        %lt3A_704 = vector.broadcast %lt3A_703 : i32 to vector<16xi32>
        %lt3A_705 = arith.cmpi slt, %min3A_657, %lt3A_704 : vector<16xi32>
        %add3A_706 = arith.constant 16 : i32
        %add3A_707 = vector.broadcast %add3A_706 : i32 to vector<16xi32>
        %add3A_708 = arith.addi %min3A_657, %add3A_707 : vector<16xi32>
        %select_n3A_709 = arith.select %lt3A_705, %add3A_708, %min3A_657 : vector<16xi1>, vector<16xi32>
        %broadcast_in_dim3A_710 = vector.shape_cast %select_n3A_709 : vector<16xi32> to vector<16x1xi32>
        %gather3A_711 = vector.shape_cast %broadcast_in_dim3A_710 : vector<16x1xi32> to vector<16xi32>
        %gather3A_712 = tpu.dynamic_gather %get3A_319[%gather3A_711] in [0] : vector<16xf32>, vector<16xi32> -> vector<16xf32>
        %swap3A_713 = arith.constant 19 : i32
        %swap3A_714 = arith.index_cast %swap3A_713 : i32 to index
        %swap3A_715 = arith.index_cast %shift_right_arithmetic3A_641 : i32 to index
        %swap3A_716 = arith.index_cast %mul3A_645 : i32 to index
        %swap3A_717 = tpu.vector_load %arg8[%swap3A_714, %swap3A_715, %swap3A_716] {strides = array<i32>} : memref<32x8x256xf32, #tpu.memory_space<vmem>>, vector<16xf32>,
        tpu.vector_store %arg8[%swap3A_714, %swap3A_715, %swap3A_716], %gather3A_712 {strides = array<i32>} : memref<32x8x256xf32, #tpu.memory_space<vmem>>, vector<16xf32>,
        %lt3A_718 = arith.constant 0 : i32
        %lt3A_719 = vector.broadcast %lt3A_718 : i32 to vector<16xi32>
        %lt3A_720 = arith.cmpi slt, %min3A_657, %lt3A_719 : vector<16xi32>
        %add3A_721 = arith.constant 16 : i32
        %add3A_722 = vector.broadcast %add3A_721 : i32 to vector<16xi32>
        %add3A_723 = arith.addi %min3A_657, %add3A_722 : vector<16xi32>
        %select_n3A_724 = arith.select %lt3A_720, %add3A_723, %min3A_657 : vector<16xi1>, vector<16xi32>
        %broadcast_in_dim3A_725 = vector.shape_cast %select_n3A_724 : vector<16xi32> to vector<16x1xi32>
        %gather3A_726 = vector.shape_cast %broadcast_in_dim3A_725 : vector<16x1xi32> to vector<16xi32>
        %gather3A_727 = tpu.dynamic_gather %get3A_321[%gather3A_726] in [0] : vector<16xf32>, vector<16xi32> -> vector<16xf32>
        %swap3A_728 = arith.constant 20 : i32
        %swap3A_729 = arith.index_cast %swap3A_728 : i32 to index
        %swap3A_730 = arith.index_cast %shift_right_arithmetic3A_641 : i32 to index
        %swap3A_731 = arith.index_cast %mul3A_645 : i32 to index
        %swap3A_732 = tpu.vector_load %arg8[%swap3A_729, %swap3A_730, %swap3A_731] {strides = array<i32>} : memref<32x8x256xf32, #tpu.memory_space<vmem>>, vector<16xf32>,
        tpu.vector_store %arg8[%swap3A_729, %swap3A_730, %swap3A_731], %gather3A_727 {strides = array<i32>} : memref<32x8x256xf32, #tpu.memory_space<vmem>>, vector<16xf32>,
        %lt3A_733 = arith.constant 0 : i32
        %lt3A_734 = vector.broadcast %lt3A_733 : i32 to vector<16xi32>
        %lt3A_735 = arith.cmpi slt, %min3A_657, %lt3A_734 : vector<16xi32>
        %add3A_736 = arith.constant 16 : i32
        %add3A_737 = vector.broadcast %add3A_736 : i32 to vector<16xi32>
        %add3A_738 = arith.addi %min3A_657, %add3A_737 : vector<16xi32>
        %select_n3A_739 = arith.select %lt3A_735, %add3A_738, %min3A_657 : vector<16xi1>, vector<16xi32>
        %broadcast_in_dim3A_740 = vector.shape_cast %select_n3A_739 : vector<16xi32> to vector<16x1xi32>
        %gather3A_741 = vector.shape_cast %broadcast_in_dim3A_740 : vector<16x1xi32> to vector<16xi32>
        %gather3A_742 = tpu.dynamic_gather %get3A_323[%gather3A_741] in [0] : vector<16xf32>, vector<16xi32> -> vector<16xf32>
        %swap3A_743 = arith.constant 21 : i32
        %swap3A_744 = arith.index_cast %swap3A_743 : i32 to index
        %swap3A_745 = arith.index_cast %shift_right_arithmetic3A_641 : i32 to index
        %swap3A_746 = arith.index_cast %mul3A_645 : i32 to index
        %swap3A_747 = tpu.vector_load %arg8[%swap3A_744, %swap3A_745, %swap3A_746] {strides = array<i32>} : memref<32x8x256xf32, #tpu.memory_space<vmem>>, vector<16xf32>,
        tpu.vector_store %arg8[%swap3A_744, %swap3A_745, %swap3A_746], %gather3A_742 {strides = array<i32>} : memref<32x8x256xf32, #tpu.memory_space<vmem>>, vector<16xf32>,
        %lt3A_748 = arith.constant 0 : i32
        %lt3A_749 = vector.broadcast %lt3A_748 : i32 to vector<16xi32>
        %lt3A_750 = arith.cmpi slt, %min3A_657, %lt3A_749 : vector<16xi32>
        %add3A_751 = arith.constant 16 : i32
        %add3A_752 = vector.broadcast %add3A_751 : i32 to vector<16xi32>
        %add3A_753 = arith.addi %min3A_657, %add3A_752 : vector<16xi32>
        %select_n3A_754 = arith.select %lt3A_750, %add3A_753, %min3A_657 : vector<16xi1>, vector<16xi32>
        %broadcast_in_dim3A_755 = vector.shape_cast %select_n3A_754 : vector<16xi32> to vector<16x1xi32>
        %gather3A_756 = vector.shape_cast %broadcast_in_dim3A_755 : vector<16x1xi32> to vector<16xi32>
        %gather3A_757 = tpu.dynamic_gather %get3A_325[%gather3A_756] in [0] : vector<16xf32>, vector<16xi32> -> vector<16xf32>
        %swap3A_758 = arith.constant 22 : i32
        %swap3A_759 = arith.index_cast %swap3A_758 : i32 to index
        %swap3A_760 = arith.index_cast %shift_right_arithmetic3A_641 : i32 to index
        %swap3A_761 = arith.index_cast %mul3A_645 : i32 to index
        %swap3A_762 = tpu.vector_load %arg8[%swap3A_759, %swap3A_760, %swap3A_761] {strides = array<i32>} : memref<32x8x256xf32, #tpu.memory_space<vmem>>, vector<16xf32>,
        tpu.vector_store %arg8[%swap3A_759, %swap3A_760, %swap3A_761], %gather3A_757 {strides = array<i32>} : memref<32x8x256xf32, #tpu.memory_space<vmem>>, vector<16xf32>,
        %lt3A_763 = arith.constant 0 : i32
        %lt3A_764 = vector.broadcast %lt3A_763 : i32 to vector<16xi32>
        %lt3A_765 = arith.cmpi slt, %min3A_657, %lt3A_764 : vector<16xi32>
        %add3A_766 = arith.constant 16 : i32
        %add3A_767 = vector.broadcast %add3A_766 : i32 to vector<16xi32>
        %add3A_768 = arith.addi %min3A_657, %add3A_767 : vector<16xi32>
        %select_n3A_769 = arith.select %lt3A_765, %add3A_768, %min3A_657 : vector<16xi1>, vector<16xi32>
        %broadcast_in_dim3A_770 = vector.shape_cast %select_n3A_769 : vector<16xi32> to vector<16x1xi32>
        %gather3A_771 = vector.shape_cast %broadcast_in_dim3A_770 : vector<16x1xi32> to vector<16xi32>
        %gather3A_772 = tpu.dynamic_gather %get3A_327[%gather3A_771] in [0] : vector<16xf32>, vector<16xi32> -> vector<16xf32>
        %swap3A_773 = arith.constant 23 : i32
        %swap3A_774 = arith.index_cast %swap3A_773 : i32 to index
        %swap3A_775 = arith.index_cast %shift_right_arithmetic3A_641 : i32 to index
        %swap3A_776 = arith.index_cast %mul3A_645 : i32 to index
        %swap3A_777 = tpu.vector_load %arg8[%swap3A_774, %swap3A_775, %swap3A_776] {strides = array<i32>} : memref<32x8x256xf32, #tpu.memory_space<vmem>>, vector<16xf32>,
        tpu.vector_store %arg8[%swap3A_774, %swap3A_775, %swap3A_776], %gather3A_772 {strides = array<i32>} : memref<32x8x256xf32, #tpu.memory_space<vmem>>, vector<16xf32>,
        %lt3A_778 = arith.constant 0 : i32
        %lt3A_779 = vector.broadcast %lt3A_778 : i32 to vector<16xi32>
        %lt3A_780 = arith.cmpi slt, %min3A_657, %lt3A_779 : vector<16xi32>
        %add3A_781 = arith.constant 16 : i32
        %add3A_782 = vector.broadcast %add3A_781 : i32 to vector<16xi32>
        %add3A_783 = arith.addi %min3A_657, %add3A_782 : vector<16xi32>
        %select_n3A_784 = arith.select %lt3A_780, %add3A_783, %min3A_657 : vector<16xi1>, vector<16xi32>
        %broadcast_in_dim3A_785 = vector.shape_cast %select_n3A_784 : vector<16xi32> to vector<16x1xi32>
        %gather3A_786 = vector.shape_cast %broadcast_in_dim3A_785 : vector<16x1xi32> to vector<16xi32>
        %gather3A_787 = tpu.dynamic_gather %get3A_329[%gather3A_786] in [0] : vector<16xf32>, vector<16xi32> -> vector<16xf32>
        %swap3A_788 = arith.constant 24 : i32
        %swap3A_789 = arith.index_cast %swap3A_788 : i32 to index
        %swap3A_790 = arith.index_cast %shift_right_arithmetic3A_641 : i32 to index
        %swap3A_791 = arith.index_cast %mul3A_645 : i32 to index
        %swap3A_792 = tpu.vector_load %arg8[%swap3A_789, %swap3A_790, %swap3A_791] {strides = array<i32>} : memref<32x8x256xf32, #tpu.memory_space<vmem>>, vector<16xf32>,
        tpu.vector_store %arg8[%swap3A_789, %swap3A_790, %swap3A_791], %gather3A_787 {strides = array<i32>} : memref<32x8x256xf32, #tpu.memory_space<vmem>>, vector<16xf32>,
        %lt3A_793 = arith.constant 0 : i32
        %lt3A_794 = vector.broadcast %lt3A_793 : i32 to vector<16xi32>
        %lt3A_795 = arith.cmpi slt, %min3A_657, %lt3A_794 : vector<16xi32>
        %add3A_796 = arith.constant 16 : i32
        %add3A_797 = vector.broadcast %add3A_796 : i32 to vector<16xi32>
        %add3A_798 = arith.addi %min3A_657, %add3A_797 : vector<16xi32>
        %select_n3A_799 = arith.select %lt3A_795, %add3A_798, %min3A_657 : vector<16xi1>, vector<16xi32>
        %broadcast_in_dim3A_800 = vector.shape_cast %select_n3A_799 : vector<16xi32> to vector<16x1xi32>
        %gather3A_801 = vector.shape_cast %broadcast_in_dim3A_800 : vector<16x1xi32> to vector<16xi32>
        %gather3A_802 = tpu.dynamic_gather %get3A_331[%gather3A_801] in [0] : vector<16xf32>, vector<16xi32> -> vector<16xf32>
        %swap3A_803 = arith.constant 25 : i32
        %swap3A_804 = arith.index_cast %swap3A_803 : i32 to index
        %swap3A_805 = arith.index_cast %shift_right_arithmetic3A_641 : i32 to index
        %swap3A_806 = arith.index_cast %mul3A_645 : i32 to index
        %swap3A_807 = tpu.vector_load %arg8[%swap3A_804, %swap3A_805, %swap3A_806] {strides = array<i32>} : memref<32x8x256xf32, #tpu.memory_space<vmem>>, vector<16xf32>,
        tpu.vector_store %arg8[%swap3A_804, %swap3A_805, %swap3A_806], %gather3A_802 {strides = array<i32>} : memref<32x8x256xf32, #tpu.memory_space<vmem>>, vector<16xf32>,
        %lt3A_808 = arith.constant 0 : i32
        %lt3A_809 = vector.broadcast %lt3A_808 : i32 to vector<16xi32>
        %lt3A_810 = arith.cmpi slt, %min3A_657, %lt3A_809 : vector<16xi32>
        %add3A_811 = arith.constant 16 : i32
        %add3A_812 = vector.broadcast %add3A_811 : i32 to vector<16xi32>
        %add3A_813 = arith.addi %min3A_657, %add3A_812 : vector<16xi32>
        %select_n3A_814 = arith.select %lt3A_810, %add3A_813, %min3A_657 : vector<16xi1>, vector<16xi32>
        %broadcast_in_dim3A_815 = vector.shape_cast %select_n3A_814 : vector<16xi32> to vector<16x1xi32>
        %gather3A_816 = vector.shape_cast %broadcast_in_dim3A_815 : vector<16x1xi32> to vector<16xi32>
        %gather3A_817 = tpu.dynamic_gather %get3A_333[%gather3A_816] in [0] : vector<16xf32>, vector<16xi32> -> vector<16xf32>
        %swap3A_818 = arith.constant 26 : i32
        %swap3A_819 = arith.index_cast %swap3A_818 : i32 to index
        %swap3A_820 = arith.index_cast %shift_right_arithmetic3A_641 : i32 to index
        %swap3A_821 = arith.index_cast %mul3A_645 : i32 to index
        %swap3A_822 = tpu.vector_load %arg8[%swap3A_819, %swap3A_820, %swap3A_821] {strides = array<i32>} : memref<32x8x256xf32, #tpu.memory_space<vmem>>, vector<16xf32>,
        tpu.vector_store %arg8[%swap3A_819, %swap3A_820, %swap3A_821], %gather3A_817 {strides = array<i32>} : memref<32x8x256xf32, #tpu.memory_space<vmem>>, vector<16xf32>,
        %lt3A_823 = arith.constant 0 : i32
        %lt3A_824 = vector.broadcast %lt3A_823 : i32 to vector<16xi32>
        %lt3A_825 = arith.cmpi slt, %min3A_657, %lt3A_824 : vector<16xi32>
        %add3A_826 = arith.constant 16 : i32
        %add3A_827 = vector.broadcast %add3A_826 : i32 to vector<16xi32>
        %add3A_828 = arith.addi %min3A_657, %add3A_827 : vector<16xi32>
        %select_n3A_829 = arith.select %lt3A_825, %add3A_828, %min3A_657 : vector<16xi1>, vector<16xi32>
        %broadcast_in_dim3A_830 = vector.shape_cast %select_n3A_829 : vector<16xi32> to vector<16x1xi32>
        %gather3A_831 = vector.shape_cast %broadcast_in_dim3A_830 : vector<16x1xi32> to vector<16xi32>
        %gather3A_832 = tpu.dynamic_gather %get3A_335[%gather3A_831] in [0] : vector<16xf32>, vector<16xi32> -> vector<16xf32>
        %swap3A_833 = arith.constant 27 : i32
        %swap3A_834 = arith.index_cast %swap3A_833 : i32 to index
        %swap3A_835 = arith.index_cast %shift_right_arithmetic3A_641 : i32 to index
        %swap3A_836 = arith.index_cast %mul3A_645 : i32 to index
        %swap3A_837 = tpu.vector_load %arg8[%swap3A_834, %swap3A_835, %swap3A_836] {strides = array<i32>} : memref<32x8x256xf32, #tpu.memory_space<vmem>>, vector<16xf32>,
        tpu.vector_store %arg8[%swap3A_834, %swap3A_835, %swap3A_836], %gather3A_832 {strides = array<i32>} : memref<32x8x256xf32, #tpu.memory_space<vmem>>, vector<16xf32>,
        %lt3A_838 = arith.constant 0 : i32
        %lt3A_839 = vector.broadcast %lt3A_838 : i32 to vector<16xi32>
        %lt3A_840 = arith.cmpi slt, %min3A_657, %lt3A_839 : vector<16xi32>
        %add3A_841 = arith.constant 16 : i32
        %add3A_842 = vector.broadcast %add3A_841 : i32 to vector<16xi32>
        %add3A_843 = arith.addi %min3A_657, %add3A_842 : vector<16xi32>
        %select_n3A_844 = arith.select %lt3A_840, %add3A_843, %min3A_657 : vector<16xi1>, vector<16xi32>
        %broadcast_in_dim3A_845 = vector.shape_cast %select_n3A_844 : vector<16xi32> to vector<16x1xi32>
        %gather3A_846 = vector.shape_cast %broadcast_in_dim3A_845 : vector<16x1xi32> to vector<16xi32>
        %gather3A_847 = tpu.dynamic_gather %get3A_337[%gather3A_846] in [0] : vector<16xf32>, vector<16xi32> -> vector<16xf32>
        %swap3A_848 = arith.constant 28 : i32
        %swap3A_849 = arith.index_cast %swap3A_848 : i32 to index
        %swap3A_850 = arith.index_cast %shift_right_arithmetic3A_641 : i32 to index
        %swap3A_851 = arith.index_cast %mul3A_645 : i32 to index
        %swap3A_852 = tpu.vector_load %arg8[%swap3A_849, %swap3A_850, %swap3A_851] {strides = array<i32>} : memref<32x8x256xf32, #tpu.memory_space<vmem>>, vector<16xf32>,
        tpu.vector_store %arg8[%swap3A_849, %swap3A_850, %swap3A_851], %gather3A_847 {strides = array<i32>} : memref<32x8x256xf32, #tpu.memory_space<vmem>>, vector<16xf32>,
        %lt3A_853 = arith.constant 0 : i32
        %lt3A_854 = vector.broadcast %lt3A_853 : i32 to vector<16xi32>
        %lt3A_855 = arith.cmpi slt, %min3A_657, %lt3A_854 : vector<16xi32>
        %add3A_856 = arith.constant 16 : i32
        %add3A_857 = vector.broadcast %add3A_856 : i32 to vector<16xi32>
        %add3A_858 = arith.addi %min3A_657, %add3A_857 : vector<16xi32>
        %select_n3A_859 = arith.select %lt3A_855, %add3A_858, %min3A_657 : vector<16xi1>, vector<16xi32>
        %broadcast_in_dim3A_860 = vector.shape_cast %select_n3A_859 : vector<16xi32> to vector<16x1xi32>
        %gather3A_861 = vector.shape_cast %broadcast_in_dim3A_860 : vector<16x1xi32> to vector<16xi32>
        %gather3A_862 = tpu.dynamic_gather %get3A_339[%gather3A_861] in [0] : vector<16xf32>, vector<16xi32> -> vector<16xf32>
        %swap3A_863 = arith.constant 29 : i32
        %swap3A_864 = arith.index_cast %swap3A_863 : i32 to index
        %swap3A_865 = arith.index_cast %shift_right_arithmetic3A_641 : i32 to index
        %swap3A_866 = arith.index_cast %mul3A_645 : i32 to index
        %swap3A_867 = tpu.vector_load %arg8[%swap3A_864, %swap3A_865, %swap3A_866] {strides = array<i32>} : memref<32x8x256xf32, #tpu.memory_space<vmem>>, vector<16xf32>,
        tpu.vector_store %arg8[%swap3A_864, %swap3A_865, %swap3A_866], %gather3A_862 {strides = array<i32>} : memref<32x8x256xf32, #tpu.memory_space<vmem>>, vector<16xf32>,
        %lt3A_868 = arith.constant 0 : i32
        %lt3A_869 = vector.broadcast %lt3A_868 : i32 to vector<16xi32>
        %lt3A_870 = arith.cmpi slt, %min3A_657, %lt3A_869 : vector<16xi32>
        %add3A_871 = arith.constant 16 : i32
        %add3A_872 = vector.broadcast %add3A_871 : i32 to vector<16xi32>
        %add3A_873 = arith.addi %min3A_657, %add3A_872 : vector<16xi32>
        %select_n3A_874 = arith.select %lt3A_870, %add3A_873, %min3A_657 : vector<16xi1>, vector<16xi32>
        %broadcast_in_dim3A_875 = vector.shape_cast %select_n3A_874 : vector<16xi32> to vector<16x1xi32>
        %gather3A_876 = vector.shape_cast %broadcast_in_dim3A_875 : vector<16x1xi32> to vector<16xi32>
        %gather3A_877 = tpu.dynamic_gather %get3A_341[%gather3A_876] in [0] : vector<16xf32>, vector<16xi32> -> vector<16xf32>
        %swap3A_878 = arith.constant 30 : i32
        %swap3A_879 = arith.index_cast %swap3A_878 : i32 to index
        %swap3A_880 = arith.index_cast %shift_right_arithmetic3A_641 : i32 to index
        %swap3A_881 = arith.index_cast %mul3A_645 : i32 to index
        %swap3A_882 = tpu.vector_load %arg8[%swap3A_879, %swap3A_880, %swap3A_881] {strides = array<i32>} : memref<32x8x256xf32, #tpu.memory_space<vmem>>, vector<16xf32>,
        tpu.vector_store %arg8[%swap3A_879, %swap3A_880, %swap3A_881], %gather3A_877 {strides = array<i32>} : memref<32x8x256xf32, #tpu.memory_space<vmem>>, vector<16xf32>,
        %lt3A_883 = arith.constant 0 : i32
        %lt3A_884 = vector.broadcast %lt3A_883 : i32 to vector<16xi32>
        %lt3A_885 = arith.cmpi slt, %min3A_657, %lt3A_884 : vector<16xi32>
        %add3A_886 = arith.constant 16 : i32
        %add3A_887 = vector.broadcast %add3A_886 : i32 to vector<16xi32>
        %add3A_888 = arith.addi %min3A_657, %add3A_887 : vector<16xi32>
        %select_n3A_889 = arith.select %lt3A_885, %add3A_888, %min3A_657 : vector<16xi1>, vector<16xi32>
        %broadcast_in_dim3A_890 = vector.shape_cast %select_n3A_889 : vector<16xi32> to vector<16x1xi32>
        %gather3A_891 = vector.shape_cast %broadcast_in_dim3A_890 : vector<16x1xi32> to vector<16xi32>
        %gather3A_892 = tpu.dynamic_gather %get3A_343[%gather3A_891] in [0] : vector<16xf32>, vector<16xi32> -> vector<16xf32>
        %swap3A_893 = arith.constant 31 : i32
        %swap3A_894 = arith.index_cast %swap3A_893 : i32 to index
        %swap3A_895 = arith.index_cast %shift_right_arithmetic3A_641 : i32 to index
        %swap3A_896 = arith.index_cast %mul3A_645 : i32 to index
        %swap3A_897 = tpu.vector_load %arg8[%swap3A_894, %swap3A_895, %swap3A_896] {strides = array<i32>} : memref<32x8x256xf32, #tpu.memory_space<vmem>>, vector<16xf32>,
        tpu.vector_store %arg8[%swap3A_894, %swap3A_895, %swap3A_896], %gather3A_892 {strides = array<i32>} : memref<32x8x256xf32, #tpu.memory_space<vmem>>, vector<16xf32>,
        %scan3A_898 = arith.constant 0 : i32
        scf.yield %scan3A_898 : i32
      }
      %scan3A_350 = arith.constant 128 : i32
      %mul3A_351 = arith.constant 32 : i32
      %mul3A_352 = arith.muli %add3A, %mul3A_351 : i32
      %add3A_353 = arith.constant 16 : i32
      %add3A_354 = arith.addi %mul3A_352, %add3A_353 : i32
      %mul3A_355 = arith.constant 8 : i32
      %mul3A_356 = arith.muli %add3A_232, %mul3A_355 : i32
      %dma_start3A_357 = arith.constant 1 : i32
      %dma_start3A_358 = arith.constant 16 : i32
      %dma_start3A_359 = arith.constant 0 : i32
      %dma_start3A_360 = arith.constant 0 : i32
      %dma_start3A_361 = tpu.memref_slice %arg8[%dma_start3A_358, %dma_start3A_359, %dma_start3A_360] : memref<32x8x256xf32, #tpu.memory_space<vmem>> -> memref<16x8x256xf32, #tpu.memory_space<vmem>>
      %dma_start3A_362 = arith.constant 0 : i32
      %dma_start3A_363 = tpu.memref_slice %arg4[%add3A_354, %mul3A_356, %dma_start3A_362] : memref<1024x256x256xf32, #tpu.memory_space<hbm>> -> memref<16x8x256xf32, #tpu.memory_space<hbm>>
      %dma_start3A_364 = tpu.memref_slice %arg11[%dma_start3A_357] : memref<2x!tpu.dma_semaphore, #tpu.memory_space<semaphore_mem>> -> memref<1x!tpu.dma_semaphore, #tpu.memory_space<semaphore_mem>>
      %dma_start3A_365 = tpu.memref_squeeze %dma_start3A_364 : memref<1x!tpu.dma_semaphore, #tpu.memory_space<semaphore_mem>> -> memref<!tpu.dma_semaphore, #tpu.memory_space<semaphore_mem>>
      %dma_start3A_366 = arith.constant 0 : i32
      %dma_start3A_367 = tpu.memref_slice %arg4[%add3A_354, %mul3A_356, %dma_start3A_366] : memref<1024x256x256xf32, #tpu.memory_space<hbm>> -> memref<16x8x256xf32, #tpu.memory_space<hbm>>
      %dma_start3A_368 = arith.constant 16 : i32
      %dma_start3A_369 = arith.constant 0 : i32
      %dma_start3A_370 = arith.constant 0 : i32
      %dma_start3A_371 = tpu.memref_slice %arg8[%dma_start3A_368, %dma_start3A_369, %dma_start3A_370] : memref<32x8x256xf32, #tpu.memory_space<vmem>> -> memref<16x8x256xf32, #tpu.memory_space<vmem>>
      tpu.enqueue_dma source(%dma_start3A_371 : memref<16x8x256xf32, #tpu.memory_space<vmem>>) target(%dma_start3A_367 : memref<16x8x256xf32, #tpu.memory_space<hbm>>) target_semaphore(%dma_start3A_365 : memref<!tpu.dma_semaphore, #tpu.memory_space<semaphore_mem>>)
      %add3A_372 = arith.constant 2 : i32
      %add3A_373 = arith.addi %add3A_232, %add3A_372 : i32
      %min3A_374 = arith.constant 31 : i32
      %min3A_375 = arith.minsi %add3A_373, %min3A_374 : i32
      %mul3A_376 = arith.constant 8 : i32
      %mul3A_377 = arith.muli %min3A_375, %mul3A_376 : i32
      %dma_start3A_378 = arith.constant 0 : i32
      %dma_start3A_379 = tpu.memref_slice %arg2[%add3A, %mul3A_377, %dma_start3A_378] : memref<32x256x256xi32, #tpu.memory_space<hbm>> -> memref<1x8x256xi32, #tpu.memory_space<hbm>>
      %dma_start3A_380 = tpu.memref_squeeze %dma_start3A_379 : memref<1x8x256xi32, #tpu.memory_space<hbm>> -> memref<8x256xi32, #tpu.memory_space<hbm>>
      %dma_start3A_381 = arith.constant 0 : i32
      %dma_start3A_382 = tpu.memref_slice %arg2[%add3A, %mul3A_377, %dma_start3A_381] : memref<32x256x256xi32, #tpu.memory_space<hbm>> -> memref<1x8x256xi32, #tpu.memory_space<hbm>>
      %dma_start3A_383 = tpu.memref_squeeze %dma_start3A_382 : memref<1x8x256xi32, #tpu.memory_space<hbm>> -> memref<8x256xi32, #tpu.memory_space<hbm>>
      tpu.enqueue_dma source(%dma_start3A_383 : memref<8x256xi32, #tpu.memory_space<hbm>>) target(%arg7 : memref<8x256xi32, #tpu.memory_space<vmem>>) target_semaphore(%arg10 : memref<!tpu.dma_semaphore, #tpu.memory_space<semaphore_mem>>)
      %scan3A_384 = arith.constant 0 : i32
      scf.yield %scan3A_384 : i32
    }
    %scan3A_21 = arith.constant 16 : i32
    %dma_wait3A = arith.constant 0 : i32
    %dma_wait3A_22 = arith.constant 0 : i32
    %dma_wait3A_23 = arith.constant 0 : i32
    %dma_wait3A_24 = arith.constant 0 : i32
    %dma_wait3A_25 = tpu.memref_slice %arg8[%dma_wait3A_22, %dma_wait3A_23, %dma_wait3A_24] : memref<32x8x256xf32, #tpu.memory_space<vmem>> -> memref<16x8x256xf32, #tpu.memory_space<vmem>>
    %dma_wait3A_26 = arith.constant 0 : i32
    %dma_wait3A_27 = arith.constant 0 : i32
    %dma_wait3A_28 = arith.constant 0 : i32
    %dma_wait3A_29 = tpu.memref_slice %arg4[%dma_wait3A_26, %dma_wait3A_27, %dma_wait3A_28] : memref<1024x256x256xf32, #tpu.memory_space<hbm>> -> memref<16x8x256xf32, #tpu.memory_space<hbm>>
    %dma_wait3A_30 = tpu.memref_slice %arg11[%dma_wait3A] : memref<2x!tpu.dma_semaphore, #tpu.memory_space<semaphore_mem>> -> memref<1x!tpu.dma_semaphore, #tpu.memory_space<semaphore_mem>>
    %dma_wait3A_31 = tpu.memref_squeeze %dma_wait3A_30 : memref<1x!tpu.dma_semaphore, #tpu.memory_space<semaphore_mem>> -> memref<!tpu.dma_semaphore, #tpu.memory_space<semaphore_mem>>
    %dma_wait3A_32 = arith.constant 0 : i32
    %dma_wait3A_33 = arith.constant 0 : i32
    %dma_wait3A_34 = arith.constant 0 : i32
    %dma_wait3A_35 = tpu.memref_slice %arg4[%dma_wait3A_32, %dma_wait3A_33, %dma_wait3A_34] : memref<1024x256x256xf32, #tpu.memory_space<hbm>> -> memref<16x8x256xf32, #tpu.memory_space<hbm>>
    %dma_wait3A_36 = arith.constant 0 : i32
    %dma_wait3A_37 = arith.constant 0 : i32
    %dma_wait3A_38 = arith.constant 0 : i32
    %dma_wait3A_39 = tpu.memref_slice %arg8[%dma_wait3A_36, %dma_wait3A_37, %dma_wait3A_38] : memref<32x8x256xf32, #tpu.memory_space<vmem>> -> memref<16x8x256xf32, #tpu.memory_space<vmem>>
    tpu.wait_dma2 semaphore(%dma_wait3A_31 : memref<!tpu.dma_semaphore, #tpu.memory_space<semaphore_mem>>) src(%dma_wait3A_39 : memref<16x8x256xf32, #tpu.memory_space<vmem>>) dst(%dma_wait3A_35 : memref<16x8x256xf32, #tpu.memory_space<hbm>>)
    %dma_wait3A_40 = arith.constant 1 : i32
    %dma_wait3A_41 = arith.constant 16 : i32
    %dma_wait3A_42 = arith.constant 0 : i32
    %dma_wait3A_43 = arith.constant 0 : i32
    %dma_wait3A_44 = tpu.memref_slice %arg8[%dma_wait3A_41, %dma_wait3A_42, %dma_wait3A_43] : memref<32x8x256xf32, #tpu.memory_space<vmem>> -> memref<16x8x256xf32, #tpu.memory_space<vmem>>
    %dma_wait3A_45 = arith.constant 0 : i32
    %dma_wait3A_46 = arith.constant 0 : i32
    %dma_wait3A_47 = arith.constant 0 : i32
    %dma_wait3A_48 = tpu.memref_slice %arg4[%dma_wait3A_45, %dma_wait3A_46, %dma_wait3A_47] : memref<1024x256x256xf32, #tpu.memory_space<hbm>> -> memref<16x8x256xf32, #tpu.memory_space<hbm>>
    %dma_wait3A_49 = tpu.memref_slice %arg11[%dma_wait3A_40] : memref<2x!tpu.dma_semaphore, #tpu.memory_space<semaphore_mem>> -> memref<1x!tpu.dma_semaphore, #tpu.memory_space<semaphore_mem>>
    %dma_wait3A_50 = tpu.memref_squeeze %dma_wait3A_49 : memref<1x!tpu.dma_semaphore, #tpu.memory_space<semaphore_mem>> -> memref<!tpu.dma_semaphore, #tpu.memory_space<semaphore_mem>>
    %dma_wait3A_51 = arith.constant 0 : i32
    %dma_wait3A_52 = arith.constant 0 : i32
    %dma_wait3A_53 = arith.constant 0 : i32
    %dma_wait3A_54 = tpu.memref_slice %arg4[%dma_wait3A_51, %dma_wait3A_52, %dma_wait3A_53] : memref<1024x256x256xf32, #tpu.memory_space<hbm>> -> memref<16x8x256xf32, #tpu.memory_space<hbm>>
    %dma_wait3A_55 = arith.constant 16 : i32
    %dma_wait3A_56 = arith.constant 0 : i32
    %dma_wait3A_57 = arith.constant 0 : i32
    %dma_wait3A_58 = tpu.memref_slice %arg8[%dma_wait3A_55, %dma_wait3A_56, %dma_wait3A_57] : memref<32x8x256xf32, #tpu.memory_space<vmem>> -> memref<16x8x256xf32, #tpu.memory_space<vmem>>
    tpu.wait_dma2 semaphore(%dma_wait3A_50 : memref<!tpu.dma_semaphore, #tpu.memory_space<semaphore_mem>>) src(%dma_wait3A_58 : memref<16x8x256xf32, #tpu.memory_space<vmem>>) dst(%dma_wait3A_54 : memref<16x8x256xf32, #tpu.memory_space<hbm>>)
    %dma_wait3A_59 = arith.constant 0 : i32
    %dma_wait3A_60 = arith.constant 0 : i32
    %dma_wait3A_61 = arith.constant 0 : i32
    %dma_wait3A_62 = tpu.memref_slice %arg2[%dma_wait3A_59, %dma_wait3A_60, %dma_wait3A_61] : memref<32x256x256xi32, #tpu.memory_space<hbm>> -> memref<1x8x256xi32, #tpu.memory_space<hbm>>
    %dma_wait3A_63 = tpu.memref_squeeze %dma_wait3A_62 : memref<1x8x256xi32, #tpu.memory_space<hbm>> -> memref<8x256xi32, #tpu.memory_space<hbm>>
    %dma_wait3A_64 = arith.constant 0 : i32
    %dma_wait3A_65 = arith.constant 0 : i32
    %dma_wait3A_66 = tpu.memref_slice %arg2[%dma_wait3A_59, %dma_wait3A_64, %dma_wait3A_65] : memref<32x256x256xi32, #tpu.memory_space<hbm>> -> memref<1x8x256xi32, #tpu.memory_space<hbm>>
    %dma_wait3A_67 = tpu.memref_squeeze %dma_wait3A_66 : memref<1x8x256xi32, #tpu.memory_space<hbm>> -> memref<8x256xi32, #tpu.memory_space<hbm>>
    tpu.wait_dma2 semaphore(%arg9 : memref<!tpu.dma_semaphore, #tpu.memory_space<semaphore_mem>>) src(%dma_wait3A_67 : memref<8x256xi32, #tpu.memory_space<hbm>>) dst(%arg6 : memref<8x256xi32, #tpu.memory_space<vmem>>)
    %dma_wait3A_68 = arith.constant 0 : i32
    %dma_wait3A_69 = arith.constant 0 : i32
    %dma_wait3A_70 = arith.constant 0 : i32
    %dma_wait3A_71 = tpu.memref_slice %arg2[%dma_wait3A_68, %dma_wait3A_69, %dma_wait3A_70] : memref<32x256x256xi32, #tpu.memory_space<hbm>> -> memref<1x8x256xi32, #tpu.memory_space<hbm>>
    %dma_wait3A_72 = tpu.memref_squeeze %dma_wait3A_71 : memref<1x8x256xi32, #tpu.memory_space<hbm>> -> memref<8x256xi32, #tpu.memory_space<hbm>>
    %dma_wait3A_73 = arith.constant 0 : i32
    %dma_wait3A_74 = arith.constant 0 : i32
    %dma_wait3A_75 = tpu.memref_slice %arg2[%dma_wait3A_68, %dma_wait3A_73, %dma_wait3A_74] : memref<32x256x256xi32, #tpu.memory_space<hbm>> -> memref<1x8x256xi32, #tpu.memory_space<hbm>>
    %dma_wait3A_76 = tpu.memref_squeeze %dma_wait3A_75 : memref<1x8x256xi32, #tpu.memory_space<hbm>> -> memref<8x256xi32, #tpu.memory_space<hbm>>
    tpu.wait_dma2 semaphore(%arg10 : memref<!tpu.dma_semaphore, #tpu.memory_space<semaphore_mem>>) src(%dma_wait3A_76 : memref<8x256xi32, #tpu.memory_space<hbm>>) dst(%arg7 : memref<8x256xi32, #tpu.memory_space<vmem>>)
    return
  }
}

</mosaic_0001>

<sc_bundles>
// kernel: kernel.3.cloned.1.call-start
scs
__scs_entry_jumppad:
0x0: {  	(pc) =	sbr.rel $0x88, $3  }
0x1: {  	(tag) =	ssettag $0x0;
	lr =	simm.s32 $0x1  }
0x2: {  	[smem:$0x3F9F] =	sst lr;
	_ =	strace $0xD0000000  }
0x3: {  	_ = 	snop  }
0x4: {  	_ = 	snop  }
0x5: {  	_ = 	snop  }
0x6: {  	_ = 	snop  }
0x7: {  	_ = 	snop  }
__scs_overlays_trampoline_lowered:
0x8: {  	[smem:$0x3FAE] =	sst s0  }
0x9: {  	[smem:$0x3FAF] =	sst s1  }
0xa: {  	[smem:$0x3FB0] =	sst s2  }
0xb: {  	[smem:$0x3FB1] =	sst s3  }
0xc: {  	[smem:$0x3FB2] =	sst s4  }
0xd: {  	[smem:$0x3FB3] =	sst s5  }
0xe: {  	[smem:$0x3FB4] =	sst s6  }
0xf: {  	[smem:$0x3FB5] =	sst s7  }
0x10: {  	[smem:$0x3FB6] =	sst s8  }
0x11: {  	[smem:$0x3FB7] =	sst s9;
	s0 =	simm.s32 @!p0 $0x0  }
0x12: {  	s1 =	sld [smem:$0x3F9D];
	s0 =	simm.s32 @p0 $0x1  }
0x13: {  	[smem:$0x3FB8] =	sst s0;
	s0 =	simm.s32 @!p1 $0x0  }
0x14: {  	s2 =	sld [smem:$0x3F9C];
	s0 =	simm.s32 @p1 $0x1  }
0x15: {  	[smem:$0x3FB9] =	sst s0;
	s0 =	simm.s32 @!p2 $0x0  }
0x16: {  	s3 =	sld [smem:$0x3FDB];
	s0 =	simm.s32 @p2 $0x1  }
0x17: {  	s4 =	simm.s32 $0x1BF5;
	[smem:$0x3FBB] =	sst s0  }
0x18: {  	s0 =	sld [smem:$0x3F9E];
	_ =	swait.ge [sflag:s4], $0x0  }
0x19: {  	s7 =	sld [smem:$0x3F9F]  }
0x1a: {  	s8 =	sadd.s32 $0xFFFFE003, lr  }
0x1b: {  	s9 =	sadd.s32 $0xFFFFFEF7, lr;
	s5 =	simm.s32 $0xFFFFFFFF;
	p2 =	slt.u32 s8, $0xFFFFF086  }
0x1c: {  	p1 =	slt.u32 s9, $0xF7A;
	s5 =	simm.s32 @!p2 $0x0  }
0x1d: {  	s5 =	simm.s32 @p1 $0x1;
	p0 =	seq.s32 s7, s2  }
0x1e: {  	s7 =	smul.u32 @!p0 $0xF7A, s2;
	p2 =	seq.s32 @!p0 s5, $0x0  }
0x1f: {  	s9 =	smul.u32 $0xF7A, s1;
	s8 =	simm.s32 @!p0 $0x1BF5;
	p2 =	por !p2, p0  }
0x20: {  	[sflag:s8] =	ssyncset.s32 @!p0 $0xFFFFF086;
	s6 =	sadd.s32 @!p0 s3, s7;
	s7 =	simm.s32 @!p0 $0x108  }
0x21: {  	s3 =	sadd.s32 s3, s9;
	s6 =	sadd.s32 @!p0 $0x88, s6;
	s7 =	simm.s32 @p2 $0x1082  }
0x22: {  	[simem:s7], [sflag:s8] =	dma.local @!p0 [hbm:s6], $0xF7A  }
0x23: {  	s9 =	sor.u32 $0xD0000000, s2;
	s6 =	simm.s32 $0x108;
	_ =	swait.ge @!p0 [sflag:s8], $0x0  }
0x24: {  	s3 =	sadd.s32 $0x88, s3;
	s6 =	simm.s32 @!p1 $0x1082;
	[sflag:s4] =	ssyncset.s32 $0xFFFFF086  }
0x25: {  	[simem:s6], [sflag:s4] =	dma.local [hbm:s3], $0xF7A  }
0x26: {  	[smem:$0x3F9F] =	sst s1;
	(tag) =	ssettag s2;
	_ =	strace s9  }
0x27: {  	s1 =	sld [smem:$0x3FAF]  }
0x28: {  	s2 =	sld [smem:$0x3FB0]  }
0x29: {  	s4 =	sld [smem:$0x3FB2]  }
0x2a: {  	p0 =	seq.s32 s5, $0x0;
	s5 =	sld [smem:$0x3FB3]  }
0x2b: {  	s6 =	sld [smem:$0x3FB4]  }
0x2c: {  	s7 =	sld [smem:$0x3FB5]  }
0x2d: {  	s3 =	simm.s32 $0x108;
	s8 =	sld [smem:$0x3FB6]  }
0x2e: {  	s3 =	simm.s32 @!p0 $0x1082;
	s9 =	sld [smem:$0x3FB7]  }
0x2f: {  	lr =	sadd.s32 s0, s3;
	s0 =	sld [smem:$0x3FAE]  }
0x30: {  	s3 =	sld [smem:$0x3FB1]  }
0x31: {  	[smem:$0x3FBA] =	sst s10  }
0x32: {  	s10 =	sld [smem:$0x3FB8];
	_ =	sdelay $0x3  }
0x33: {  	p0 =	seq.s32 s10, $0x1;
	s10 =	sld [smem:$0x3FBA];
	_ =	sdelay $0x3  }
0x34: {  	[smem:$0x3FBA] =	sst s10  }
0x35: {  	s10 =	sld [smem:$0x3FB9];
	_ =	sdelay $0x3  }
0x36: {  	p1 =	seq.s32 s10, $0x1;
	s10 =	sld [smem:$0x3FBA];
	_ =	sdelay $0x3  }
0x37: {  	[smem:$0x3FBA] =	sst s10  }
0x38: {  	s10 =	sld [smem:$0x3FBB]  }
0x39: {  	_ = 	snop;
	(pc) =	sbr.ind lr, $3  }
0x3a: {  	_ = 	snop  }
0x3b: {  	_ = 	snop  }
0x3c: {  	p2 =	seq.s32 s10, $0x1;
	s10 =	sld [smem:$0x3FBA]  }
0x3d: {  	_ =	shalt  }
0x3e: {  	_ =	shalt  }
0x3f: {  	_ =	shalt  }
0x40: {  	_ =	shalt  }
0x41: {  	_ =	shalt  }
0x42: {  	_ =	shalt  }
0x43: {  	_ =	shalt  }
0x44: {  	_ =	shalt  }
0x45: {  	_ =	shalt  }
0x46: {  	_ =	shalt  }
0x47: {  	_ =	shalt  }
0x48: {  	_ =	shalt  }
0x49: {  	_ =	shalt  }
0x4a: {  	_ =	shalt  }
0x4b: {  	_ =	shalt  }
0x4c: {  	_ =	shalt  }
0x4d: {  	_ =	shalt  }
0x4e: {  	_ =	shalt  }
0x4f: {  	_ =	shalt  }
0x50: {  	_ =	shalt  }
0x51: {  	_ =	shalt  }
0x52: {  	_ =	shalt  }
0x53: {  	_ =	shalt  }
0x54: {  	_ =	shalt  }
0x55: {  	_ =	shalt  }
0x56: {  	_ =	shalt  }
0x57: {  	_ =	shalt  }
0x58: {  	_ =	shalt  }
0x59: {  	_ =	shalt  }
0x5a: {  	_ =	shalt  }
0x5b: {  	_ =	shalt  }
0x5c: {  	_ =	shalt  }
0x5d: {  	_ =	shalt  }
0x5e: {  	_ =	shalt  }
0x5f: {  	_ =	shalt  }
0x60: {  	_ =	shalt  }
0x61: {  	_ =	shalt  }
0x62: {  	_ =	shalt  }
0x63: {  	_ =	shalt  }
0x64: {  	_ =	shalt  }
0x65: {  	_ =	shalt  }
0x66: {  	_ =	shalt  }
0x67: {  	_ =	shalt  }
0x68: {  	_ =	shalt  }
0x69: {  	_ =	shalt  }
0x6a: {  	_ =	shalt  }
0x6b: {  	_ =	shalt  }
0x6c: {  	_ =	shalt  }
0x6d: {  	_ =	shalt  }
0x6e: {  	_ =	shalt  }
0x6f: {  	_ =	shalt  }
0x70: {  	_ =	shalt  }
0x71: {  	_ =	shalt  }
0x72: {  	_ =	shalt  }
0x73: {  	_ =	shalt  }
0x74: {  	_ =	shalt  }
0x75: {  	_ =	shalt  }
0x76: {  	_ =	shalt  }
0x77: {  	_ =	shalt  }
0x78: {  	_ =	shalt  }
0x79: {  	_ =	shalt  }
0x7a: {  	_ =	shalt  }
0x7b: {  	_ =	shalt  }
0x7c: {  	_ =	shalt  }
0x7d: {  	_ =	shalt  }
0x7e: {  	_ =	shalt  }
0x7f: {  	_ =	shalt  }
0x80: {  	_ =	shalt  }
0x81: {  	_ =	shalt  }
0x82: {  	_ =	shalt  }
0x83: {  	_ =	shalt  }
0x84: {  	_ =	shalt  }
0x85: {  	_ =	shalt  }
0x86: {  	_ =	shalt  }
0x87: {  	_ =	shalt  }
.Lfunc_end0:
.L_simem_size_0:
called_computation_lowered:
.L_overlay_start_0:
0x88: {  	s2 =	sld [smem:$0x3FD9]  }
0x89: {  	s3 =	sld [smem:$0x3FFE];
	_ =	sdelay $0x1  }
0x8a: {  	s1 =	srdreg.scid  }
0x8b: {  	s0 =	sand.u32 $0x1, s1  }
0x8c: {  	s17 =	sshll.u32 s0, $0xA;
	s2 =	sadd.s32 s3, s2  }
0x8d: {  	s2 =	sadd.s32 s2, s17  }
0x8e: {  	[smem:$0x3FC6] =	sst s2  }
0x8f: {  	_ = 	snop  }
0x90: {  	s2 =	sld [smem:$0x3FC9]  }
0x91: {  	s18 =	sld [smem:$0x3FD0];
	(tm) =	ssettm $0x1  }
0x92: {  	s4 =	sld [smem:$0x3FFB];
	_ =	sdelay $0x3  }
0x93: {  	_ =	strace s4  }
0x94: {  	s4 =	sld [smem:$0x3FFC];
	_ =	sdelay $0x3  }
0x95: {  	_ =	strace s4  }
0x96: {  	s4 =	sld [smem:$0x3FFD];
	_ =	sdelay $0x3  }
0x97: {  	_ =	strace s4  }
0x98: {  	_ =	strace $0x8FFFFFFF  }
0x99: {  	s19 =	sld [smem:$0x3FDB];
	_ =	sdelay $0x1  }
0x9a: {  	s5 =	simm.s32 $_scs_section_size  }
0x9b: {  	s6 =	simm.s32 $_size__tile_overlayer_lowered;
	s7 =	simm.s32 $_tile_overlayer_lowered  }
0x9c: {  	s22 =	simm.s32 $0x1BFF;
	s21 =	sshll.u32 s7, $0x1;
	s4 =	sadd.s32 s5, s19  }
0x9d: {  	s8 =	simm.s32 $0x0;
	s20 =	sshll.u32 s6, $0x1;
	s6 =	sadd.s32 s21, s4  }
0x9e: {  	[timem:s8], [sflag:s22] =	dma.local [hbm:s6], s20  }
0x9f: {  	_ =	swait.ge [sflag:s22], s20  }
0xa0: {  	s5 =	ssub.s32 $0x0, s20;
	[sflag:s22] =	ssyncset.done $0x0  }
0xa1: {  	[sflag:s22] =	ssyncadd.s32 s5;
	_ =	sdelay $0x1  }
0xa2: {  	s23 =	simm.s32 $0x1B8B  }
0xa3: {  	_ =	swait.ge [sflag:s23], $0x1  }
0xa4: {  	[sflag:s23] =	ssyncset.done $0x0  }
0xa5: {  	s25 =	simm.s32 $0x1B8E;
	s24 =	sld [smem:$0x3FFE];
	[sflag:s23] =	ssyncadd.s32 $0xFFFFFFFF  }
0xa6: {  	s26 =	simm.s32 $execute0_lowered;
	[smem:$0x3FD2] =	sst s25  }
0xa7: {  	s6 =	sshll.u32 s26, $0x1;
	_ =	strace $0x80000046;
	[dreg:$0x1] =	wrdreg $0xFFFFFFFF  }
0xa8: {  	s28 =	simm.s32 $_size_execute0_lowered;
	s4 =	sadd.s32 s4, s6;
	[dreg:$0x0] =	wrdreg $0x0  }
0xa9: {  	s6 =	sshll.u32 s28, $0x1;
	[dreg:$0x2] =	wrdreg s4  }
0xaa: {  	[dreg:$0x3] =	wrdreg s6  }
0xab: {  	[dreg:$0x4] =	wrdreg $0xC0  }
0xac: {  	_ =	task [dreg:s8], $0x5FFFF  }
0xad: {  	[dreg:$0x1] =	wrdreg $0xFFFFFFFF  }
0xae: {  	[dreg:$0x0] =	wrdreg $0x60  }
0xaf: {  	[dreg:$0x2] =	wrdreg s2  }
0xb0: {  	[dreg:$0x3] =	wrdreg s24  }
0xb1: {  	[dreg:$0x4] =	wrdreg s18  }
0xb2: {  	[dreg:$0x5] =	wrdreg $0x9  }
0xb3: {  	_ =	task.clear_ibuf [dreg:s8], $0x6FFFF;
	_ =	strace $0x90000046  }
0xb4: {  	s29 =	simm.s32 $0x9;
	_ =	strace $0x80000048  }
0xb5: {  	_ =	swait.ge [sflag:s29], $0x1  }
0xb6: {  	[sflag:s29] =	ssyncadd.s32 $0xFFFFFFFF  }
0xb7: {  	_ =	strace $0x90000048  }
0xb8: {  	_ =	sfence  }
0xb9: {  	s30 =	sld [smem:$0x0];
	_ =	sdelay $0x2  }
0xba: {  	s31 =	sshll.u32 s1, $0xD;
	s1 =	sshrl.u32 s1, $0x2  }
0xbb: {  	s3 =	sand.u32 $0x4000, s31;
	s1 =	sadd.s32 s1, s30  }
0xbc: {  	s0 =	sor.u32 s3, s0;
	s1 =	sshll.u32 s1, $0x11  }
0xbd: {  	s0 =	sor.u32 s1, s0  }
0xbe: {  	s0 =	sadd.s32 $0x8F2B, s0  }
0xbf: {  	[sflag:s0] =	ssyncadd.remote.s32 $0x1  }
0xc0: {  	_ =	sfence.sel $0xFFFF  }
0xc1: {  	[dreg:$0x0] =	wrdreg $0xFFFFFFFF;
	(pc) =	sbr.abs _section_cstart, $3  }
0xc2: {  	[dreg:$0x1] =	wrdreg $0xFFFFFFFF  }
0xc3: {  	_ =	task.clear_ibuf [dreg:s8], $0x2FFFF;
	_ =	strace $0x9FFFFFFF  }
0xc4: {  	(tm) =	ssettm $0x7FFFFFFF  }
0xc5: {  	_ =	shalt  }
tec
execute0_lowered:
.L_overlay_start_1:
0x0: {  	(tag) =	ssettag $0x1  }
0x1: {  	s4 =	rddreg [dreg:$0x0]  }
0x2: {  	s0 =	rddreg [dreg:$0x1];
	s3 =	simm.s32 $0x0;
	s1 =	srdreg.scid  }
0x3: {  	s2 =	stileid.u32;
	[smem:$0x7FF] =	sst s3  }
0x4: {  	s1 =	sand.u32 $0x1, s1;
	s2 =	sshll.u32 s2, $0x1;
	s0 =	sadd.s32 $0x400, s0  }
0x5: {  	_ =	strace $0x80000047;
	s26 =	ssub.s32 $0x2, s1;
	s1 =	sor.u32 s1, s2  }
0x6: {  	[smem:$0x7F6] =	sst s0;
	s2 =	sshll.u32 s1, $0xD;
	s29 =	sshll.u32 s1, $0x15  }
0x7: {  	s2 =	sadd.s32 s4, s2;
	[smem:$0x7F9] =	sst s29  }
0x8: {  	s1 =	sshll.u32 s1, $0x10;
	s30 =	sor.u32 $0x100000, s29;
	[smem:$0x7F7] =	sst s2  }
0x9: {  	s31 =	sor.u32 $0x1000, s1;
	[smem:$0x7FA] =	sst s30  }
0xa: {  	s28 =	sshrl.u32 s26, $0x1;
	s1 =	sor.u32 $0x1800, s1;
	[smem:$0x7FB] =	sst s31  }
0xb: {  	s0 =	ssub.s32 s26, s28;
	s2 =	sadd.s32 $0x100, s2;
	[smem:$0x7FC] =	sst s1  }
0xc: {  	s0 =	smax.u32 s0, $0x1;
	[smem:$0x7F8] =	sst s2  }
0xd: {  	[smem:$0x7FD] =	sst s0;
	s2 =	simm.s32 $0x0  }
.LBB2_1:
0xe: {  	s1 =	sld [smem:$0x7F6];
	_ =	sdelay $0x1  }
0xf: {  	[smem:$0x7F5] =	sst s2;
	s0 =	simm.s32 $0x0;
	s26 =	simm.s32 $0x5  }
0x10: {  	[tilespmem:s0], [sflag:$0x5] =	stream.linear.gather [hbm4b:s1+s0], $0x200, $0x38;
	[tilespmem:$0x11200] =	vst v63  }
0x11: {  	_ =	swait.ge [sflag:s26], $0x200  }
0x12: {  	s28 =	sld [smem:$0x7F7]  }
0x13: {  	[sflag:s26] =	ssyncset.done $0x0  }
0x14: {  	s29 =	simm.s32 $0x200;
	s30 =	sld [smem:$0x7F8];
	[sflag:s26] =	ssyncadd.s32 $0xFFFFFE00  }
0x15: {  	[tilespmem:s29], [sflag:$0x1] =	stream.linear.gather [hbm4b:s28+s0], $0x800, $0x38;
	[tilespmem:$0x11200] =	vst v63  }
0x16: {  	s31 =	simm.s32 $0xA00;
	s21 =	simm.s32 $0x0  }
0x17: {  	[tilespmem:s31], [sflag:$0x2] =	stream.linear.gather [hbm4b:s30+s0], $0x800, $0x38;
	[tilespmem:$0x11200] =	vst v63  }
.LBB2_2:
0x18: {  	s0 =	simm.s32 $0x1  }
0x19: {  	_ =	swait.ge [sflag:s0], $0x800  }
0x1a: {  	p0 =	seq.s32 s21, $0x0;
	[sflag:s0] =	ssyncset.done $0x0  }
0x1b: {  	[sflag:s0] =	ssyncadd.s32 $0xFFFFF800;
	s0 =	simm.s32 @!p0 $0x3  }
0x1c: {  	_ =	swait.ge @!p0 [sflag:s0], $0x8000  }
0x1d: {  	[sflag:s0] =	ssyncset.done @!p0 $0x0  }
0x1e: {  	[sflag:s0] =	ssyncadd.s32 @!p0 $0xFFFF8000  }
0x1f: {  	v6 =	vld [tilespmem:$0x0]  }
0x20: {  	s20 =	simm.s32 $0x0;
	v1 =	vld [tilespmem:$0x10]  }
0x21: {  	s2 =	sand.u32 $0x400, s20;
	s3 =	sand.u32 $0x380, s20;
	v8 =	vld [tilespmem:$0x20]  }
0x22: {  	s1 =	sand.u32 $0x60, s20;
	s0 =	sor.u32 s3, s2;
	v0 =	vld [tilespmem:$0x30]  }
0x23: {  	v9 =	vld [tilespmem:$0x40];
	s4 =	sor.u32 s1, s0  }
0x24: {  	v4 =	vld [tilespmem:s4+$0x200]  }
0x25: {  	v7 =	vld [tilespmem:$0x50]  }
0x26: {  	v12 =	vld [tilespmem:$0x60]  }
0x27: {  	v13 =	vld [tilespmem:$0x70]  }
0x28: {  	v3 =	vld [tilespmem:$0x80]  }
0x29: {  	v2 =	vld [tilespmem:$0xC0];
	v4 =	vadd.s32 $0x1, v4  }
0x2a: {  	v14 =	vld [tilespmem:$0x90];
	vm0 =	vgt.s32 v4, $0x0  }
0x2b: {  	v11 =	vld [tilespmem:$0xA0];
	v4 =	vnsel vm0, $0x0, v4  }
0x2c: {  	v5 =	vld [tilespmem:$0xB0];
	v16 =	vmin.u32 v4, $0xB  }
0x2d: {  	v10 =	vld [tilespmem:$0xD0];
	v17 =	vperm.xlane v6, v16  }
0x2e: {  	v15 =	vld [tilespmem:$0xF0];
	s2 =	sadd.s32 $0x7200, s0;
	v18 =	vperm.xlane v2, v16  }
0x2f: {  	s3 =	sadd.s32 $0x1A00, s0;
	s5 =	sor.u32 s1, s2;
	v4 =	vld [tilespmem:$0xE0];
	v19 =	vperm.xlane v1, v16;
	[tilespmem:s4+$0x1200] =	vst v17  }
0x30: {  	s6 =	sor.u32 s1, s3;
	s4 =	sadd.s32 $0x3A00, s0;
	v17 =	vperm.xlane v7, v16;
	[tilespmem:s5+$0x0] =	vst v18  }
0x31: {  	s7 =	sadd.s32 $0x2A00, s0;
	v18 =	vperm.xlane v0, v16;
	s22 =	sor.u32 s1, s4;
	[tilespmem:s6+$0x0] =	vst v19  }
0x32: {  	s11 =	sadd.s32 $0x6A00, s0;
	s23 =	sor.u32 s1, s7;
	v19 =	vperm.xlane v5, v16;
	[tilespmem:s22+$0x0] =	vst v17  }
0x33: {  	s24 =	sadd.s32 $0x2200, s0;
	s8 =	sor.u32 s1, s11;
	v17 =	vperm.xlane v8, v16;
	[tilespmem:s23+$0x0] =	vst v18  }
0x34: {  	s12 =	sadd.s32 $0x5200, s0;
	s22 =	sor.u32 s1, s24;
	v18 =	vperm.xlane v3, v16;
	[tilespmem:s8+$0x0] =	vst v19  }
0x35: {  	s9 =	sor.u32 s1, s12;
	s23 =	sadd.s32 $0x6200, s0;
	v19 =	vperm.xlane v11, v16;
	[tilespmem:s22+$0x0] =	vst v17  }
0x36: {  	[smem:$0x7F3] =	sst s21;
	s10 =	sadd.s32 $0x3200, s0;
	s25 =	sor.u32 s1, s23;
	v17 =	vperm.xlane v9, v16;
	[tilespmem:s9+$0x0] =	vst v18  }
0x37: {  	s21 =	sshll.u32 s21, $0x1;
	s26 =	sadd.s32 $0x4A00, s0;
	s13 =	sor.u32 s1, s10;
	v18 =	vperm.xlane v13, v16;
	[tilespmem:s25+$0x0] =	vst v19  }
0x38: {  	[smem:$0x7F4] =	sst s21;
	s14 =	sadd.s32 $0x7A00, s0;
	s17 =	sor.u32 s1, s26;
	v19 =	vperm.xlane v10, v16;
	[tilespmem:s13+$0x0] =	vst v17  }
0x39: {  	s15 =	sadd.s32 $0x8A00, s0;
	s20 =	sadd.s32 $0x5A00, s0;
	s18 =	sor.u32 s1, s14;
	v17 =	vperm.xlane v15, v16;
	[tilespmem:s17+$0x0] =	vst v18  }
0x3a: {  	s16 =	sadd.s32 $0x8200, s0;
	s19 =	sor.u32 s1, s15;
	s22 =	sor.u32 s1, s20;
	v18 =	vperm.xlane v4, v16;
	[tilespmem:s18+$0x0] =	vst v19  }
0x3b: {  	s17 =	sor.u32 s1, s16;
	v19 =	vperm.xlane v14, v16;
	s18 =	sadd.s32 $0x4200, s0;
	[tilespmem:s19+$0x0] =	vst v17;
	s19 =	sor.u32 $0x10, s1  }
0x3c: {  	[tilespmem:s17+$0x0] =	vst v18;
	s1 =	sor.u32 s1, s18;
	s17 =	sor.u32 s19, s24;
	s24 =	sor.u32 s19, s10  }
0x3d: {  	[tilespmem:s22+$0x0] =	vst v19;
	s18 =	sor.u32 s19, s18;
	s22 =	sor.u32 s19, s0;
	s26 =	sor.u32 s19, s26  }
0x3e: {  	s10 =	sor.u32 s19, s20;
	s5 =	sor.u32 s19, s3;
	s13 =	sor.u32 s19, s4  }
0x3f: {  	v16 =	vperm.xlane v12, v16;
	s6 =	sor.u32 s19, s23;
	s9 =	sor.u32 s19, s7;
	s0 =	sor.u32 s19, s14  }
0x40: {  	s8 =	sor.u32 s19, s15;
	s30 =	sor.u32 s19, s12;
	s20 =	sor.u32 s19, s11  }
0x41: {  	[tilespmem:s1+$0x0] =	vst v16;
	s23 =	simm.s32 $0x10;
	s7 =	simm.s32 $0x100;
	s25 =	sor.u32 s19, s2  }
0x42: {  	s11 =	simm.s32 $0x100;
	s14 =	sor.u32 s19, s16;
	s15 =	simm.s32 $0x20;
	v16 =	vld [tilespmem:s22+$0x200]  }
0x43: {  	[dreg:$0x8] =	wrdreg s11;
	s12 =	sand.u32 $0x400, s7;
	s3 =	sand.u32 $0x380, s23  }
0x44: {  	s16 =	simm.s32 $0x20;
	[dreg:$0xa] =	wrdreg s14;
	s2 =	sor.u32 s3, s12  }
0x45: {  	[dreg:$0xf] =	wrdreg s16;
	s14 =	sand.u32 $0x60, s15;
	s3 =	sadd.s32 $0x3200, s2  }
0x46: {  	s16 =	sor.u32 $0x10, s14;
	s4 =	sadd.s32 $0x5A00, s2;
	s19 =	sor.u32 s14, s3  }
0x47: {  	s23 =	sadd.s32 $0x4200, s2;
	s3 =	sor.u32 s16, s3;
	[dreg:$0x11] =	wrdreg s19;
	v16 =	vadd.s32 $0x1, v16  }
0x48: {  	s1 =	sadd.s32 $0x6A00, s2;
	s11 =	sor.u32 s16, s23;
	[dreg:$0x5] =	wrdreg s3;
	vm15 =	vgt.s32 v16, $0x0  }
0x49: {  	s28 =	sor.u32 s14, s2;
	s12 =	sor.u32 s14, s4;
	[dreg:$0x4] =	wrdreg s11;
	v16 =	vnsel vm15, $0x0, v16  }
0x4a: {  	s15 =	sor.u32 s14, s23;
	[dreg:$0xb] =	wrdreg s12;
	s19 =	sadd.s32 $0x3A00, s2;
	v19 =	vmin.u32 v16, $0xB  }
0x4b: {  	s11 =	sor.u32 s16, s4;
	s3 =	sadd.s32 $0x6200, s2;
	s23 =	sor.u32 s14, s19;
	v16 =	vperm.xlane v6, v19  }
0x4c: {  	s12 =	sadd.s32 $0x8A00, s2;
	s7 =	sor.u32 s14, s3;
	[dreg:$0x17] =	wrdreg s23;
	v17 =	vperm.xlane v8, v19  }
0x4d: {  	s19 =	sor.u32 s16, s19;
	[dreg:$0x15] =	wrdreg s7;
	s23 =	sor.u32 s14, s12;
	v18 =	vperm.xlane v0, v19;
	[tilespmem:s22+$0x1200] =	vst v16  }
0x4e: {  	[dreg:$0x13] =	wrdreg s23;
	s23 =	sor.u32 s16, s12;
	s12 =	sadd.s32 $0x2200, s2;
	v16 =	vperm.xlane v9, v19;
	[tilespmem:s17+$0x0] =	vst v17  }
0x4f: {  	s22 =	sor.u32 s16, s3;
	v17 =	vperm.xlane v12, v19;
	s3 =	sadd.s32 $0x4A00, s2;
	s17 =	sor.u32 s16, s12;
	[tilespmem:s9+$0x0] =	vst v18  }
0x50: {  	s9 =	simm.s32 $0x2;
	s7 =	sor.u32 s14, s3;
	[dreg:$0x6] =	wrdreg s17;
	[tilespmem:s24+$0x0] =	vst v16;
	v16 =	vperm.xlane v13, v19  }
0x51: {  	s17 =	sadd.s32 $0x5200, s2;
	s24 =	sor.u32 s16, s3;
	[dreg:$0x19] =	wrdreg s7;
	[tilespmem:s18+$0x0] =	vst v17;
	v17 =	vperm.xlane v14, v19  }
0x52: {  	s18 =	sor.u32 s14, s12;
	s3 =	sadd.s32 $0x7200, s2;
	s12 =	sadd.s32 $0x1A00, s2;
	[tilespmem:s26+$0x0] =	vst v16;
	v16 =	vperm.xlane v7, v19  }
0x53: {  	s29 =	sor.u32 s16, s17;
	s31 =	sor.u32 s14, s17;
	s17 =	sadd.s32 $0x8200, s2;
	[tilespmem:s10+$0x0] =	vst v17;
	v17 =	vperm.xlane v11, v19  }
0x54: {  	[dreg:$0x1d] =	wrdreg s18;
	s7 =	sor.u32 s14, s3;
	s18 =	sor.u32 s16, s12;
	[tilespmem:s13+$0x0] =	vst v16;
	v16 =	vperm.xlane v1, v19  }
0x55: {  	s12 =	sor.u32 s14, s12;
	[dreg:$0x1b] =	wrdreg s7;
	s26 =	sor.u32 s16, s3;
	[tilespmem:s6+$0x0] =	vst v17;
	v17 =	vperm.xlane v15, v19  }
0x56: {  	s7 =	sor.u32 s16, s1;
	s3 =	sadd.s32 $0x2A00, s2;
	[tilespmem:s5+$0x0] =	vst v16;
	v16 =	vperm.xlane v10, v19;
	s5 =	sadd.s32 $0x7A00, s2  }
0x57: {  	s10 =	sor.u32 s16, s3;
	s6 =	sor.u32 s14, s1;
	[tilespmem:s8+$0x0] =	vst v17;
	s8 =	sor.u32 s16, s5  }
0x58: {  	v18 =	vperm.xlane v2, v19;
	s13 =	sor.u32 s14, s3;
	[dreg:$0xd] =	wrdreg s8;
	s8 =	sor.u32 s14, s5;
	[tilespmem:s0+$0x0] =	vst v16;
	v16 =	vperm.xlane v3, v19  }
0x59: {  	v17 =	vperm.xlane v5, v19;
	s5 =	sor.u32 s14, s17;
	s0 =	sor.u32 s16, s17;
	v19 =	vperm.xlane v4, v19;
	s17 =	simm.s32 $0x20  }
.LBB2_3:
0x5a: {  	[tilespmem:s30+$0x0] =	vst v16  }
0x5b: {  	[tilespmem:s20+$0x0] =	vst v17  }
0x5c: {  	[tilespmem:s25+$0x0] =	vst v18;
	s25 =	smov.u32 s26;
	s26 =	rddreg [dreg:$0xa]  }
0x5d: {  	[tilespmem:s26+$0x0] =	vst v19  }
0x5e: {  	v16 =	vld [tilespmem:s28+$0x200];
	_ =	sdelay $0x3  }
0x5f: {  	[smem:$0x7EC] =	sst s19  }
0x60: {  	[smem:$0x7EF] =	sst s23;
	v16 =	vadd.s32 $0x1, v16  }
0x61: {  	[smem:$0x7EB] =	sst s24;
	vm0 =	vgt.s32 v16, $0x0  }
0x62: {  	[smem:$0x7F1] =	sst s10;
	v16 =	vnsel vm0, $0x0, v16  }
0x63: {  	s1 =	rddreg [dreg:$0x8];
	v16 =	vmin.u32 v16, $0xB  }
0x64: {  	s4 =	rddreg [dreg:$0xf];
	v17 =	vperm.xlane v6, v16  }
0x65: {  	s10 =	rddreg [dreg:$0x1b];
	v18 =	vperm.xlane v2, v16  }
0x66: {  	s14 =	rddreg [dreg:$0x15];
	v20 =	vperm.xlane v0, v16;
	[tilespmem:s28+$0x1200] =	vst v17  }
0x67: {  	s3 =	smov.u32 s29;
	s19 =	rddreg [dreg:$0x11];
	v23 =	vperm.xlane v5, v16;
	[tilespmem:s10+$0x0] =	vst v18  }
0x68: {  	s24 =	smov.u32 s7;
	[smem:$0x7ED] =	sst s3;
	v24 =	vperm.xlane v3, v16;
	[tilespmem:s13+$0x0] =	vst v20  }
0x69: {  	[smem:$0x7EE] =	sst s24;
	v26 =	vperm.xlane v11, v16;
	[tilespmem:s6+$0x0] =	vst v23  }
0x6a: {  	s20 =	rddreg [dreg:$0x19];
	v22 =	vperm.xlane v13, v16;
	[tilespmem:s31+$0x0] =	vst v24  }
0x6b: {  	[smem:$0x7F0] =	sst s25;
	v25 =	vperm.xlane v15, v16;
	[tilespmem:s14+$0x0] =	vst v26  }
0x6c: {  	s7 =	smov.u32 s0;
	s25 =	rddreg [dreg:$0x13];
	v58 =	vperm.xlane v12, v16;
	[tilespmem:s20+$0x0] =	vst v22  }
0x6d: {  	s1 =	sadd.s32 $0x100, s1;
	[dreg:$0xa] =	wrdreg s7;
	v19 =	vperm.xlane v1, v16;
	[tilespmem:s25+$0x0] =	vst v25  }
0x6e: {  	s9 =	sadd.s32 $0x2, s9;
	[dreg:$0x8] =	wrdreg s1;
	v21 =	vperm.xlane v7, v16;
	[tilespmem:s15+$0x0] =	vst v58  }
0x6f: {  	s23 =	sand.u32 $0x380, s17;
	s4 =	sadd.s32 $0x20, s4;
	v17 =	vperm.xlane v8, v16;
	[tilespmem:s12+$0x0] =	vst v19;
	s12 =	rddreg [dreg:$0x17]  }
0x70: {  	p1 =	slt.u32 s9, $0x7E;
	s21 =	sand.u32 $0x400, s1;
	v18 =	vperm.xlane v9, v16;
	s13 =	rddreg [dreg:$0x1d];
	[tilespmem:s12+$0x0] =	vst v21  }
0x71: {  	[dreg:$0xf] =	wrdreg s4;
	s24 =	sand.u32 $0x60, s4;
	s1 =	smov.u32 s11;
	v20 =	vperm.xlane v14, v16;
	[tilespmem:s13+$0x0] =	vst v17  }
0x72: {  	s26 =	rddreg [dreg:$0xb];
	v19 =	vperm.xlane v10, v16;
	[tilespmem:s19+$0x0] =	vst v18;
	s13 =	sor.u32 s16, s2;
	s2 =	sor.u32 s23, s21  }
0x73: {  	v16 =	vperm.xlane v4, v16;
	[tilespmem:s26+$0x0] =	vst v20;
	s28 =	sor.u32 s24, s2;
	s0 =	sadd.s32 $0x2200, s2;
	s7 =	sadd.s32 $0x4A00, s2  }
0x74: {  	[tilespmem:s8+$0x0] =	vst v19;
	s12 =	sadd.s32 $0x1A00, s2;
	s31 =	sadd.s32 $0x5200, s2;
	s6 =	sadd.s32 $0x6A00, s2  }
0x75: {  	[tilespmem:s5+$0x0] =	vst v16;
	s8 =	sadd.s32 $0x2A00, s2;
	s14 =	sadd.s32 $0x7A00, s2;
	s10 =	sadd.s32 $0x3A00, s2  }
0x76: {  	s5 =	sadd.s32 $0x8200, s2;
	s15 =	sadd.s32 $0x6200, s2;
	v16 =	vld [tilespmem:s13+$0x200];
	s3 =	sor.u32 s24, s10  }
0x77: {  	s26 =	sadd.s32 $0x7200, s2;
	s4 =	sor.u32 s24, s15;
	[dreg:$0x17] =	wrdreg s3  }
0x78: {  	s19 =	sadd.s32 $0x3200, s2;
	s16 =	sor.u32 s24, s26;
	[dreg:$0x15] =	wrdreg s4  }
0x79: {  	s25 =	sadd.s32 $0x5A00, s2;
	s20 =	sor.u32 s24, s19;
	[dreg:$0x1b] =	wrdreg s16  }
0x7a: {  	s29 =	sadd.s32 $0x8A00, s2;
	s21 =	sor.u32 s24, s25;
	[dreg:$0x11] =	wrdreg s20  }
0x7b: {  	s30 =	sadd.s32 $0x4200, s2;
	s23 =	sor.u32 s24, s29;
	[dreg:$0xb] =	wrdreg s21;
	v16 =	vadd.s32 $0x1, v16  }
0x7c: {  	[dreg:$0x13] =	wrdreg s23;
	s16 =	sor.u32 $0x10, s24;
	s3 =	sor.u32 s24, s30;
	vm15 =	vgt.s32 v16, $0x0  }
0x7d: {  	s20 =	smov.u32 s18;
	[smem:$0x7F2] =	sst s3;
	s21 =	sor.u32 s16, s30;
	v16 =	vnsel vm15, $0x0, v16  }
0x7e: {  	s30 =	smov.u32 s22;
	s22 =	sor.u32 s16, s7;
	s7 =	sor.u32 s24, s7;
	v20 =	vmin.u32 v16, $0xB  }
0x7f: {  	s11 =	sor.u32 s16, s0;
	s0 =	sor.u32 s24, s0;
	[dreg:$0x19] =	wrdreg s7;
	v16 =	vperm.xlane v6, v20  }
0x80: {  	s19 =	sor.u32 s16, s19;
	s23 =	sor.u32 s16, s25;
	[dreg:$0x1d] =	wrdreg s0;
	v62 =	vperm.xlane v11, v20  }
0x81: {  	s4 =	sor.u32 s16, s12;
	s3 =	sor.u32 s16, s10;
	v17 =	vperm.xlane v8, v20;
	[tilespmem:s13+$0x1200] =	vst v16;
	s13 =	rddreg [dreg:$0x6]  }
0x82: {  	s18 =	sor.u32 s16, s15;
	s15 =	sor.u32 s16, s8;
	v59 =	vperm.xlane v1, v20;
	[tilespmem:s30+$0x0] =	vst v62;
	s30 =	sld [smem:$0x7ED]  }
0x83: {  	[tilespmem:s13+$0x0] =	vst v17;
	s13 =	smov.u32 s11;
	s11 =	smov.u32 s23;
	s23 =	sld [smem:$0x7EC]  }
0x84: {  	s10 =	sor.u32 s16, s14;
	s25 =	sor.u32 s16, s29;
	[tilespmem:s20+$0x0] =	vst v59;
	s20 =	sld [smem:$0x7EE]  }
0x85: {  	s29 =	sor.u32 s16, s31;
	s12 =	sor.u32 s24, s12;
	v16 =	vperm.xlane v9, v20;
	[dreg:$0x6] =	wrdreg s13  }
0x86: {  	s31 =	sor.u32 s24, s31;
	s7 =	sor.u32 s16, s6;
	s13 =	rddreg [dreg:$0x5]  }
0x87: {  	[tilespmem:s13+$0x0] =	vst v16;
	s13 =	smov.u32 s19;
	s19 =	smov.u32 s21;
	s21 =	sld [smem:$0x7EB]  }
0x88: {  	s0 =	sor.u32 s16, s5;
	s6 =	sor.u32 s24, s6;
	v19 =	vperm.xlane v14, v20;
	[dreg:$0x5] =	wrdreg s13  }
0x89: {  	v60 =	vperm.xlane v0, v20;
	v61 =	vperm.xlane v7, v20;
	s13 =	sor.u32 s24, s8;
	s8 =	sor.u32 s24, s14;
	s14 =	rddreg [dreg:$0x4]  }
0x8a: {  	s5 =	sor.u32 s24, s5;
	v18 =	vperm.xlane v13, v20;
	[tilespmem:s1+$0x0] =	vst v19;
	v17 =	vperm.xlane v12, v20;
	[dreg:$0x4] =	wrdreg s19;
	s24 =	smov.u32 s22  }
0x8b: {  	v63 =	vperm.xlane v10, v20;
	v19 =	vperm.xlane v4, v20;
	[tilespmem:s23+$0x0] =	vst v61;
	s19 =	smov.u32 s3;
	s22 =	smov.u32 s18;
	s3 =	sld [smem:$0x7EF]  }
.Ltmp0:
0x8c: {  	v16 =	vperm.xlane v3, v20;
	s18 =	smov.u32 s4;
	s4 =	rddreg [dreg:$0xd];
	[tilespmem:s14+$0x0] =	vst v17;
	v17 =	vperm.xlane v5, v20;
	(pc) =	sbr.rel @p1 .LBB2_3-.Ltmp0, $4  }
0x8d: {  	[tilespmem:s21+$0x0] =	vst v18;
	v18 =	vperm.xlane v2, v20;
	v20 =	vperm.xlane v15, v20;
	s21 =	sld [smem:$0x7F1]  }
0x8e: {  	s23 =	smov.u32 s25;
	s25 =	sld [smem:$0x7F0];
	[tilespmem:s4+$0x0] =	vst v63  }
0x8f: {  	s14 =	smov.u32 s10;
	s10 =	smov.u32 s15;
	s15 =	sld [smem:$0x7F2];
	[tilespmem:s3+$0x0] =	vst v20  }
0x90: {  	s17 =	sadd.s32 $0x10, s17;
	s26 =	sor.u32 s16, s26;
	[dreg:$0xd] =	wrdreg s14;
	[tilespmem:s21+$0x0] =	vst v60  }
0x91: {  	[tilespmem:s30+$0x0] =	vst v16  }
0x92: {  	[tilespmem:s20+$0x0] =	vst v17  }
0x93: {  	[tilespmem:s25+$0x0] =	vst v18;
	s1 =	rddreg [dreg:$0xa]  }
0x94: {  	[tilespmem:s1+$0x0] =	vst v19  }
0x95: {  	v16 =	vld [tilespmem:s28+$0x200];
	_ =	sdelay $0x4  }
0x96: {  	v16 =	vadd.s32 $0x1, v16  }
0x97: {  	vm0 =	vgt.s32 v16, $0x0  }
0x98: {  	v16 =	vnsel vm0, $0x0, v16  }
0x99: {  	v16 =	vmin.u32 v16, $0xB  }
0x9a: {  	v17 =	vperm.xlane v6, v16  }
0x9b: {  	v18 =	vperm.xlane v2, v16  }
0x9c: {  	[tilespmem:s28+$0x1200] =	vst v17;
	v17 =	vperm.xlane v1, v16;
	s28 =	rddreg [dreg:$0x1b]  }
0x9d: {  	[tilespmem:s28+$0x0] =	vst v18;
	v18 =	vperm.xlane v7, v16  }
0x9e: {  	s30 =	rddreg [dreg:$0x17];
	[tilespmem:s12+$0x0] =	vst v17;
	v17 =	vperm.xlane v0, v16  }
0x9f: {  	[tilespmem:s30+$0x0] =	vst v18;
	v18 =	vperm.xlane v5, v16  }
0xa0: {  	[tilespmem:s13+$0x0] =	vst v17;
	v17 =	vperm.xlane v8, v16  }
0xa1: {  	s3 =	rddreg [dreg:$0x1d];
	v19 =	vperm.xlane v9, v16;
	[tilespmem:s6+$0x0] =	vst v18  }
0xa2: {  	v18 =	vperm.xlane v3, v16;
	s6 =	rddreg [dreg:$0x11];
	[tilespmem:s3+$0x0] =	vst v17  }
0xa3: {  	v17 =	vperm.xlane v11, v16;
	[tilespmem:s6+$0x0] =	vst v19  }
0xa4: {  	s4 =	rddreg [dreg:$0x15];
	v19 =	vperm.xlane v15, v16;
	[tilespmem:s31+$0x0] =	vst v18  }
0xa5: {  	s12 =	rddreg [dreg:$0x13];
	v18 =	vperm.xlane v13, v16;
	[tilespmem:s4+$0x0] =	vst v17  }
0xa6: {  	s9 =	rddreg [dreg:$0x19];
	v17 =	vperm.xlane v10, v16;
	[tilespmem:s12+$0x0] =	vst v19  }
0xa7: {  	[tilespmem:s9+$0x0] =	vst v18;
	v18 =	vperm.xlane v4, v16  }
0xa8: {  	[tilespmem:s8+$0x0] =	vst v17;
	v17 =	vperm.xlane v14, v16  }
0xa9: {  	s13 =	rddreg [dreg:$0xb];
	v16 =	vperm.xlane v12, v16;
	[tilespmem:s5+$0x0] =	vst v18  }
0xaa: {  	[tilespmem:s13+$0x0] =	vst v17  }
0xab: {  	s14 =	sor.u32 s16, s2;
	[tilespmem:s15+$0x0] =	vst v16  }
0xac: {  	v16 =	vld [tilespmem:s14+$0x200];
	_ =	sdelay $0x4  }
0xad: {  	v16 =	vadd.s32 $0x1, v16  }
0xae: {  	vm14 =	vgt.s32 v16, $0x0  }
0xaf: {  	v16 =	vnsel vm14, $0x0, v16  }
0xb0: {  	v16 =	vmin.u32 v16, $0xB  }
0xb1: {  	v6 =	vperm.xlane v6, v16  }
0xb2: {  	v8 =	vperm.xlane v8, v16  }
0xb3: {  	s16 =	rddreg [dreg:$0x6];
	v7 =	vperm.xlane v7, v16;
	[tilespmem:s14+$0x1200] =	vst v6  }
0xb4: {  	v0 =	vperm.xlane v0, v16;
	[tilespmem:s16+$0x0] =	vst v8  }
0xb5: {  	v1 =	vperm.xlane v1, v16;
	[tilespmem:s19+$0x0] =	vst v7  }
0xb6: {  	v6 =	vperm.xlane v9, v16;
	[tilespmem:s10+$0x0] =	vst v0  }
0xb7: {  	s17 =	rddreg [dreg:$0x5];
	v8 =	vperm.xlane v12, v16;
	[tilespmem:s18+$0x0] =	vst v1  }
0xb8: {  	s20 =	rddreg [dreg:$0x4];
	v9 =	vperm.xlane v13, v16;
	[tilespmem:s17+$0x0] =	vst v6  }
0xb9: {  	v6 =	vperm.xlane v14, v16;
	[tilespmem:s20+$0x0] =	vst v8  }
0xba: {  	[tilespmem:s24+$0x0] =	vst v9;
	v8 =	vperm.xlane v11, v16  }
0xbb: {  	s21 =	rddreg [dreg:$0xd];
	[tilespmem:s11+$0x0] =	vst v6;
	v6 =	vperm.xlane v15, v16  }
0xbc: {  	v7 =	vperm.xlane v10, v16;
	[tilespmem:s22+$0x0] =	vst v8;
	s22 =	sld [smem:$0x7F3]  }
0xbd: {  	v0 =	vperm.xlane v2, v16;
	[tilespmem:s23+$0x0] =	vst v6;
	s23 =	sld [smem:$0x7F9]  }
0xbe: {  	v1 =	vperm.xlane v3, v16;
	[tilespmem:s21+$0x0] =	vst v7  }
0xbf: {  	v3 =	vperm.xlane v5, v16;
	[tilespmem:s26+$0x0] =	vst v0;
	s31 =	sshll.u32 s22, $0xC  }
0xc0: {  	[tilespmem:s29+$0x0] =	vst v1;
	v1 =	vperm.xlane v4, v16;
	s1 =	sor.u32 s23, s31  }
0xc1: {  	s25 =	simm.s32 $0x800;
	s24 =	rddreg [dreg:$0x2];
	[tilespmem:s7+$0x0] =	vst v3;
	s1 =	sshrl.u32 s1, $0x3  }
0xc2: {  	s3 =	simm.s32 $0x1200;
	s26 =	simm.s32 $0x10000;
	[tilespmem:s0+$0x0] =	vst v1;
	s0 =	sadd.s32 s24, s1  }
0xc3: {  	[hbm4b:s0+s25] =	stream.strided.scatter [tilespmem:s3], [sflag:$0x3], $0x8000, s26, s25, $0x38;
	[tilespmem:$0x11200] =	vst v63  }
0xc4: {  	s0 =	simm.s32 @!p0 $0x4  }
0xc5: {  	_ =	swait.ge @!p0 [sflag:s0], $0x8000  }
0xc6: {  	[sflag:s0] =	ssyncset.done @!p0 $0x0  }
0xc7: {  	[sflag:s0] =	ssyncadd.s32 @!p0 $0xFFFF8000  }
0xc8: {  	s0 =	simm.s32 $0x0;
	v6 =	vld [tilespmem:$0x100]  }
0xc9: {  	v0 =	vld [tilespmem:$0x110];
	s28 =	sand.u32 $0x400, s0;
	s29 =	sand.u32 $0x380, s0  }
0xca: {  	v8 =	vld [tilespmem:$0x120];
	s30 =	sor.u32 s29, s28  }
0xcb: {  	v10 =	vld [tilespmem:$0x130];
	s6 =	sand.u32 $0x60, s0;
	s7 =	sadd.s32 $0x200, s30  }
0xcc: {  	v11 =	vld [tilespmem:$0x140];
	s20 =	sor.u32 s6, s7  }
0xcd: {  	v5 =	vld [tilespmem:s20+$0x0]  }
0xce: {  	v4 =	vld [tilespmem:$0x150]  }
0xcf: {  	v2 =	vld [tilespmem:$0x160]  }
0xd0: {  	v1 =	vld [tilespmem:$0x170]  }
0xd1: {  	v3 =	vld [tilespmem:$0x180]  }
0xd2: {  	v15 =	vld [tilespmem:$0x190];
	v5 =	vadd.s32 $0x1, v5  }
0xd3: {  	v12 =	vld [tilespmem:$0x1A0];
	vm15 =	vgt.s32 v5, $0x0  }
0xd4: {  	v9 =	vld [tilespmem:$0x1F0];
	v5 =	vnsel vm15, $0x0, v5  }
0xd5: {  	v13 =	vld [tilespmem:$0x1B0];
	s3 =	sadd.s32 $0xD200, s30;
	v21 =	vmin.u32 v5, $0xB  }
0xd6: {  	v7 =	vld [tilespmem:$0x1D0];
	s2 =	sadd.s32 $0xAA00, s30;
	s15 =	sadd.s32 $0x9200, s30;
	s4 =	sadd.s32 $0xB200, s30;
	v16 =	vperm.xlane v3, v21  }
0xd7: {  	v14 =	vld [tilespmem:$0x1C0];
	s5 =	sadd.s32 $0xFA00, s30;
	s17 =	sadd.s32 $0xDA00, s30;
	s21 =	sor.u32 s6, s3;
	v17 =	vperm.xlane v10, v21  }
0xd8: {  	s9 =	sadd.s32 $0xBA00, s30;
	s19 =	sadd.s32 $0xE200, s30;
	s22 =	sor.u32 s6, s2;
	v5 =	vld [tilespmem:$0x1E0];
	v18 =	vperm.xlane v11, v21;
	[tilespmem:s21+$0x0] =	vst v16  }
0xd9: {  	s18 =	sadd.s32 $0xEA00, s30;
	s16 =	sadd.s32 $0x10A00, s30;
	s23 =	sor.u32 s6, s4;
	v19 =	vperm.xlane v9, v21;
	[tilespmem:s22+$0x0] =	vst v17  }
0xda: {  	s11 =	sadd.s32 $0x9A00, s30;
	s8 =	sadd.s32 $0xC200, s30;
	s14 =	sor.u32 s6, s16;
	v20 =	vperm.xlane v0, v21;
	[tilespmem:s23+$0x0] =	vst v18  }
0xdb: {  	s13 =	sadd.s32 $0x10200, s30;
	s10 =	sadd.s32 $0xCA00, s30;
	s29 =	sor.u32 s6, s11;
	v22 =	vperm.xlane v1, v21;
	[tilespmem:s14+$0x0] =	vst v19  }
0xdc: {  	s20 =	sadd.s32 $0xA200, s30;
	v16 =	vperm.xlane v7, v21;
	s21 =	sadd.s32 $0xF200, s30;
	s30 =	sor.u32 s6, s10;
	[tilespmem:s29+$0x0] =	vst v20  }
0xdd: {  	s24 =	sor.u32 s6, s5;
	v17 =	vperm.xlane v15, v21;
	[tilespmem:s30+$0x0] =	vst v22  }
0xde: {  	s12 =	simm.s32 $0x10;
	s25 =	sor.u32 s6, s17;
	v18 =	vperm.xlane v8, v21;
	v19 =	vperm.xlane v13, v21;
	[tilespmem:s24+$0x0] =	vst v16  }
0xdf: {  	s1 =	simm.s32 $0x0;
	s28 =	sor.u32 s6, s13;
	s26 =	sor.u32 s6, s20;
	v20 =	vperm.xlane v14, v21;
	[tilespmem:s25+$0x0] =	vst v17;
	v17 =	vperm.xlane v5, v21  }
0xe0: {  	s22 =	sor.u32 s6, s15;
	s23 =	sor.u32 s6, s9;
	s14 =	simm.s32 $0x0;
	[tilespmem:s26+$0x0] =	vst v18;
	v16 =	vperm.xlane v2, v21;
	v18 =	vperm.xlane v4, v21  }
0xe1: {  	s25 =	sor.u32 s6, s18;
	s26 =	sor.u32 s6, s19;
	s24 =	sor.u32 s6, s8;
	[tilespmem:s28+$0x0] =	vst v17;
	v17 =	vperm.xlane v12, v21;
	v21 =	vperm.xlane v6, v21  }
.LBB2_5:
0xe2: {  	s1 =	sadd.s32 $0x2, s1;
	[tilespmem:s23+$0x0] =	vst v18;
	s0 =	sadd.s32 $0x100, s0;
	s14 =	sadd.s32 $0x20, s14  }
0xe3: {  	p0 =	slt.u32 s1, $0x7E;
	[tilespmem:s22+$0x0] =	vst v21  }
0xe4: {  	[tilespmem:s25+$0x0] =	vst v19  }
0xe5: {  	s22 =	sor.u32 s6, s21;
	[tilespmem:s26+$0x0] =	vst v17  }
0xe6: {  	s6 =	sor.u32 $0x10, s6;
	[tilespmem:s22+$0x0] =	vst v20  }
0xe7: {  	s7 =	sor.u32 s6, s7;
	s15 =	sor.u32 s6, s15;
	s20 =	sor.u32 s6, s20;
	[tilespmem:s24+$0x0] =	vst v16  }
0xe8: {  	s18 =	sor.u32 s6, s18;
	v16 =	vld [tilespmem:s7+$0x0];
	s7 =	sor.u32 s6, s17;
	s17 =	sor.u32 s6, s19  }
0xe9: {  	s21 =	sor.u32 s6, s21;
	s22 =	sor.u32 s6, s5;
	s19 =	sor.u32 s6, s9  }
0xea: {  	s5 =	sor.u32 s6, s11;
	s11 =	sor.u32 s6, s16;
	s9 =	sor.u32 s6, s3  }
0xeb: {  	s8 =	sor.u32 s6, s8;
	s3 =	sor.u32 s6, s10;
	s10 =	sor.u32 s6, s13  }
0xec: {  	_ = 	snop  }
0xed: {  	v16 =	vadd.s32 $0x1, v16  }
0xee: {  	vm0 =	vgt.s32 v16, $0x0  }
0xef: {  	v16 =	vnsel vm0, $0x0, v16  }
0xf0: {  	v16 =	vmin.u32 v16, $0xB  }
0xf1: {  	v17 =	vperm.xlane v6, v16;
	v18 =	vperm.xlane v0, v16  }
0xf2: {  	v19 =	vperm.xlane v8, v16;
	v20 =	vperm.xlane v10, v16  }
0xf3: {  	v21 =	vperm.xlane v4, v16;
	[tilespmem:s15+$0x0] =	vst v17;
	v17 =	vperm.xlane v11, v16  }
0xf4: {  	s2 =	sor.u32 s6, s2;
	v22 =	vperm.xlane v1, v16;
	[tilespmem:s20+$0x0] =	vst v19;
	v19 =	vperm.xlane v2, v16  }
0xf5: {  	v23 =	vperm.xlane v15, v16;
	[tilespmem:s2+$0x0] =	vst v20;
	s2 =	sor.u32 s6, s4;
	v20 =	vperm.xlane v3, v16  }
0xf6: {  	v24 =	vperm.xlane v13, v16;
	[tilespmem:s2+$0x0] =	vst v17;
	v17 =	vperm.xlane v12, v16  }
0xf7: {  	v25 =	vperm.xlane v7, v16;
	[tilespmem:s7+$0x0] =	vst v23;
	v23 =	vperm.xlane v14, v16  }
0xf8: {  	[tilespmem:s17+$0x0] =	vst v17;
	v17 =	vperm.xlane v5, v16;
	v16 =	vperm.xlane v9, v16  }
0xf9: {  	[tilespmem:s18+$0x0] =	vst v24  }
0xfa: {  	[tilespmem:s21+$0x0] =	vst v23  }
0xfb: {  	[tilespmem:s22+$0x0] =	vst v25  }
0xfc: {  	[tilespmem:s19+$0x0] =	vst v21  }
0xfd: {  	s4 =	sand.u32 $0x380, s12;
	s2 =	sand.u32 $0x400, s0;
	[tilespmem:s11+$0x0] =	vst v16  }
0xfe: {  	s6 =	sand.u32 $0x60, s14;
	s21 =	sor.u32 s4, s2;
	[tilespmem:s5+$0x0] =	vst v18  }
0xff: {  	s7 =	sadd.s32 $0x200, s21;
	s15 =	sadd.s32 $0x9200, s21;
	s5 =	sadd.s32 $0xFA00, s21;
	[tilespmem:s9+$0x0] =	vst v20  }
0x100: {  	s20 =	sadd.s32 $0xA200, s21;
	s17 =	sadd.s32 $0xDA00, s21;
	s4 =	sor.u32 s6, s7;
	[tilespmem:s10+$0x0] =	vst v17  }
0x101: {  	s18 =	sadd.s32 $0xEA00, s21;
	s19 =	sadd.s32 $0xE200, s21;
	s9 =	sadd.s32 $0xBA00, s21;
	[tilespmem:s8+$0x0] =	vst v19  }
0x102: {  	s2 =	sadd.s32 $0xAA00, s21;
	s11 =	sadd.s32 $0x9A00, s21;
	s8 =	sadd.s32 $0xC200, s21;
	[tilespmem:s3+$0x0] =	vst v22  }
0x103: {  	s13 =	sadd.s32 $0x10200, s21;
	s16 =	sadd.s32 $0x10A00, s21;
	s10 =	sadd.s32 $0xCA00, s21;
	v16 =	vld [tilespmem:s4+$0x0]  }
0x104: {  	s3 =	sadd.s32 $0xD200, s21;
	s4 =	sadd.s32 $0xB200, s21;
	s21 =	sadd.s32 $0xF200, s21  }
0x105: {  	_ =	sdelay $0x2  }
0x106: {  	v16 =	vadd.s32 $0x1, v16  }
0x107: {  	vm0 =	vgt.s32 v16, $0x0  }
0x108: {  	v16 =	vnsel vm0, $0x0, v16  }
0x109: {  	v22 =	vmin.u32 v16, $0xB  }
0x10a: {  	s23 =	sor.u32 s6, s3;
	v23 =	vperm.xlane v8, v22;
	v17 =	vperm.xlane v3, v22  }
0x10b: {  	s22 =	sor.u32 s6, s15;
	s29 =	sor.u32 s6, s13;
	s28 =	sor.u32 s6, s11;
	v18 =	vperm.xlane v10, v22;
	v21 =	vperm.xlane v7, v22  }
0x10c: {  	s24 =	sor.u32 s6, s2;
	v19 =	vperm.xlane v11, v22;
	v16 =	vperm.xlane v2, v22;
	[tilespmem:s23+$0x0] =	vst v17  }
0x10d: {  	v24 =	vperm.xlane v15, v22;
	s23 =	sor.u32 s6, s4;
	[tilespmem:s24+$0x0] =	vst v18;
	v18 =	vperm.xlane v4, v22;
	s24 =	sor.u32 s6, s5  }
0x10e: {  	s25 =	sor.u32 s6, s17;
	v17 =	vperm.xlane v12, v22;
	[tilespmem:s23+$0x0] =	vst v19;
	v19 =	vperm.xlane v13, v22  }
0x10f: {  	s26 =	sor.u32 s6, s20;
	v20 =	vperm.xlane v14, v22;
	v25 =	vperm.xlane v9, v22;
	[tilespmem:s24+$0x0] =	vst v21  }
0x110: {  	v26 =	vperm.xlane v0, v22;
	v27 =	vperm.xlane v1, v22;
	s23 =	sor.u32 s6, s9;
	s24 =	sor.u32 s6, s16;
	[tilespmem:s25+$0x0] =	vst v24  }
.Ltmp1:
0x111: {  	s30 =	sor.u32 s6, s10;
	v21 =	vperm.xlane v6, v22;
	v22 =	vperm.xlane v5, v22;
	s25 =	sor.u32 s6, s18;
	[tilespmem:s26+$0x0] =	vst v23;
	(pc) =	sbr.rel @p0 .LBB2_5-.Ltmp1, $4  }
0x112: {  	s26 =	sor.u32 s6, s19;
	[tilespmem:s24+$0x0] =	vst v25  }
0x113: {  	s24 =	sor.u32 s6, s8;
	[tilespmem:s29+$0x0] =	vst v22  }
0x114: {  	[tilespmem:s28+$0x0] =	vst v26  }
0x115: {  	s12 =	sadd.s32 $0x10, s12;
	[tilespmem:s30+$0x0] =	vst v27  }
0x116: {  	[tilespmem:s23+$0x0] =	vst v18  }
0x117: {  	[tilespmem:s22+$0x0] =	vst v21  }
0x118: {  	[tilespmem:s25+$0x0] =	vst v19  }
0x119: {  	[tilespmem:s26+$0x0] =	vst v17;
	s0 =	sor.u32 s6, s21  }
0x11a: {  	[tilespmem:s0+$0x0] =	vst v20;
	s0 =	sor.u32 $0x10, s6  }
0x11b: {  	[tilespmem:s24+$0x0] =	vst v16;
	s1 =	sor.u32 s0, s7  }
0x11c: {  	v16 =	vld [tilespmem:s1+$0x0];
	_ =	sdelay $0x4  }
0x11d: {  	v16 =	vadd.s32 $0x1, v16  }
0x11e: {  	vm0 =	vgt.s32 v16, $0x0  }
0x11f: {  	v16 =	vnsel vm0, $0x0, v16  }
0x120: {  	v16 =	vmin.u32 v16, $0xB  }
0x121: {  	v6 =	vperm.xlane v6, v16  }
0x122: {  	s15 =	sor.u32 s0, s15;
	v8 =	vperm.xlane v8, v16  }
0x123: {  	s6 =	sor.u32 s0, s20;
	v10 =	vperm.xlane v10, v16;
	[tilespmem:s15+$0x0] =	vst v6  }
0x124: {  	s22 =	sor.u32 s0, s2;
	s23 =	sor.u32 s0, s4;
	v4 =	vperm.xlane v4, v16;
	[tilespmem:s6+$0x0] =	vst v8  }
0x125: {  	s24 =	sor.u32 s0, s17;
	s25 =	sor.u32 s0, s19;
	s7 =	sor.u32 s0, s9;
	v0 =	vperm.xlane v0, v16;
	[tilespmem:s22+$0x0] =	vst v10  }
0x126: {  	s26 =	sor.u32 s0, s18;
	s4 =	sor.u32 s0, s21;
	s11 =	sor.u32 s0, s11;
	v3 =	vperm.xlane v3, v16;
	[tilespmem:s7+$0x0] =	vst v4  }
0x127: {  	s9 =	sor.u32 s0, s16;
	s12 =	sor.u32 s0, s3;
	s14 =	sor.u32 s0, s13;
	v1 =	vperm.xlane v1, v16;
	[tilespmem:s11+$0x0] =	vst v0  }
0x128: {  	v6 =	vperm.xlane v11, v16;
	s6 =	sor.u32 s0, s5;
	[tilespmem:s12+$0x0] =	vst v3;
	s15 =	sor.u32 s0, s8;
	s0 =	sor.u32 s0, s10  }
0x129: {  	v8 =	vperm.xlane v15, v16;
	[tilespmem:s0+$0x0] =	vst v1  }
0x12a: {  	v10 =	vperm.xlane v13, v16;
	[tilespmem:s23+$0x0] =	vst v6  }
0x12b: {  	v4 =	vperm.xlane v5, v16;
	[tilespmem:s24+$0x0] =	vst v8  }
0x12c: {  	v0 =	vperm.xlane v2, v16;
	[tilespmem:s26+$0x0] =	vst v10  }
0x12d: {  	s16 =	sld [smem:$0x7FA];
	v6 =	vperm.xlane v12, v16;
	[tilespmem:s14+$0x0] =	vst v4  }
0x12e: {  	v8 =	vperm.xlane v14, v16;
	[tilespmem:s15+$0x0] =	vst v0  }
0x12f: {  	[tilespmem:s25+$0x0] =	vst v6;
	v6 =	vperm.xlane v7, v16  }
0x130: {  	s17 =	rddreg [dreg:$0x2];
	s18 =	simm.s32 $0x800;
	s1 =	sor.u32 s16, s31;
	[tilespmem:s4+$0x0] =	vst v8;
	v7 =	vperm.xlane v9, v16  }
0x131: {  	s19 =	simm.s32 $0x10000;
	s21 =	sld [smem:$0x7F4];
	s1 =	sshrl.u32 s1, $0x3;
	[tilespmem:s6+$0x0] =	vst v6  }
0x132: {  	s20 =	simm.s32 $0x9200;
	s22 =	sld [smem:$0x7FB];
	s0 =	sadd.s32 s17, s1;
	[tilespmem:s9+$0x0] =	vst v7  }
0x133: {  	[hbm4b:s0+s18] =	stream.strided.scatter [tilespmem:s20], [sflag:$0x4], $0x8000, s19, s18, $0x38;
	[tilespmem:$0x11200] =	vst v63  }
0x134: {  	s0 =	smin.u32 s21, $0x1D  }
0x135: {  	s0 =	sshll.u32 s0, $0xB  }
0x136: {  	[smem:$0x7E9] =	sst s31;
	s0 =	sadd.s32 s0, s22  }
0x137: {  	s23 =	rddreg [dreg:$0x0];
	s24 =	simm.s32 $0x0;
	s0 =	sshrl.u32 s0, $0x3  }
0x138: {  	s26 =	simm.s32 $0x2;
	s25 =	simm.s32 $0x200;
	s0 =	sadd.s32 s23, s0  }
0x139: {  	[tilespmem:s25], [sflag:$0x1] =	stream.linear.gather [hbm4b:s0+s24], $0x800, $0x38;
	[tilespmem:$0x11200] =	vst v63  }
0x13a: {  	_ =	swait.ge [sflag:s26], $0x800  }
0x13b: {  	[sflag:s26] =	ssyncset.done $0x0  }
0x13c: {  	s2 =	simm.s32 $0x3;
	[sflag:s26] =	ssyncadd.s32 $0xFFFFF800  }
0x13d: {  	_ =	swait.ge [sflag:s2], $0x8000  }
0x13e: {  	[sflag:s2] =	ssyncset.done $0x0  }
0x13f: {  	[sflag:s2] =	ssyncadd.s32 $0xFFFF8000  }
0x140: {  	v7 =	vld [tilespmem:$0x0]  }
0x141: {  	v1 =	vld [tilespmem:$0x10]  }
0x142: {  	s3 =	sand.u32 $0x400, s24;
	s4 =	sand.u32 $0x380, s24;
	v8 =	vld [tilespmem:$0x20]  }
0x143: {  	s1 =	sand.u32 $0x60, s24;
	s0 =	sor.u32 s4, s3;
	v0 =	vld [tilespmem:$0x30]  }
0x144: {  	s5 =	sor.u32 s1, s0;
	v9 =	vld [tilespmem:$0x40]  }
0x145: {  	v4 =	vld [tilespmem:s5+$0xA00]  }
0x146: {  	v6 =	vld [tilespmem:$0x50]  }
0x147: {  	v12 =	vld [tilespmem:$0x60]  }
0x148: {  	v13 =	vld [tilespmem:$0x70]  }
0x149: {  	v3 =	vld [tilespmem:$0x80]  }
0x14a: {  	v2 =	vld [tilespmem:$0xC0];
	v4 =	vadd.s32 $0x1, v4  }
0x14b: {  	v14 =	vld [tilespmem:$0x90];
	vm14 =	vgt.s32 v4, $0x0  }
0x14c: {  	v11 =	vld [tilespmem:$0xA0];
	v4 =	vnsel vm14, $0x0, v4  }
0x14d: {  	v5 =	vld [tilespmem:$0xB0];
	v16 =	vmin.u32 v4, $0xB  }
0x14e: {  	v10 =	vld [tilespmem:$0xD0];
	v17 =	vperm.xlane v7, v16  }
0x14f: {  	s2 =	sadd.s32 $0x7200, s0;
	v15 =	vld [tilespmem:$0xF0];
	v18 =	vperm.xlane v2, v16  }
0x150: {  	s3 =	sadd.s32 $0x1A00, s0;
	s6 =	sor.u32 s1, s2;
	v4 =	vld [tilespmem:$0xE0];
	v19 =	vperm.xlane v1, v16;
	[tilespmem:s5+$0x1200] =	vst v17  }
0x151: {  	s4 =	sadd.s32 $0x3A00, s0;
	s7 =	sor.u32 s1, s3;
	v17 =	vperm.xlane v6, v16;
	[tilespmem:s6+$0x0] =	vst v18  }
0x152: {  	s9 =	sadd.s32 $0x2A00, s0;
	s8 =	sor.u32 s1, s4;
	v18 =	vperm.xlane v0, v16;
	[tilespmem:s7+$0x0] =	vst v19  }
0x153: {  	s10 =	sor.u32 s1, s9;
	s7 =	sadd.s32 $0x6A00, s0;
	v19 =	vperm.xlane v5, v16;
	[tilespmem:s8+$0x0] =	vst v17  }
0x154: {  	s28 =	simm.s32 $0x100;
	s11 =	sadd.s32 $0x2200, s0;
	s21 =	sor.u32 s1, s7;
	v17 =	vperm.xlane v8, v16;
	[tilespmem:s10+$0x0] =	vst v18  }
0x155: {  	s12 =	sadd.s32 $0x6200, s0;
	s22 =	sor.u32 s1, s11;
	s10 =	sadd.s32 $0x5200, s0;
	v18 =	vperm.xlane v3, v16;
	[tilespmem:s21+$0x0] =	vst v19  }
0x156: {  	s25 =	sadd.s32 $0x3200, s0;
	s14 =	sadd.s32 $0x7A00, s0;
	s23 =	sor.u32 s1, s10;
	v19 =	vperm.xlane v11, v16;
	[tilespmem:s22+$0x0] =	vst v17  }
0x157: {  	s13 =	sadd.s32 $0x8A00, s0;
	s24 =	sor.u32 s1, s12;
	s15 =	sor.u32 s1, s25;
	v17 =	vperm.xlane v9, v16;
	[tilespmem:s23+$0x0] =	vst v18  }
0x158: {  	s17 =	sor.u32 s1, s14;
	s18 =	sor.u32 s1, s13;
	s26 =	sadd.s32 $0x4A00, s0;
	v18 =	vperm.xlane v13, v16;
	[tilespmem:s24+$0x0] =	vst v19  }
0x159: {  	s16 =	sor.u32 s1, s26;
	s21 =	sadd.s32 $0x4200, s0;
	s22 =	sor.u32 $0x10, s1;
	v19 =	vperm.xlane v10, v16;
	[tilespmem:s15+$0x0] =	vst v17  }
0x15a: {  	s23 =	sor.u32 s22, s11;
	s24 =	sor.u32 s22, s25;
	s25 =	sor.u32 s22, s0;
	v17 =	vperm.xlane v15, v16;
	[tilespmem:s16+$0x0] =	vst v18  }
0x15b: {  	s26 =	sor.u32 s22, s26;
	s8 =	sor.u32 s22, s3;
	s16 =	sadd.s32 $0x8200, s0;
	v18 =	vperm.xlane v4, v16;
	[tilespmem:s17+$0x0] =	vst v19  }
0x15c: {  	s6 =	sor.u32 s22, s4;
	s15 =	sadd.s32 $0x5A00, s0;
	s19 =	sor.u32 s1, s16;
	v19 =	vperm.xlane v14, v16;
	[tilespmem:s18+$0x0] =	vst v17  }
0x15d: {  	s5 =	sor.u32 s22, s12;
	s4 =	sor.u32 s22, s9;
	s20 =	sor.u32 s1, s15;
	v16 =	vperm.xlane v12, v16;
	[tilespmem:s19+$0x0] =	vst v18  }
0x15e: {  	s12 =	sor.u32 s22, s13;
	s29 =	sor.u32 s22, s10;
	s1 =	sor.u32 s1, s21;
	[tilespmem:s20+$0x0] =	vst v19  }
0x15f: {  	s13 =	simm.s32 $0x10;
	s30 =	sor.u32 s22, s7;
	s31 =	sor.u32 s22, s2;
	[tilespmem:s1+$0x0] =	vst v16  }
0x160: {  	s0 =	sor.u32 s22, s14;
	s14 =	sand.u32 $0x400, s28;
	s3 =	sand.u32 $0x380, s13;
	v16 =	vld [tilespmem:s25+$0xA00]  }
0x161: {  	s11 =	sor.u32 s22, s15;
	s15 =	simm.s32 $0x20;
	s17 =	sor.u32 s22, s16  }
0x162: {  	s2 =	sor.u32 s3, s14;
	s18 =	sor.u32 s22, s21;
	[dreg:$0xe] =	wrdreg s17  }
0x163: {  	s19 =	simm.s32 $0x20;
	s10 =	sand.u32 $0x60, s15;
	s3 =	sadd.s32 $0x3200, s2  }
0x164: {  	s7 =	sadd.s32 $0x5A00, s2;
	s9 =	sadd.s32 $0x3A00, s2;
	s14 =	sadd.s32 $0x6200, s2  }
0x165: {  	[dreg:$0x10] =	wrdreg s19;
	s20 =	sadd.s32 $0x4200, s2;
	s21 =	sor.u32 $0x10, s10;
	v16 =	vadd.s32 $0x1, v16  }
0x166: {  	s22 =	sor.u32 s10, s3;
	s13 =	sor.u32 s10, s7;
	s17 =	sor.u32 s10, s9;
	vm15 =	vgt.s32 v16, $0x0  }
0x167: {  	[dreg:$0x12] =	wrdreg s22;
	s15 =	sor.u32 s10, s20;
	s16 =	sor.u32 s21, s3;
	v16 =	vnsel vm15, $0x0, v16  }
0x168: {  	s19 =	sor.u32 s21, s20;
	[dreg:$0xc] =	wrdreg s13;
	s22 =	sor.u32 s21, s7;
	v19 =	vmin.u32 v16, $0xB  }
0x169: {  	[dreg:$0x18] =	wrdreg s17;
	s1 =	sor.u32 s21, s9;
	s20 =	sor.u32 s10, s14;
	v16 =	vperm.xlane v7, v19  }
0x16a: {  	s3 =	sor.u32 s21, s14;
	s14 =	sadd.s32 $0x4A00, s2;
	[dreg:$0x16] =	wrdreg s20;
	v17 =	vperm.xlane v8, v19  }
0x16b: {  	s20 =	sadd.s32 $0x2200, s2;
	s9 =	sor.u32 s10, s14;
	[tilespmem:s25+$0x1200] =	vst v16;
	s25 =	sadd.s32 $0x8A00, s2  }
0x16c: {  	[dreg:$0x1a] =	wrdreg s9;
	v16 =	vperm.xlane v9, v19;
	[tilespmem:s23+$0x0] =	vst v17;
	s23 =	sor.u32 s21, s14;
	s17 =	sor.u32 s10, s25  }
0x16d: {  	v17 =	vperm.xlane v12, v19;
	s7 =	sor.u32 s21, s25;
	s25 =	sor.u32 s21, s20;
	[dreg:$0x14] =	wrdreg s17  }
0x16e: {  	v18 =	vperm.xlane v0, v19;
	[tilespmem:s24+$0x0] =	vst v16;
	s24 =	sadd.s32 $0x7200, s2;
	[dreg:$0x7] =	wrdreg s25;
	s17 =	sor.u32 s10, s20  }
0x16f: {  	v16 =	vperm.xlane v13, v19;
	[tilespmem:s18+$0x0] =	vst v17;
	s18 =	sadd.s32 $0x1A00, s2;
	[dreg:$0x1f] =	wrdreg s17;
	s20 =	sor.u32 s10, s24  }
0x170: {  	[tilespmem:s4+$0x0] =	vst v18;
	v17 =	vperm.xlane v14, v19;
	s25 =	sadd.s32 $0x5200, s2;
	s24 =	sor.u32 s21, s24;
	[dreg:$0x1c] =	wrdreg s20  }
0x171: {  	s14 =	sor.u32 s21, s25;
	s17 =	sadd.s32 $0x2A00, s2;
	[tilespmem:s26+$0x0] =	vst v16;
	v16 =	vperm.xlane v6, v19;
	[dreg:$0x1e] =	wrdreg s24  }
0x172: {  	[tilespmem:s11+$0x0] =	vst v17;
	v17 =	vperm.xlane v11, v19;
	s20 =	sor.u32 s21, s18;
	s26 =	sadd.s32 $0x6A00, s2;
	[smem:$0x7EA] =	sst s14  }
0x173: {  	s24 =	sor.u32 s21, s17;
	s14 =	sor.u32 s10, s17;
	s17 =	simm.s32 $0x2;
	[tilespmem:s6+$0x0] =	vst v16;
	v16 =	vperm.xlane v1, v19  }
0x174: {  	s9 =	sor.u32 s21, s26;
	s13 =	sor.u32 s10, s26;
	s6 =	sor.u32 s10, s18;
	[tilespmem:s5+$0x0] =	vst v17;
	v17 =	vperm.xlane v15, v19  }
0x175: {  	s5 =	sor.u32 s10, s25;
	s18 =	sadd.s32 $0x7A00, s2;
	s25 =	sadd.s32 $0x8200, s2;
	[tilespmem:s8+$0x0] =	vst v16;
	v16 =	vperm.xlane v10, v19  }
0x176: {  	v18 =	vperm.xlane v2, v19;
	s26 =	sor.u32 s21, s18;
	[tilespmem:s12+$0x0] =	vst v17;
	s12 =	sor.u32 s10, s18;
	v17 =	vperm.xlane v5, v19;
	s8 =	sor.u32 s10, s25  }
0x177: {  	s25 =	sor.u32 s21, s25;
	s18 =	simm.s32 $0x20;
	[tilespmem:s0+$0x0] =	vst v16;
	v16 =	vperm.xlane v3, v19;
	s0 =	sor.u32 s10, s2;
	v19 =	vperm.xlane v4, v19  }
.LBB2_7:
0x178: {  	[smem:$0x7E1] =	sst s1  }
0x179: {  	s1 =	rddreg [dreg:$0xe]  }
0x17a: {  	[tilespmem:s1+$0x0] =	vst v19  }
0x17b: {  	[smem:$0x7E6] =	sst s26;
	[tilespmem:s29+$0x0] =	vst v16  }
0x17c: {  	[smem:$0x7E3] =	sst s20;
	[tilespmem:s30+$0x0] =	vst v17  }
0x17d: {  	[smem:$0x7E0] =	sst s19;
	[tilespmem:s31+$0x0] =	vst v18  }
0x17e: {  	[smem:$0x7E7] =	sst s24;
	v16 =	vld [tilespmem:s0+$0xA00]  }
0x17f: {  	[smem:$0x7E2] =	sst s3  }
0x180: {  	s10 =	rddreg [dreg:$0x10]  }
0x181: {  	s11 =	sld [smem:$0x7EA]  }
0x182: {  	s24 =	rddreg [dreg:$0x1e]  }
0x183: {  	s20 =	smov.u32 s9;
	s9 =	rddreg [dreg:$0x18];
	v16 =	vadd.s32 $0x1, v16  }
0x184: {  	s19 =	rddreg [dreg:$0x1a];
	vm0 =	vgt.s32 v16, $0x0  }
0x185: {  	s28 =	sadd.s32 $0x100, s28;
	s3 =	smov.u32 s25;
	s25 =	rddreg [dreg:$0x14];
	v16 =	vnsel vm0, $0x0, v16  }
0x186: {  	[dreg:$0x9] =	wrdreg s28;
	v16 =	vmin.u32 v16, $0xB  }
0x187: {  	[smem:$0x7E4] =	sst s20;
	s4 =	smov.u32 s11;
	v17 =	vperm.xlane v7, v16  }
0x188: {  	[smem:$0x7E5] =	sst s4;
	v18 =	vperm.xlane v2, v16  }
0x189: {  	s4 =	rddreg [dreg:$0x1c];
	v21 =	vperm.xlane v6, v16;
	[tilespmem:s0+$0x1200] =	vst v17  }
0x18a: {  	s26 =	smov.u32 s24;
	[dreg:$0xe] =	wrdreg s3;
	v20 =	vperm.xlane v0, v16;
	[tilespmem:s4+$0x0] =	vst v18  }
0x18b: {  	s10 =	sadd.s32 $0x20, s10;
	[smem:$0x7DF] =	sst s26;
	v23 =	vperm.xlane v5, v16;
	[tilespmem:s9+$0x0] =	vst v21  }
0x18c: {  	[dreg:$0x10] =	wrdreg s10;
	v24 =	vperm.xlane v3, v16;
	[tilespmem:s14+$0x0] =	vst v20  }
0x18d: {  	s26 =	rddreg [dreg:$0xc];
	v22 =	vperm.xlane v13, v16;
	[tilespmem:s13+$0x0] =	vst v23  }
0x18e: {  	s11 =	rddreg [dreg:$0x1f];
	v25 =	vperm.xlane v15, v16;
	[tilespmem:s5+$0x0] =	vst v24  }
0x18f: {  	s20 =	sand.u32 $0x400, s28;
	v58 =	vperm.xlane v12, v16;
	s13 =	rddreg [dreg:$0x16];
	[tilespmem:s19+$0x0] =	vst v22  }
0x190: {  	s24 =	sand.u32 $0x380, s18;
	s31 =	smov.u32 s16;
	v19 =	vperm.xlane v1, v16;
	s14 =	rddreg [dreg:$0x12];
	[tilespmem:s25+$0x0] =	vst v25  }
0x191: {  	v26 =	vperm.xlane v11, v16;
	s4 =	sand.u32 $0x60, s10;
	s5 =	sor.u32 s21, s2;
	s2 =	sor.u32 s24, s20;
	[tilespmem:s15+$0x0] =	vst v58  }
0x192: {  	v17 =	vperm.xlane v8, v16;
	[tilespmem:s6+$0x0] =	vst v19;
	s0 =	sor.u32 s4, s2;
	s6 =	sadd.s32 $0x2200, s2;
	s9 =	sadd.s32 $0x4A00, s2  }
0x193: {  	v18 =	vperm.xlane v9, v16;
	[tilespmem:s13+$0x0] =	vst v26;
	s19 =	sadd.s32 $0x1A00, s2;
	s13 =	sadd.s32 $0x6A00, s2;
	s10 =	sadd.s32 $0x7A00, s2  }
0x194: {  	v20 =	vperm.xlane v14, v16;
	s15 =	sadd.s32 $0x3A00, s2;
	s24 =	sadd.s32 $0x6200, s2;
	s25 =	sadd.s32 $0x7200, s2;
	[tilespmem:s11+$0x0] =	vst v17  }
0x195: {  	v19 =	vperm.xlane v10, v16;
	s28 =	sadd.s32 $0x5A00, s2;
	s29 =	sadd.s32 $0x8A00, s2;
	[tilespmem:s14+$0x0] =	vst v18;
	s1 =	sor.u32 s4, s15  }
0x196: {  	v16 =	vperm.xlane v4, v16;
	s30 =	sadd.s32 $0x4200, s2;
	[tilespmem:s26+$0x0] =	vst v20;
	s11 =	sor.u32 s4, s24;
	[dreg:$0x18] =	wrdreg s1  }
0x197: {  	s14 =	sadd.s32 $0x5200, s2;
	s20 =	sor.u32 s4, s25;
	[tilespmem:s12+$0x0] =	vst v19;
	[dreg:$0x16] =	wrdreg s11  }
0x198: {  	s26 =	sor.u32 s4, s28;
	[tilespmem:s8+$0x0] =	vst v16;
	s12 =	sadd.s32 $0x2A00, s2;
	[dreg:$0x1c] =	wrdreg s20  }
0x199: {  	s8 =	sadd.s32 $0x8200, s2;
	[dreg:$0xc] =	wrdreg s26;
	s1 =	sor.u32 s4, s29;
	v16 =	vld [tilespmem:s5+$0xA00]  }
0x19a: {  	s11 =	sadd.s32 $0x3200, s2;
	s20 =	sor.u32 s4, s30;
	[dreg:$0x14] =	wrdreg s1  }
0x19b: {  	s21 =	sor.u32 s4, s11;
	[smem:$0x7E8] =	sst s20;
	s1 =	smov.u32 s22  }
0x19c: {  	s20 =	smov.u32 s23;
	[dreg:$0x12] =	wrdreg s21;
	s21 =	sor.u32 $0x10, s4  }
0x19d: {  	s16 =	sor.u32 s21, s6;
	s22 =	sor.u32 s21, s11;
	s23 =	sor.u32 s21, s30  }
0x19e: {  	s3 =	sor.u32 s21, s9;
	s30 =	smov.u32 s7;
	s9 =	sor.u32 s4, s9;
	v16 =	vadd.s32 $0x1, v16  }
0x19f: {  	s7 =	sor.u32 s21, s28;
	s6 =	sor.u32 s4, s6;
	[dreg:$0x1a] =	wrdreg s9;
	vm15 =	vgt.s32 v16, $0x0  }
0x1a0: {  	s11 =	sor.u32 s21, s19;
	s25 =	sor.u32 s21, s25;
	[dreg:$0x1f] =	wrdreg s6;
	v16 =	vnsel vm15, $0x0, v16  }
0x1a1: {  	s26 =	sor.u32 s21, s15;
	s15 =	sor.u32 s21, s12;
	[dreg:$0x1e] =	wrdreg s25;
	v20 =	vmin.u32 v16, $0xB  }
0x1a2: {  	s9 =	sor.u32 s21, s14;
	s6 =	sor.u32 s4, s19;
	s19 =	rddreg [dreg:$0x7];
	v16 =	vperm.xlane v7, v20  }
0x1a3: {  	s25 =	sor.u32 s21, s8;
	s8 =	sor.u32 s4, s8;
	[smem:$0x7EA] =	sst s9;
	v17 =	vperm.xlane v8, v20  }
0x1a4: {  	s9 =	sor.u32 s21, s13;
	s13 =	sor.u32 s4, s13;
	[tilespmem:s5+$0x1200] =	vst v16;
	s5 =	sor.u32 s4, s14  }
0x1a5: {  	v18 =	vperm.xlane v13, v20;
	[tilespmem:s19+$0x0] =	vst v17;
	s19 =	smov.u32 s16;
	s16 =	smov.u32 s22;
	s22 =	sld [smem:$0x7E0]  }
0x1a6: {  	v19 =	vperm.xlane v14, v20;
	s14 =	sor.u32 s4, s12;
	s12 =	sor.u32 s4, s10;
	s4 =	sld [smem:$0x7E1]  }
0x1a7: {  	s28 =	sor.u32 s21, s24;
	s24 =	sor.u32 s21, s10;
	v16 =	vperm.xlane v9, v20;
	[tilespmem:s20+$0x0] =	vst v18;
	s10 =	sld [smem:$0x7E3]  }
0x1a8: {  	s17 =	sadd.s32 $0x2, s17;
	v17 =	vperm.xlane v12, v20;
	[tilespmem:s1+$0x0] =	vst v19;
	s20 =	smov.u32 s11;
	s11 =	sld [smem:$0x7E6]  }
0x1a9: {  	v59 =	vperm.xlane v1, v20;
	v61 =	vperm.xlane v6, v20;
	s1 =	smov.u32 s26;
	s26 =	smov.u32 s24;
	s24 =	sld [smem:$0x7E7];
	[tilespmem:s31+$0x0] =	vst v16  }
0x1aa: {  	p0 =	slt.u32 s17, $0x7E;
	v60 =	vperm.xlane v0, v20;
	v62 =	vperm.xlane v11, v20;
	[dreg:$0x7] =	wrdreg s19;
	s19 =	smov.u32 s23;
	[tilespmem:s22+$0x0] =	vst v17  }
0x1ab: {  	v63 =	vperm.xlane v10, v20;
	v18 =	vperm.xlane v2, v20;
	s23 =	smov.u32 s3;
	s3 =	smov.u32 s28;
	s28 =	rddreg [dreg:$0x9];
	[tilespmem:s4+$0x0] =	vst v61  }
.Ltmp2:
0x1ac: {  	v19 =	vperm.xlane v4, v20;
	s31 =	sld [smem:$0x7DF];
	v16 =	vperm.xlane v3, v20;
	[tilespmem:s10+$0x0] =	vst v59;
	(pc) =	sbr.rel @p0 .LBB2_7-.Ltmp2, $4  }
0x1ad: {  	v17 =	vperm.xlane v5, v20;
	v20 =	vperm.xlane v15, v20;
	s22 =	smov.u32 s7;
	s7 =	sld [smem:$0x7E2];
	[tilespmem:s11+$0x0] =	vst v63  }
0x1ae: {  	[tilespmem:s24+$0x0] =	vst v60;
	s24 =	smov.u32 s15;
	s15 =	sld [smem:$0x7E8]  }
0x1af: {  	s29 =	sor.u32 s21, s29;
	[tilespmem:s30+$0x0] =	vst v20;
	s30 =	sld [smem:$0x7E4]  }
0x1b0: {  	s18 =	sadd.s32 $0x10, s18;
	[tilespmem:s7+$0x0] =	vst v62;
	s7 =	smov.u32 s29;
	s29 =	sld [smem:$0x7E5]  }
0x1b1: {  	[tilespmem:s31+$0x0] =	vst v18  }
0x1b2: {  	s4 =	rddreg [dreg:$0xe];
	[tilespmem:s30+$0x0] =	vst v17  }
0x1b3: {  	[tilespmem:s4+$0x0] =	vst v19  }
0x1b4: {  	[tilespmem:s29+$0x0] =	vst v16  }
0x1b5: {  	v16 =	vld [tilespmem:s0+$0xA00];
	_ =	sdelay $0x4  }
0x1b6: {  	v16 =	vadd.s32 $0x1, v16  }
0x1b7: {  	vm0 =	vgt.s32 v16, $0x0  }
0x1b8: {  	v16 =	vnsel vm0, $0x0, v16  }
0x1b9: {  	v16 =	vmin.u32 v16, $0xB  }
0x1ba: {  	v17 =	vperm.xlane v7, v16  }
0x1bb: {  	v18 =	vperm.xlane v2, v16  }
0x1bc: {  	s10 =	rddreg [dreg:$0x1c];
	v19 =	vperm.xlane v13, v16;
	[tilespmem:s0+$0x1200] =	vst v17  }
0x1bd: {  	s18 =	rddreg [dreg:$0x1a];
	v17 =	vperm.xlane v1, v16;
	[tilespmem:s10+$0x0] =	vst v18  }
0x1be: {  	v18 =	vperm.xlane v6, v16;
	[tilespmem:s18+$0x0] =	vst v19  }
0x1bf: {  	s11 =	rddreg [dreg:$0x18];
	v19 =	vperm.xlane v4, v16;
	[tilespmem:s6+$0x0] =	vst v17  }
0x1c0: {  	v17 =	vperm.xlane v0, v16;
	[tilespmem:s11+$0x0] =	vst v18  }
0x1c1: {  	v18 =	vperm.xlane v5, v16;
	[tilespmem:s8+$0x0] =	vst v19  }
0x1c2: {  	[tilespmem:s14+$0x0] =	vst v17;
	v17 =	vperm.xlane v8, v16  }
0x1c3: {  	[tilespmem:s13+$0x0] =	vst v18;
	v18 =	vperm.xlane v3, v16;
	s13 =	rddreg [dreg:$0x1f]  }
0x1c4: {  	[tilespmem:s13+$0x0] =	vst v17;
	v17 =	vperm.xlane v11, v16  }
0x1c5: {  	s14 =	rddreg [dreg:$0x16];
	[tilespmem:s5+$0x0] =	vst v18;
	v18 =	vperm.xlane v9, v16  }
0x1c6: {  	s17 =	rddreg [dreg:$0x12];
	[tilespmem:s14+$0x0] =	vst v17;
	v17 =	vperm.xlane v10, v16  }
0x1c7: {  	[tilespmem:s17+$0x0] =	vst v18;
	v18 =	vperm.xlane v15, v16  }
0x1c8: {  	s29 =	rddreg [dreg:$0x14];
	[tilespmem:s12+$0x0] =	vst v17;
	v17 =	vperm.xlane v14, v16  }
0x1c9: {  	s30 =	rddreg [dreg:$0xc];
	[tilespmem:s29+$0x0] =	vst v18;
	v16 =	vperm.xlane v12, v16  }
0x1ca: {  	[tilespmem:s30+$0x0] =	vst v17  }
0x1cb: {  	s31 =	sor.u32 s21, s2;
	[tilespmem:s15+$0x0] =	vst v16  }
0x1cc: {  	v16 =	vld [tilespmem:s31+$0xA00];
	_ =	sdelay $0x4  }
0x1cd: {  	v16 =	vadd.s32 $0x1, v16  }
0x1ce: {  	vm14 =	vgt.s32 v16, $0x0  }
0x1cf: {  	v16 =	vnsel vm14, $0x0, v16  }
0x1d0: {  	v16 =	vmin.u32 v16, $0xB  }
0x1d1: {  	v7 =	vperm.xlane v7, v16  }
0x1d2: {  	v8 =	vperm.xlane v8, v16  }
0x1d3: {  	s2 =	rddreg [dreg:$0x7];
	v6 =	vperm.xlane v6, v16;
	[tilespmem:s31+$0x1200] =	vst v7  }
0x1d4: {  	v0 =	vperm.xlane v0, v16;
	[tilespmem:s2+$0x0] =	vst v8  }
0x1d5: {  	v1 =	vperm.xlane v1, v16;
	[tilespmem:s1+$0x0] =	vst v6  }
0x1d6: {  	v7 =	vperm.xlane v9, v16;
	[tilespmem:s24+$0x0] =	vst v0  }
0x1d7: {  	v8 =	vperm.xlane v12, v16;
	[tilespmem:s20+$0x0] =	vst v1  }
0x1d8: {  	v9 =	vperm.xlane v13, v16;
	[tilespmem:s16+$0x0] =	vst v7  }
0x1d9: {  	v6 =	vperm.xlane v15, v16;
	[tilespmem:s19+$0x0] =	vst v8  }
0x1da: {  	s4 =	sld [smem:$0x7E9];
	v0 =	vperm.xlane v2, v16;
	[tilespmem:s23+$0x0] =	vst v9  }
0x1db: {  	s6 =	rddreg [dreg:$0x1e];
	v8 =	vperm.xlane v11, v16;
	[tilespmem:s7+$0x0] =	vst v6  }
0x1dc: {  	s5 =	sld [smem:$0x7F9];
	v1 =	vperm.xlane v3, v16;
	v3 =	vperm.xlane v5, v16;
	[tilespmem:s6+$0x0] =	vst v0  }
0x1dd: {  	v7 =	vperm.xlane v14, v16;
	[tilespmem:s3+$0x0] =	vst v8;
	s3 =	sld [smem:$0x7EA]  }
0x1de: {  	[tilespmem:s9+$0x0] =	vst v3  }
0x1df: {  	s28 =	sor.u32 $0x800, s4;
	[tilespmem:s22+$0x0] =	vst v7;
	v7 =	vperm.xlane v10, v16  }
0x1e0: {  	s10 =	simm.s32 $0x1200;
	s0 =	sor.u32 s5, s28;
	[tilespmem:s3+$0x0] =	vst v1;
	v1 =	vperm.xlane v4, v16  }
0x1e1: {  	s8 =	simm.s32 $0x800;
	s0 =	sshrl.u32 s0, $0x3;
	s7 =	rddreg [dreg:$0x2];
	[tilespmem:s26+$0x0] =	vst v7  }
0x1e2: {  	s11 =	simm.s32 $0x4;
	s0 =	sadd.s32 s7, s0;
	s9 =	simm.s32 $0x10000;
	[tilespmem:s25+$0x0] =	vst v1  }
0x1e3: {  	[hbm4b:s0+s8] =	stream.strided.scatter [tilespmem:s10], [sflag:$0x3], $0x8000, s9, s8, $0x38;
	[tilespmem:$0x11200] =	vst v63  }
0x1e4: {  	_ =	swait.ge [sflag:s11], $0x8000  }
0x1e5: {  	[sflag:s11] =	ssyncset.done $0x0  }
0x1e6: {  	[sflag:s11] =	ssyncadd.s32 $0xFFFF8000  }
0x1e7: {  	s0 =	simm.s32 $0x0;
	v7 =	vld [tilespmem:$0x100]  }
0x1e8: {  	s12 =	sand.u32 $0x400, s0;
	s13 =	sand.u32 $0x380, s0;
	v0 =	vld [tilespmem:$0x110]  }
0x1e9: {  	s14 =	sor.u32 s13, s12;
	v9 =	vld [tilespmem:$0x120]  }
0x1ea: {  	s6 =	sand.u32 $0x60, s0;
	s7 =	sadd.s32 $0xA00, s14;
	v10 =	vld [tilespmem:$0x130]  }
0x1eb: {  	v11 =	vld [tilespmem:$0x140];
	s20 =	sor.u32 s6, s7  }
0x1ec: {  	v5 =	vld [tilespmem:s20+$0x0]  }
0x1ed: {  	v4 =	vld [tilespmem:$0x150]  }
0x1ee: {  	v2 =	vld [tilespmem:$0x160]  }
0x1ef: {  	v1 =	vld [tilespmem:$0x170]  }
0x1f0: {  	v3 =	vld [tilespmem:$0x180]  }
0x1f1: {  	v15 =	vld [tilespmem:$0x190];
	v5 =	vadd.s32 $0x1, v5  }
0x1f2: {  	v13 =	vld [tilespmem:$0x1A0];
	vm15 =	vgt.s32 v5, $0x0  }
0x1f3: {  	v8 =	vld [tilespmem:$0x1F0];
	v5 =	vnsel vm15, $0x0, v5  }
0x1f4: {  	v12 =	vld [tilespmem:$0x1B0];
	v21 =	vmin.u32 v5, $0xB  }
0x1f5: {  	s3 =	sadd.s32 $0xD200, s14;
	v6 =	vld [tilespmem:$0x1D0];
	v16 =	vperm.xlane v3, v21  }
0x1f6: {  	s1 =	simm.s32 $0x0;
	s2 =	sadd.s32 $0xAA00, s14;
	v14 =	vld [tilespmem:$0x1C0];
	s21 =	sor.u32 s6, s3;
	v17 =	vperm.xlane v10, v21  }
0x1f7: {  	s13 =	simm.s32 $0x10;
	s4 =	sadd.s32 $0xB200, s14;
	s22 =	sor.u32 s6, s2;
	v5 =	vld [tilespmem:$0x1E0];
	v18 =	vperm.xlane v11, v21;
	[tilespmem:s21+$0x0] =	vst v16  }
0x1f8: {  	s16 =	sadd.s32 $0x9200, s14;
	s15 =	sadd.s32 $0x10A00, s14;
	s23 =	sor.u32 s6, s4;
	v19 =	vperm.xlane v8, v21;
	[tilespmem:s22+$0x0] =	vst v17  }
0x1f9: {  	s5 =	sadd.s32 $0xFA00, s14;
	s11 =	sadd.s32 $0x9A00, s14;
	s26 =	sor.u32 s6, s15;
	v20 =	vperm.xlane v0, v21;
	[tilespmem:s23+$0x0] =	vst v18  }
0x1fa: {  	s17 =	sadd.s32 $0xDA00, s14;
	s9 =	sadd.s32 $0xBA00, s14;
	s30 =	sor.u32 s6, s11;
	v16 =	vperm.xlane v6, v21;
	[tilespmem:s26+$0x0] =	vst v19  }
0x1fb: {  	s19 =	sadd.s32 $0xE200, s14;
	s18 =	sadd.s32 $0xEA00, s14;
	s10 =	sor.u32 s6, s5;
	v17 =	vperm.xlane v15, v21;
	[tilespmem:s30+$0x0] =	vst v20  }
0x1fc: {  	s12 =	sadd.s32 $0x10200, s14;
	s24 =	sor.u32 s6, s17;
	s20 =	sadd.s32 $0xA200, s14;
	v18 =	vperm.xlane v9, v21;
	[tilespmem:s10+$0x0] =	vst v16  }
0x1fd: {  	s8 =	sadd.s32 $0xC200, s14;
	s29 =	sor.u32 s6, s12;
	s25 =	sor.u32 s6, s20;
	v22 =	vperm.xlane v1, v21;
	[tilespmem:s24+$0x0] =	vst v17;
	v17 =	vperm.xlane v5, v21  }
0x1fe: {  	s21 =	sadd.s32 $0xF200, s14;
	s22 =	sor.u32 s6, s16;
	v19 =	vperm.xlane v12, v21;
	v20 =	vperm.xlane v14, v21;
	[tilespmem:s25+$0x0] =	vst v18;
	s10 =	sadd.s32 $0xCA00, s14  }
0x1ff: {  	s23 =	sor.u32 s6, s9;
	s26 =	sor.u32 s6, s19;
	v16 =	vperm.xlane v2, v21;
	v18 =	vperm.xlane v4, v21;
	s31 =	sor.u32 s6, s10;
	[tilespmem:s29+$0x0] =	vst v17  }
0x200: {  	s25 =	sor.u32 s6, s18;
	s24 =	sor.u32 s6, s8;
	s14 =	simm.s32 $0x0;
	v17 =	vperm.xlane v13, v21;
	v21 =	vperm.xlane v7, v21;
	[tilespmem:s31+$0x0] =	vst v22  }
.LBB2_9:
0x201: {  	s1 =	sadd.s32 $0x2, s1;
	[tilespmem:s23+$0x0] =	vst v18;
	s0 =	sadd.s32 $0x100, s0;
	s14 =	sadd.s32 $0x20, s14  }
0x202: {  	p0 =	slt.u32 s1, $0x7E;
	[tilespmem:s22+$0x0] =	vst v21  }
0x203: {  	[tilespmem:s25+$0x0] =	vst v19  }
0x204: {  	s22 =	sor.u32 s6, s21;
	[tilespmem:s26+$0x0] =	vst v17  }
0x205: {  	s6 =	sor.u32 $0x10, s6;
	[tilespmem:s22+$0x0] =	vst v20  }
0x206: {  	s7 =	sor.u32 s6, s7;
	s16 =	sor.u32 s6, s16;
	s20 =	sor.u32 s6, s20;
	[tilespmem:s24+$0x0] =	vst v16  }
0x207: {  	s18 =	sor.u32 s6, s18;
	v16 =	vld [tilespmem:s7+$0x0];
	s7 =	sor.u32 s6, s17;
	s17 =	sor.u32 s6, s19  }
0x208: {  	s21 =	sor.u32 s6, s21;
	s22 =	sor.u32 s6, s5;
	s19 =	sor.u32 s6, s9  }
0x209: {  	s5 =	sor.u32 s6, s11;
	s11 =	sor.u32 s6, s15;
	s9 =	sor.u32 s6, s3  }
0x20a: {  	s8 =	sor.u32 s6, s8;
	s3 =	sor.u32 s6, s10;
	s10 =	sor.u32 s6, s12  }
0x20b: {  	_ = 	snop  }
0x20c: {  	v16 =	vadd.s32 $0x1, v16  }
0x20d: {  	vm0 =	vgt.s32 v16, $0x0  }
0x20e: {  	v16 =	vnsel vm0, $0x0, v16  }
0x20f: {  	v16 =	vmin.u32 v16, $0xB  }
0x210: {  	v17 =	vperm.xlane v7, v16;
	v18 =	vperm.xlane v0, v16  }
0x211: {  	v19 =	vperm.xlane v9, v16;
	v20 =	vperm.xlane v10, v16  }
0x212: {  	v21 =	vperm.xlane v4, v16;
	[tilespmem:s16+$0x0] =	vst v17;
	v17 =	vperm.xlane v11, v16  }
0x213: {  	s2 =	sor.u32 s6, s2;
	v22 =	vperm.xlane v1, v16;
	[tilespmem:s20+$0x0] =	vst v19;
	v19 =	vperm.xlane v2, v16  }
0x214: {  	v23 =	vperm.xlane v15, v16;
	[tilespmem:s2+$0x0] =	vst v20;
	s2 =	sor.u32 s6, s4;
	v20 =	vperm.xlane v3, v16  }
0x215: {  	v24 =	vperm.xlane v12, v16;
	[tilespmem:s2+$0x0] =	vst v17;
	v17 =	vperm.xlane v13, v16  }
0x216: {  	v25 =	vperm.xlane v6, v16;
	[tilespmem:s7+$0x0] =	vst v23;
	v23 =	vperm.xlane v14, v16  }
0x217: {  	[tilespmem:s17+$0x0] =	vst v17;
	v17 =	vperm.xlane v5, v16;
	v16 =	vperm.xlane v8, v16  }
0x218: {  	[tilespmem:s18+$0x0] =	vst v24  }
0x219: {  	[tilespmem:s21+$0x0] =	vst v23  }
0x21a: {  	[tilespmem:s22+$0x0] =	vst v25  }
0x21b: {  	[tilespmem:s19+$0x0] =	vst v21  }
0x21c: {  	s4 =	sand.u32 $0x380, s13;
	s2 =	sand.u32 $0x400, s0;
	[tilespmem:s11+$0x0] =	vst v16  }
0x21d: {  	s6 =	sand.u32 $0x60, s14;
	s21 =	sor.u32 s4, s2;
	[tilespmem:s5+$0x0] =	vst v18  }
0x21e: {  	s7 =	sadd.s32 $0xA00, s21;
	s16 =	sadd.s32 $0x9200, s21;
	s5 =	sadd.s32 $0xFA00, s21;
	[tilespmem:s9+$0x0] =	vst v20  }
0x21f: {  	s20 =	sadd.s32 $0xA200, s21;
	s17 =	sadd.s32 $0xDA00, s21;
	s4 =	sor.u32 s6, s7;
	[tilespmem:s10+$0x0] =	vst v17  }
0x220: {  	s18 =	sadd.s32 $0xEA00, s21;
	s19 =	sadd.s32 $0xE200, s21;
	s9 =	sadd.s32 $0xBA00, s21;
	[tilespmem:s8+$0x0] =	vst v19  }
0x221: {  	s2 =	sadd.s32 $0xAA00, s21;
	s11 =	sadd.s32 $0x9A00, s21;
	s8 =	sadd.s32 $0xC200, s21;
	[tilespmem:s3+$0x0] =	vst v22  }
0x222: {  	s12 =	sadd.s32 $0x10200, s21;
	s15 =	sadd.s32 $0x10A00, s21;
	s10 =	sadd.s32 $0xCA00, s21;
	v16 =	vld [tilespmem:s4+$0x0]  }
0x223: {  	s3 =	sadd.s32 $0xD200, s21;
	s4 =	sadd.s32 $0xB200, s21;
	s21 =	sadd.s32 $0xF200, s21  }
0x224: {  	_ =	sdelay $0x2  }
0x225: {  	v16 =	vadd.s32 $0x1, v16  }
0x226: {  	vm0 =	vgt.s32 v16, $0x0  }
0x227: {  	v16 =	vnsel vm0, $0x0, v16  }
0x228: {  	v22 =	vmin.u32 v16, $0xB  }
0x229: {  	s23 =	sor.u32 s6, s3;
	v23 =	vperm.xlane v9, v22;
	v17 =	vperm.xlane v3, v22  }
0x22a: {  	s22 =	sor.u32 s6, s16;
	s30 =	sor.u32 s6, s12;
	s29 =	sor.u32 s6, s11;
	v18 =	vperm.xlane v10, v22;
	v21 =	vperm.xlane v6, v22  }
0x22b: {  	s24 =	sor.u32 s6, s2;
	v19 =	vperm.xlane v11, v22;
	v16 =	vperm.xlane v2, v22;
	[tilespmem:s23+$0x0] =	vst v17  }
0x22c: {  	v24 =	vperm.xlane v15, v22;
	s23 =	sor.u32 s6, s4;
	[tilespmem:s24+$0x0] =	vst v18;
	v18 =	vperm.xlane v4, v22;
	s24 =	sor.u32 s6, s5  }
0x22d: {  	s25 =	sor.u32 s6, s17;
	v17 =	vperm.xlane v13, v22;
	[tilespmem:s23+$0x0] =	vst v19;
	v19 =	vperm.xlane v12, v22  }
0x22e: {  	s26 =	sor.u32 s6, s20;
	v20 =	vperm.xlane v14, v22;
	v25 =	vperm.xlane v8, v22;
	[tilespmem:s24+$0x0] =	vst v21  }
0x22f: {  	v26 =	vperm.xlane v0, v22;
	v27 =	vperm.xlane v1, v22;
	s23 =	sor.u32 s6, s9;
	s24 =	sor.u32 s6, s15;
	[tilespmem:s25+$0x0] =	vst v24  }
.Ltmp3:
0x230: {  	s31 =	sor.u32 s6, s10;
	v21 =	vperm.xlane v7, v22;
	v22 =	vperm.xlane v5, v22;
	s25 =	sor.u32 s6, s18;
	[tilespmem:s26+$0x0] =	vst v23;
	(pc) =	sbr.rel @p0 .LBB2_9-.Ltmp3, $4  }
0x231: {  	s26 =	sor.u32 s6, s19;
	[tilespmem:s24+$0x0] =	vst v25  }
0x232: {  	s24 =	sor.u32 s6, s8;
	[tilespmem:s30+$0x0] =	vst v22  }
0x233: {  	[tilespmem:s29+$0x0] =	vst v26  }
0x234: {  	s13 =	sadd.s32 $0x10, s13;
	[tilespmem:s31+$0x0] =	vst v27  }
0x235: {  	[tilespmem:s23+$0x0] =	vst v18  }
0x236: {  	[tilespmem:s22+$0x0] =	vst v21  }
0x237: {  	[tilespmem:s25+$0x0] =	vst v19  }
0x238: {  	[tilespmem:s26+$0x0] =	vst v17  }
0x239: {  	s0 =	sor.u32 s6, s21;
	s23 =	sor.u32 $0x10, s6;
	[tilespmem:s24+$0x0] =	vst v16  }
0x23a: {  	[tilespmem:s0+$0x0] =	vst v20;
	s1 =	sor.u32 s23, s7  }
0x23b: {  	v16 =	vld [tilespmem:s1+$0x0];
	_ =	sdelay $0x4  }
0x23c: {  	v16 =	vadd.s32 $0x1, v16  }
0x23d: {  	vm0 =	vgt.s32 v16, $0x0  }
0x23e: {  	v16 =	vnsel vm0, $0x0, v16  }
0x23f: {  	v16 =	vmin.u32 v16, $0xB  }
0x240: {  	v7 =	vperm.xlane v7, v16  }
0x241: {  	s25 =	sor.u32 s23, s16;
	v9 =	vperm.xlane v9, v16  }
0x242: {  	s26 =	sor.u32 s23, s20;
	v55 =	vperm.xlane v10, v16;
	[tilespmem:s25+$0x0] =	vst v7  }
0x243: {  	s29 =	sor.u32 s23, s2;
	v56 =	vperm.xlane v11, v16;
	[tilespmem:s26+$0x0] =	vst v9  }
0x244: {  	s30 =	sor.u32 s23, s4;
	v57 =	vperm.xlane v15, v16;
	[tilespmem:s29+$0x0] =	vst v55  }
0x245: {  	s31 =	sor.u32 s23, s17;
	v58 =	vperm.xlane v13, v16;
	[tilespmem:s30+$0x0] =	vst v56  }
0x246: {  	s2 =	sor.u32 s23, s19;
	v59 =	vperm.xlane v12, v16;
	[tilespmem:s31+$0x0] =	vst v57  }
0x247: {  	s4 =	sor.u32 s23, s18;
	v60 =	vperm.xlane v14, v16;
	[tilespmem:s2+$0x0] =	vst v58  }
0x248: {  	s6 =	sor.u32 s23, s21;
	v6 =	vperm.xlane v6, v16;
	[tilespmem:s4+$0x0] =	vst v59  }
0x249: {  	s7 =	sor.u32 s23, s5;
	v4 =	vperm.xlane v4, v16;
	[tilespmem:s6+$0x0] =	vst v60  }
0x24a: {  	s13 =	sor.u32 s23, s9;
	v61 =	vperm.xlane v8, v16;
	[tilespmem:s7+$0x0] =	vst v6  }
0x24b: {  	s14 =	sor.u32 s23, s15;
	v0 =	vperm.xlane v0, v16;
	[tilespmem:s13+$0x0] =	vst v4  }
0x24c: {  	s15 =	sor.u32 s23, s11;
	s19 =	sld [smem:$0x7FA];
	v3 =	vperm.xlane v3, v16;
	[tilespmem:s14+$0x0] =	vst v61  }
0x24d: {  	s16 =	sor.u32 s23, s3;
	v62 =	vperm.xlane v5, v16;
	[tilespmem:s15+$0x0] =	vst v0  }
0x24e: {  	s22 =	simm.s32 $0x800;
	s24 =	simm.s32 $0x9200;
	s17 =	sor.u32 s23, s12;
	v2 =	vperm.xlane v2, v16;
	[tilespmem:s16+$0x0] =	vst v3  }
0x24f: {  	s18 =	sor.u32 s23, s8;
	s21 =	rddreg [dreg:$0x2];
	v63 =	vperm.xlane v1, v16;
	[tilespmem:s17+$0x0] =	vst v62;
	s2 =	sor.u32 s19, s28  }
0x250: {  	s0 =	sor.u32 s23, s10;
	[tilespmem:s18+$0x0] =	vst v2;
	s31 =	sld [smem:$0x7F3];
	s20 =	sshrl.u32 s2, $0x3  }
0x251: {  	s23 =	simm.s32 $0x10000;
	[tilespmem:s0+$0x0] =	vst v63;
	s25 =	sld [smem:$0x7F4];
	s0 =	sadd.s32 s21, s20  }
0x252: {  	[hbm4b:s0+s22] =	stream.strided.scatter [tilespmem:s24], [sflag:$0x4], $0x8000, s23, s22, $0x38;
	[tilespmem:$0x11200] =	vst v63  }
0x253: {  	s26 =	sld [smem:$0x7FC];
	s21 =	sadd.s32 $0x1, s31  }
0x254: {  	s0 =	smin.u32 s25, $0x1C;
	p0 =	sne.s32 s21, $0x10  }
.Ltmp4:
0x255: {  	s0 =	sshll.u32 s0, $0xB;
	(pc) =	sbr.rel @p0 .LBB2_2-.Ltmp4, $4  }
0x256: {  	s0 =	sadd.s32 s0, s26  }
0x257: {  	s28 =	rddreg [dreg:$0x0];
	s0 =	sshrl.u32 s0, $0x3  }
0x258: {  	s29 =	simm.s32 $0x0;
	s30 =	simm.s32 $0xA00;
	s0 =	sadd.s32 s28, s0  }
0x259: {  	[tilespmem:s30], [sflag:$0x2] =	stream.linear.gather [hbm4b:s0+s29], $0x800, $0x38;
	[tilespmem:$0x11200] =	vst v63  }
0x25a: {  	s0 =	simm.s32 $0x3  }
0x25b: {  	_ =	swait.ge [sflag:s0], $0x8000  }
0x25c: {  	[sflag:s0] =	ssyncset.done $0x0  }
0x25d: {  	s29 =	simm.s32 $0x4;
	[sflag:s0] =	ssyncadd.s32 $0xFFFF8000  }
0x25e: {  	_ =	swait.ge [sflag:s29], $0x8000  }
0x25f: {  	[sflag:s29] =	ssyncset.done $0x0  }
0x260: {  	s30 =	simm.s32 $0x1;
	[sflag:s29] =	ssyncadd.s32 $0xFFFF8000  }
0x261: {  	_ =	swait.ge [sflag:s30], $0x800  }
0x262: {  	[sflag:s30] =	ssyncset.done $0x0  }
0x263: {  	s1 =	simm.s32 $0x2;
	[sflag:s30] =	ssyncadd.s32 $0xFFFFF800  }
0x264: {  	_ =	swait.ge [sflag:s1], $0x800  }
0x265: {  	s2 =	sld [smem:$0x7F5]  }
0x266: {  	s31 =	sld [smem:$0x7FD];
	_ =	sdelay $0x1  }
0x267: {  	s2 =	sadd.s32 $0x1, s2  }
0x268: {  	p0 =	sne.s32 s2, s31  }
.Ltmp5:
0x269: {  	_ = 	snop;
	(pc) =	sbr.rel @p0 .LBB2_1-.Ltmp5, $3  }
0x26a: {  	_ =	sdelay $0x1  }
0x26b: {  	[sflag:s1] =	ssyncset.done $0x0  }
0x26c: {  	[sflag:s1] =	ssyncadd.s32 $0xFFFFF800  }
0x26d: {  	_ =	sfence.sel $0x180000  }
0x26e: {  	[bflag:$0x0] =	sbarrier.arrive $0xFFFF  }
0x26f: {  	_ =	strace $0x90000047  }
0x270: {  	s0 =	stileid.u32;
	[bflag:$0x2] =	sbarrier.arrive $0xFFFF  }
0x271: {  	p0 =	sne.s32 s0, $0x0;
	s0 =	rddreg [dreg:$0x3]  }
0x272: {  	s0 =	sadd.s32 @!p0 $0x100000, s0  }
0x273: {  	[sflag:s0] =	ssyncadd.tile.s32 @!p0 $0x1;
	_ =	shalt  }
.Lfunc_end2:
_tile_overlayer_lowered:
.L_overlay_start_2:
0x274: {  	(tag) =	ssettag $0x2  }
0x275: {  	s0 =	rddreg [dreg:$0x0];
	s2 =	stileid.u32  }
0x276: {  	s1 =	rddreg [dreg:$0x1];
	p0 =	sne.s32 s2, $0x0  }
0x277: {  	s3 =	rddreg [dreg:$0x2];
	[bflag:$0x3] =	sbarrier.arrive $0xFFFF;
	s2 =	simm.s32 @!p0 $0x1C05  }
0x278: {  	[timem:s3], [sflag:s2] =	dma.local @!p0 [hbm:s0], s1  }
0x279: {  	s0 =	simm.s32 @!p0 $0x5  }
0x27a: {  	_ =	swait.ge @!p0 [sflag:s0], s1  }
0x27b: {  	s1 =	ssub.s32 @!p0 $0x0, s1;
	[sflag:s0] =	ssyncset.done @!p0 $0x0  }
0x27c: {  	[sflag:s0] =	ssyncadd.s32 @!p0 s1  }
0x27d: {  	[bflag:$0x3] =	sbarrier.arrive $0xFFFF  }
0x27e: {  	_ =	shalt  }

</sc_bundles>
